<compile_context>
chip_gen: v7x
topology: tpu7x:2x2x1
jax: 0.10.2.dev20260603
libtpu: 0.0.44.dev20260713+nightly
codegen_flags: <defaults>
</compile_context>

<pallas_src>
import functools

import jax
import jax.numpy as jnp
from jax import lax
from jax.experimental import pallas as pl
from jax.experimental.pallas import tpu as pltpu
from jax.experimental.pallas import tpu_sc as plsc

NC = 2
NS = 16
LANES = 16
CH = 80


def _mesh():
    return plsc.VectorSubcoreMesh(core_axis_name="c", subcore_axis_name="s")


def _npad(n_nodes):
    return -(-n_nodes // (NS * CH)) * (NS * CH)


def _zero_fill(buf, rows_n, width):
    zero16 = jnp.zeros((LANES,), jnp.float32)

    def zstore(t, carry):
        r = t // (width // LANES)
        c = (t % (width // LANES)) * LANES
        buf[r, pl.ds(c, LANES)] = zero16
        return carry

    lax.fori_loop(0, rows_n * (width // LANES), zstore, 0)


def _sc_gather_x(x, ei, ej, n_nodes, d):
    e = ei.shape[0]
    nw = NC * NS
    epw = e // nw
    nch = epw // CH
    npad = _npad(n_nodes)
    rpt = npad // NS

    @functools.partial(
        pl.kernel,
        out_type=jax.ShapeDtypeStruct((NC, npad, d), jnp.float32),
        mesh=_mesh(),
        compiler_params=pltpu.CompilerParams(use_tc_tiling_on_sc=True),
        scratch_types=[
            pltpu.VMEM_SHARED((npad, d), jnp.float32),
            [pltpu.VMEM((CH,), jnp.int32) for _ in range(8)],
            [pltpu.VMEM((CH,), jnp.int32) for _ in range(8)],
            [pltpu.VMEM((CH, d), jnp.float32) for _ in range(4)],
            [pltpu.SemaphoreType.DMA for _ in range(8)],
            [pltpu.SemaphoreType.DMA for _ in range(4)],
            [pltpu.SemaphoreType.DMA for _ in range(4)],
            pltpu.SemaphoreType.DMA,
        ],
    )
    def sc_fn(x_hbm, i_hbm, j_hbm, ax_out,
              ax_acc, ibuf, jbuf, rows, isem, gsem, osem, sem):
        cid = lax.axis_index("c")
        sid = lax.axis_index("s")
        wid = cid * NS + sid

        _zero_fill(rows[0], CH, d)
        r0 = sid * rpt
        nz = rpt // CH
        for z in range(nz):
            pltpu.async_copy(rows[0], ax_acc.at[pl.ds(r0 + z * CH, CH), :],
                             sem)
        for z in range(nz):
            pltpu.make_async_copy(
                rows[0], ax_acc.at[pl.ds(r0 + z * CH, CH), :], sem).wait()

        plsc.subcore_barrier()

        ebase = wid * epw

        def issue_idx(k, p8):
            pltpu.async_copy(i_hbm.at[pl.ds(ebase + k * CH, CH)], ibuf[p8],
                             isem[p8])
            pltpu.async_copy(j_hbm.at[pl.ds(ebase + k * CH, CH)], jbuf[p8],
                             isem[p8])

        def drain_idx(p8):
            pltpu.make_async_copy(i_hbm.at[pl.ds(0, CH)], ibuf[p8],
                                  isem[p8]).wait()
            pltpu.make_async_copy(j_hbm.at[pl.ds(0, CH)], jbuf[p8],
                                  isem[p8]).wait()

        def issue_in(p8, p4):
            pltpu.async_copy(x_hbm.at[jbuf[p8]], rows[p4], gsem[p4])

        def drain_in(p8, p4):
            pltpu.make_async_copy(x_hbm.at[jbuf[p8]], rows[p4],
                                  gsem[p4]).wait()

        def issue_out(p8, p4):
            pltpu.async_copy(rows[p4], ax_acc.at[ibuf[p8]], osem[p4],
                             add=True)

        def drain_out(p8, p4):
            pltpu.make_async_copy(rows[p4], ax_acc.at[ibuf[p8]],
                                  osem[p4]).wait()

        for k0 in range(4):
            issue_idx(k0, k0)
        drain_idx(0)
        issue_in(0, 0)
        drain_idx(1)
        issue_in(1, 1)

        def step(it, carry):
            for b8 in range(8):
                k = it * 8 + b8
                b4 = b8 % 4

                @pl.when(k < nch)
                def _():
                    drain_in(b8, b4)
                    issue_out(b8, b4)

                    @pl.when(k >= 2)
                    def _():
                        drain_out((b8 - 2) % 8, (b4 - 2) % 4)

                    @pl.when(k + 2 < nch)
                    def _():
                        drain_idx((b8 + 2) % 8)
                        issue_in((b8 + 2) % 8, (b4 + 2) % 4)

                    @pl.when(k + 4 < nch)
                    def _():
                        issue_idx(k + 4, (b8 + 4) % 8)
            return carry

        lax.fori_loop(0, -(-nch // 8), step, 0)

        for kk in (nch - 2, nch - 1):
            drain_out(kk % 8, kk % 4)

        plsc.subcore_barrier()

        pltpu.async_copy(ax_acc.at[pl.ds(r0, rpt), :],
                         ax_out.at[cid, pl.ds(r0, rpt), :], sem)
        pltpu.make_async_copy(ax_acc.at[pl.ds(r0, rpt), :],
                              ax_out.at[cid, pl.ds(r0, rpt), :], sem).wait()

    return sc_fn(x, ei, ej)


def _sc_attr(ei, attr, n_nodes):
    e = ei.shape[0]
    ed = attr.shape[1]
    nw = NC * NS
    epw = e // nw
    nch = epw // CH
    npad = _npad(n_nodes)
    rpt = npad // NS

    @functools.partial(
        pl.kernel,
        out_type=(
            jax.ShapeDtypeStruct((NC, npad, ed), jnp.float32),
            jax.ShapeDtypeStruct((NC, npad, LANES), jnp.float32),
        ),
        mesh=_mesh(),
        compiler_params=pltpu.CompilerParams(use_tc_tiling_on_sc=False),
        scratch_types=[
            pltpu.VMEM_SHARED((npad, ed), jnp.float32),
            pltpu.VMEM_SHARED((npad, LANES), jnp.float32),
            [pltpu.VMEM((CH,), jnp.int32) for _ in range(8)],
            [pltpu.VMEM((CH, ed), jnp.float32) for _ in range(4)],
            pltpu.VMEM((CH, LANES), jnp.float32),
            [pltpu.SemaphoreType.DMA for _ in range(8)],
            [pltpu.SemaphoreType.DMA for _ in range(4)],
            [pltpu.SemaphoreType.DMA for _ in range(4)],
            pltpu.SemaphoreType.DMA,
        ],
    )
    def sc_fn(i_hbm, attr_hbm, s_out, deg_out,
              s_acc, deg_acc, ibuf, attrb, onesbuf, isem, gsem, osem, sem):
        cid = lax.axis_index("c")
        sid = lax.axis_index("s")
        wid = cid * NS + sid

        _zero_fill(attrb[0], CH, ed)
        ones16 = jnp.ones((LANES,), jnp.float32)

        def ostore(r, carry):
            onesbuf[r, pl.ds(0, LANES)] = ones16
            return carry

        lax.fori_loop(0, CH, ostore, 0)

        r0 = sid * rpt
        nz = rpt // CH
        for z in range(nz):
            pltpu.async_copy(attrb[0], s_acc.at[pl.ds(r0 + z * CH, CH), :],
                             sem)
            pltpu.async_copy(attrb[0], deg_acc.at[pl.ds(r0 + z * CH, CH), :],
                             sem)
        for z in range(nz):
            pltpu.make_async_copy(
                attrb[0], s_acc.at[pl.ds(r0 + z * CH, CH), :], sem).wait()
            pltpu.make_async_copy(
                attrb[0], deg_acc.at[pl.ds(r0 + z * CH, CH), :], sem).wait()

        plsc.subcore_barrier()

        ebase = wid * epw

        def issue_idx(k, p8):
            pltpu.async_copy(i_hbm.at[pl.ds(ebase + k * CH, CH)], ibuf[p8],
                             isem[p8])

        def drain_idx(p8):
            pltpu.make_async_copy(i_hbm.at[pl.ds(0, CH)], ibuf[p8],
                                  isem[p8]).wait()

        def issue_in(k, p4):
            pltpu.async_copy(attr_hbm.at[pl.ds(ebase + k * CH, CH), :],
                             attrb[p4], gsem[p4])

        def drain_in(p4):
            pltpu.make_async_copy(attr_hbm.at[pl.ds(0, CH), :], attrb[p4],
                                  gsem[p4]).wait()

        def issue_out(p8, p4):
            pltpu.async_copy(attrb[p4], s_acc.at[ibuf[p8]], osem[p4],
                             add=True)
            pltpu.async_copy(onesbuf, deg_acc.at[ibuf[p8]], osem[p4],
                             add=True)

        def drain_out(p8, p4):
            pltpu.make_async_copy(attrb[p4], s_acc.at[ibuf[p8]],
                                  osem[p4]).wait()
            pltpu.make_async_copy(onesbuf, deg_acc.at[ibuf[p8]],
                                  osem[p4]).wait()

        for k0 in range(4):
            issue_idx(k0, k0)
        drain_idx(0)
        issue_in(0, 0)
        drain_idx(1)
        issue_in(1, 1)

        def step(it, carry):
            for b8 in range(8):
                k = it * 8 + b8
                b4 = b8 % 4

                @pl.when(k < nch)
                def _():
                    drain_in(b4)
                    issue_out(b8, b4)

                    @pl.when(k >= 2)
                    def _():
                        drain_out((b8 - 2) % 8, (b4 - 2) % 4)

                    @pl.when(k + 2 < nch)
                    def _():
                        drain_idx((b8 + 2) % 8)
                        issue_in(k + 2, (b4 + 2) % 4)

                    @pl.when(k + 4 < nch)
                    def _():
                        issue_idx(k + 4, (b8 + 4) % 8)
            return carry

        lax.fori_loop(0, -(-nch // 8), step, 0)

        for kk in (nch - 2, nch - 1):
            drain_out(kk % 8, kk % 4)

        plsc.subcore_barrier()

        pltpu.async_copy(s_acc.at[pl.ds(r0, rpt), :],
                         s_out.at[cid, pl.ds(r0, rpt), :], sem)
        pltpu.async_copy(deg_acc.at[pl.ds(r0, rpt), :],
                         deg_out.at[cid, pl.ds(r0, rpt), :], sem)
        pltpu.make_async_copy(s_acc.at[pl.ds(r0, rpt), :],
                              s_out.at[cid, pl.ds(r0, rpt), :], sem).wait()
        pltpu.make_async_copy(deg_acc.at[pl.ds(r0, rpt), :],
                              deg_out.at[cid, pl.ds(r0, rpt), :], sem).wait()

    return sc_fn(ei, attr)


def _tc_dense(eps2, x, axp, sp, degp, we_t, be_r, w1_t, b1r, w2_t, b2r,
              g2, bt2):
    n, d = x.shape
    ed = we_t.shape[0]
    bn = 1000

    def body(eps_ref, x_ref, ax_ref, s_ref, deg_ref, we_ref, be_ref,
             w1_ref, b1_ref, w2_ref, b2_ref, g_ref, bt_ref, o_ref):
        ax = ax_ref[0] + ax_ref[1]
        s = s_ref[0] + s_ref[1]
        deg = (deg_ref[0] + deg_ref[1])[:, 0:1]
        agg = ax + jnp.dot(s, we_ref[...], preferred_element_type=jnp.float32)
        agg = agg + deg * be_ref[...]
        h = x_ref[...] * (1.0 + eps_ref[...]) + agg
        h = jnp.dot(h, w1_ref[...], preferred_element_type=jnp.float32)
        h = jnp.maximum(h + b1_ref[...], 0.0)
        h = jnp.dot(h, w2_ref[...], preferred_element_type=jnp.float32)
        h = h + b2_ref[...]
        mu = jnp.mean(h, axis=-1, keepdims=True)
        hc = h - mu
        var = jnp.mean(hc * hc, axis=-1, keepdims=True)
        o_ref[...] = hc * lax.rsqrt(var + 1e-5) * g_ref[...] + bt_ref[...]

    return pl.pallas_call(
        body,
        grid=(n // bn,),
        in_specs=[
            pl.BlockSpec((1, 1), lambda i: (0, 0)),
            pl.BlockSpec((bn, d), lambda i: (i, 0)),
            pl.BlockSpec((NC, bn, d), lambda i: (0, i, 0)),
            pl.BlockSpec((NC, bn, ed), lambda i: (0, i, 0)),
            pl.BlockSpec((NC, bn, LANES), lambda i: (0, i, 0)),
            pl.BlockSpec((ed, d), lambda i: (0, 0)),
            pl.BlockSpec((1, d), lambda i: (0, 0)),
            pl.BlockSpec((d, d), lambda i: (0, 0)),
            pl.BlockSpec((1, d), lambda i: (0, 0)),
            pl.BlockSpec((d, d), lambda i: (0, 0)),
            pl.BlockSpec((1, d), lambda i: (0, 0)),
            pl.BlockSpec((1, d), lambda i: (0, 0)),
            pl.BlockSpec((1, d), lambda i: (0, 0)),
        ],
        out_specs=pl.BlockSpec((bn, d), lambda i: (i, 0)),
        out_shape=jax.ShapeDtypeStruct((n, d), jnp.float32),
    )(eps2, x, axp, sp, degp, we_t, be_r, w1_t, b1r, w2_t, b2r, g2, bt2)


def kernel(x, edge_index, edge_attr, eps, We, be, W1, b1, W2, b2, gamma, beta):
    n, d = x.shape

    ei = edge_index[0]
    ej = edge_index[1]
    if ei.dtype != jnp.int32:
        ei = ei.astype(jnp.int32)
        ej = ej.astype(jnp.int32)
    attr = edge_attr
    if attr.dtype != jnp.float32:
        attr = attr.astype(jnp.float32)

    axp = _sc_gather_x(x, ei, ej, n, d)
    sp, degp = _sc_attr(ei, attr, n)

    eps2 = jnp.reshape(eps.astype(jnp.float32), (1, 1))
    return _tc_dense(eps2, x, axp, sp, degp, We.T, be[None, :],
                     W1.T, b1[None, :], W2.T, b2[None, :],
                     gamma[None, :], beta[None, :])

# --- scband reference (transcript-rebuilt; emitter-appended) ---
"""Pipeline reference for scband-ginelayer-66666482368665 (READ-ONLY COPY).

The authoritative reference and input builder live on the scoring server;
editing this copy changes nothing except your own understanding.
"""

import jax, jax.numpy as jnp
import numpy as np

N = 10000
E = 320000
D = 128
ED = 16


def setup_inputs(seed: int = 0) -> dict:
    key = jax.random.key(seed)
    ks = jax.random.split(key, 8)
    x = jax.random.normal(ks[0], (N, D), dtype=jnp.float32)
    edge_index = jax.random.randint(ks[1], (2, E), 0, N)
    edge_attr = jax.random.normal(ks[2], (E, ED), dtype=jnp.float32)
    eps = jnp.array(0.0, dtype=jnp.float32)
    We = jax.random.normal(ks[3], (D, ED), dtype=jnp.float32) * (1.0 / np.sqrt(ED))
    be = jnp.zeros((D,), dtype=jnp.float32)
    W1 = jax.random.normal(ks[4], (D, D), dtype=jnp.float32) * (1.0 / np.sqrt(D))
    b1 = jnp.zeros((D,), dtype=jnp.float32)
    W2 = jax.random.normal(ks[5], (D, D), dtype=jnp.float32) * (1.0 / np.sqrt(D))
    b2 = jnp.zeros((D,), dtype=jnp.float32)
    gamma = jnp.ones((D,), dtype=jnp.float32)
    beta = jnp.zeros((D,), dtype=jnp.float32)
    return {"x": x, "edge_index": edge_index, "edge_attr": edge_attr, "eps": eps, "We": We, "be": be, "W1": W1, "b1": b1, "W2": W2, "b2": b2, "gamma": gamma, "beta": beta}


def reference(x, edge_index, edge_attr, eps, We, be, W1, b1, W2, b2, gamma, beta):
    i = edge_index[0]
    j = edge_index[1]
    # message: gather source node feats + linear edge embedding
    msg = x[j] + (edge_attr @ We.T + be)
    # scatter-add aggregation onto destination nodes
    agg = jnp.zeros_like(x).at[i].add(msg)
    h = (1.0 + eps) * x + agg
    # MLP: Linear -> ReLU -> Linear
    h = jnp.maximum(h @ W1.T + b1, 0.0)
    h = h @ W2.T + b2
    # dropout p=0.0 (eval) is identity
    # LayerNorm
    mean = jnp.mean(h, axis=-1, keepdims=True)
    var = jnp.var(h, axis=-1, keepdims=True)
    out = (h - mean) / jnp.sqrt(var + 1e-5) * gamma + beta
    return out

if __name__ == "__main__":
    import jax
    _d = setup_inputs()
    print(jax.jit(kernel)(*tuple(_d.values())))

</pallas_src>

<mosaic_0001>
#map = affine_map<(d0, d1) -> (0)>
#map1 = affine_map<(d0, d1) -> (0, 0)>
#map2 = affine_map<(d0, d1) -> (0, 0, 0)>
module attributes {stable_mosaic.version = 14 : i64} {
  func.func @sc_fn(%arg0: i32, %arg1: i32, %arg2: memref<320000xi32, #tpu.memory_space<hbm>>, %arg3: memref<320000x16xf32, #tpu.memory_space<hbm>>, %arg4: memref<2x10240x16xf32, #tpu.memory_space<hbm>>, %arg5: memref<2x10240x16xf32, #tpu.memory_space<hbm>>, %arg6: memref<10240x16xf32, #tpu.memory_space<vmem_shared>>, %arg7: memref<10240x16xf32, #tpu.memory_space<vmem_shared>>, %arg8: memref<80xi32, #tpu.memory_space<vmem>>, %arg9: memref<80xi32, #tpu.memory_space<vmem>>, %arg10: memref<80xi32, #tpu.memory_space<vmem>>, %arg11: memref<80xi32, #tpu.memory_space<vmem>>, %arg12: memref<80xi32, #tpu.memory_space<vmem>>, %arg13: memref<80xi32, #tpu.memory_space<vmem>>, %arg14: memref<80xi32, #tpu.memory_space<vmem>>, %arg15: memref<80xi32, #tpu.memory_space<vmem>>, %arg16: memref<80x16xf32, #tpu.memory_space<vmem>>, %arg17: memref<80x16xf32, #tpu.memory_space<vmem>>, %arg18: memref<80x16xf32, #tpu.memory_space<vmem>>, %arg19: memref<80x16xf32, #tpu.memory_space<vmem>>, %arg20: memref<80x16xf32, #tpu.memory_space<vmem>>, %arg21: memref<!tpu.dma_semaphore, #tpu.memory_space<semaphore_mem>>, %arg22: memref<!tpu.dma_semaphore, #tpu.memory_space<semaphore_mem>>, %arg23: memref<!tpu.dma_semaphore, #tpu.memory_space<semaphore_mem>>, %arg24: memref<!tpu.dma_semaphore, #tpu.memory_space<semaphore_mem>>, %arg25: memref<!tpu.dma_semaphore, #tpu.memory_space<semaphore_mem>>, %arg26: memref<!tpu.dma_semaphore, #tpu.memory_space<semaphore_mem>>, %arg27: memref<!tpu.dma_semaphore, #tpu.memory_space<semaphore_mem>>, %arg28: memref<!tpu.dma_semaphore, #tpu.memory_space<semaphore_mem>>, %arg29: memref<!tpu.dma_semaphore, #tpu.memory_space<semaphore_mem>>, %arg30: memref<!tpu.dma_semaphore, #tpu.memory_space<semaphore_mem>>, %arg31: memref<!tpu.dma_semaphore, #tpu.memory_space<semaphore_mem>>, %arg32: memref<!tpu.dma_semaphore, #tpu.memory_space<semaphore_mem>>, %arg33: memref<!tpu.dma_semaphore, #tpu.memory_space<semaphore_mem>>, %arg34: memref<!tpu.dma_semaphore, #tpu.memory_space<semaphore_mem>>, %arg35: memref<!tpu.dma_semaphore, #tpu.memory_space<semaphore_mem>>, %arg36: memref<!tpu.dma_semaphore, #tpu.memory_space<semaphore_mem>>, %arg37: memref<!tpu.dma_semaphore, #tpu.memory_space<semaphore_mem>>) attributes {dimension_semantics = [#tpu.dimension_semantics<core_parallel>, #tpu.dimension_semantics<subcore_parallel>], iteration_bounds = array<i64: 2, 16>, scalar_prefetch = 0 : i64, scratch_operands = 32 : i64, tpu.core_type = #tpu.core_type<sc_vector_subcore>, window_params = [{transform_indices = #map}, {transform_indices = #map1}, {transform_indices = #map2}, {transform_indices = #map2}]} {
    %mul3A = arith.constant 16 : i32
    %mul3A_0 = arith.muli %arg0, %mul3A : i32
    %add3A = arith.addi %mul3A_0, %arg1 : i32
    %broadcast_in_dim3A = arith.constant 0.000000e+00 : f32
    %broadcast_in_dim3A_1 = vector.broadcast %broadcast_in_dim3A : f32 to vector<16xf32>
    %scan3A = arith.constant 0 : i32
    %scan3A_2 = arith.constant 0 : i32
    %scan3A_3 = arith.constant 80 : i32
    %scan3A_4 = arith.addi %scan3A_2, %scan3A_3 : i32
    %scan3A_5 = arith.constant 1 : i32
    scf.for %scan3A_284 = %scan3A_2 to %scan3A_4 step %scan3A_5  : i32 {
      %jit3A = arith.constant 1 : i32
      %div3A = arith.divsi %scan3A_284, %jit3A : i32
      %sign3A = arith.constant 0 : i32
      %sign3A_285 = arith.cmpi sgt, %scan3A_284, %sign3A : i32
      %sign3A_286 = arith.extui %sign3A_285 : i1 to i32
      %sign3A_287 = arith.constant 0 : i32
      %sign3A_288 = arith.cmpi slt, %scan3A_284, %sign3A_287 : i32
      %sign3A_289 = arith.extui %sign3A_288 : i1 to i32
      %sign3A_290 = arith.subi %sign3A_286, %sign3A_289 : i32
      %sign3A_291 = arith.constant 0 : i32
      %sign3A_292 = arith.cmpi sgt, %jit3A, %sign3A_291 : i32
      %sign3A_293 = arith.extui %sign3A_292 : i1 to i32
      %sign3A_294 = arith.constant 0 : i32
      %sign3A_295 = arith.cmpi slt, %jit3A, %sign3A_294 : i32
      %sign3A_296 = arith.extui %sign3A_295 : i1 to i32
      %sign3A_297 = arith.subi %sign3A_293, %sign3A_296 : i32
      %ne3A = arith.cmpi ne, %sign3A_290, %sign3A_297 : i32
      %rem3A = arith.remsi %scan3A_284, %jit3A : i32
      %ne3A_298 = arith.constant 0 : i32
      %ne3A_299 = arith.cmpi ne, %rem3A, %ne3A_298 : i32
      %and3A = arith.andi %ne3A, %ne3A_299 : i1
      %sub3A = arith.constant 1 : i32
      %sub3A_300 = arith.subi %div3A, %sub3A : i32
      %select_n3A = arith.select %and3A, %sub3A_300, %div3A : i32
      %jit3A_301 = arith.constant 1 : i32
      %eq3A = arith.constant 0 : i32
      %eq3A_302 = arith.cmpi eq, %jit3A_301, %eq3A : i32
      %jit3A_303 = arith.constant 1 : i32
      %select_n3A_304 = arith.select %eq3A_302, %jit3A_303, %jit3A_301 : i32
      %rem3A_305 = arith.remsi %scan3A_284, %select_n3A_304 : i32
      %ne3A_306 = arith.constant 0 : i32
      %ne3A_307 = arith.cmpi ne, %rem3A_305, %ne3A_306 : i32
      %lt3A = arith.constant 0 : i32
      %lt3A_308 = arith.cmpi slt, %rem3A_305, %lt3A : i32
      %lt3A_309 = arith.constant 0 : i32
      %lt3A_310 = arith.cmpi slt, %select_n3A_304, %lt3A_309 : i32
      %ne3A_311 = arith.xori %lt3A_308, %lt3A_310 : i1
      %and3A_312 = arith.andi %ne3A_311, %ne3A_307 : i1
      %add3A_313 = arith.addi %rem3A_305, %select_n3A_304 : i32
      %select_n3A_314 = arith.select %and3A_312, %add3A_313, %rem3A_305 : i32
      %mul3A_315 = arith.constant 16 : i32
      %mul3A_316 = arith.muli %select_n3A_314, %mul3A_315 : i32
      %swap3A = arith.index_cast %select_n3A : i32 to index
      %swap3A_317 = arith.index_cast %mul3A_316 : i32 to index
      %swap3A_318 = tpu.vector_load %arg16[%swap3A, %swap3A_317] {strides = array<i32>} : memref<80x16xf32, #tpu.memory_space<vmem>>, vector<1x16xf32>,
      %swap3A_319 = vector.shape_cast %swap3A_318 : vector<1x16xf32> to vector<16xf32>
      %swap3A_320 = vector.shape_cast %broadcast_in_dim3A_1 : vector<16xf32> to vector<1x16xf32>
      tpu.vector_store %arg16[%swap3A, %swap3A_317], %swap3A_320 {strides = array<i32>} : memref<80x16xf32, #tpu.memory_space<vmem>>, vector<1x16xf32>,
    }
    %scan3A_6 = arith.constant 80 : i32
    %broadcast_in_dim3A_7 = arith.constant 1.000000e+00 : f32
    %broadcast_in_dim3A_8 = vector.broadcast %broadcast_in_dim3A_7 : f32 to vector<16xf32>
    %scan3A_9 = arith.constant 0 : i32
    %scan3A_10 = arith.constant 0 : i32
    %scan3A_11 = arith.constant 80 : i32
    %scan3A_12 = arith.addi %scan3A_10, %scan3A_11 : i32
    %scan3A_13 = arith.constant 1 : i32
    scf.for %scan3A_284 = %scan3A_10 to %scan3A_12 step %scan3A_13  : i32 {
      %swap3A = arith.index_cast %scan3A_284 : i32 to index
      %swap3A_285 = arith.constant 0 : index
      %swap3A_286 = tpu.vector_load %arg20[%swap3A, %swap3A_285] {strides = array<i32>} : memref<80x16xf32, #tpu.memory_space<vmem>>, vector<1x16xf32>,
      %swap3A_287 = vector.shape_cast %swap3A_286 : vector<1x16xf32> to vector<16xf32>
      %swap3A_288 = vector.shape_cast %broadcast_in_dim3A_8 : vector<16xf32> to vector<1x16xf32>
      tpu.vector_store %arg20[%swap3A, %swap3A_285], %swap3A_288 {strides = array<i32>} : memref<80x16xf32, #tpu.memory_space<vmem>>, vector<1x16xf32>,
    }
    %scan3A_14 = arith.constant 80 : i32
    %mul3A_15 = arith.constant 640 : i32
    %mul3A_16 = arith.muli %arg1, %mul3A_15 : i32
    %add3A_17 = arith.constant 0 : i32
    %add3A_18 = arith.addi %mul3A_16, %add3A_17 : i32
    %dma_start3A = arith.constant 0 : i32
    %dma_start3A_19 = tpu.memref_slice %arg6[%add3A_18, %dma_start3A] : memref<10240x16xf32, #tpu.memory_space<vmem_shared>> -> memref<80x16xf32, #tpu.memory_space<vmem_shared>>
    %dma_start3A_20 = arith.constant 0 : i32
    %dma_start3A_21 = tpu.memref_slice %arg6[%add3A_18, %dma_start3A_20] : memref<10240x16xf32, #tpu.memory_space<vmem_shared>> -> memref<80x16xf32, #tpu.memory_space<vmem_shared>>
    tpu.enqueue_dma source(%arg16 : memref<80x16xf32, #tpu.memory_space<vmem>>) target(%dma_start3A_21 : memref<80x16xf32, #tpu.memory_space<vmem_shared>>) target_semaphore(%arg37 : memref<!tpu.dma_semaphore, #tpu.memory_space<semaphore_mem>>)
    %add3A_22 = arith.constant 0 : i32
    %add3A_23 = arith.addi %mul3A_16, %add3A_22 : i32
    %dma_start3A_24 = arith.constant 0 : i32
    %dma_start3A_25 = tpu.memref_slice %arg7[%add3A_23, %dma_start3A_24] : memref<10240x16xf32, #tpu.memory_space<vmem_shared>> -> memref<80x16xf32, #tpu.memory_space<vmem_shared>>
    %dma_start3A_26 = arith.constant 0 : i32
    %dma_start3A_27 = tpu.memref_slice %arg7[%add3A_23, %dma_start3A_26] : memref<10240x16xf32, #tpu.memory_space<vmem_shared>> -> memref<80x16xf32, #tpu.memory_space<vmem_shared>>
    tpu.enqueue_dma source(%arg16 : memref<80x16xf32, #tpu.memory_space<vmem>>) target(%dma_start3A_27 : memref<80x16xf32, #tpu.memory_space<vmem_shared>>) target_semaphore(%arg37 : memref<!tpu.dma_semaphore, #tpu.memory_space<semaphore_mem>>)
    %add3A_28 = arith.constant 80 : i32
    %add3A_29 = arith.addi %mul3A_16, %add3A_28 : i32
    %dma_start3A_30 = arith.constant 0 : i32
    %dma_start3A_31 = tpu.memref_slice %arg6[%add3A_29, %dma_start3A_30] : memref<10240x16xf32, #tpu.memory_space<vmem_shared>> -> memref<80x16xf32, #tpu.memory_space<vmem_shared>>
    %dma_start3A_32 = arith.constant 0 : i32
    %dma_start3A_33 = tpu.memref_slice %arg6[%add3A_29, %dma_start3A_32] : memref<10240x16xf32, #tpu.memory_space<vmem_shared>> -> memref<80x16xf32, #tpu.memory_space<vmem_shared>>
    tpu.enqueue_dma source(%arg16 : memref<80x16xf32, #tpu.memory_space<vmem>>) target(%dma_start3A_33 : memref<80x16xf32, #tpu.memory_space<vmem_shared>>) target_semaphore(%arg37 : memref<!tpu.dma_semaphore, #tpu.memory_space<semaphore_mem>>)
    %add3A_34 = arith.constant 80 : i32
    %add3A_35 = arith.addi %mul3A_16, %add3A_34 : i32
    %dma_start3A_36 = arith.constant 0 : i32
    %dma_start3A_37 = tpu.memref_slice %arg7[%add3A_35, %dma_start3A_36] : memref<10240x16xf32, #tpu.memory_space<vmem_shared>> -> memref<80x16xf32, #tpu.memory_space<vmem_shared>>
    %dma_start3A_38 = arith.constant 0 : i32
    %dma_start3A_39 = tpu.memref_slice %arg7[%add3A_35, %dma_start3A_38] : memref<10240x16xf32, #tpu.memory_space<vmem_shared>> -> memref<80x16xf32, #tpu.memory_space<vmem_shared>>
    tpu.enqueue_dma source(%arg16 : memref<80x16xf32, #tpu.memory_space<vmem>>) target(%dma_start3A_39 : memref<80x16xf32, #tpu.memory_space<vmem_shared>>) target_semaphore(%arg37 : memref<!tpu.dma_semaphore, #tpu.memory_space<semaphore_mem>>)
    %add3A_40 = arith.constant 160 : i32
    %add3A_41 = arith.addi %mul3A_16, %add3A_40 : i32
    %dma_start3A_42 = arith.constant 0 : i32
    %dma_start3A_43 = tpu.memref_slice %arg6[%add3A_41, %dma_start3A_42] : memref<10240x16xf32, #tpu.memory_space<vmem_shared>> -> memref<80x16xf32, #tpu.memory_space<vmem_shared>>
    %dma_start3A_44 = arith.constant 0 : i32
    %dma_start3A_45 = tpu.memref_slice %arg6[%add3A_41, %dma_start3A_44] : memref<10240x16xf32, #tpu.memory_space<vmem_shared>> -> memref<80x16xf32, #tpu.memory_space<vmem_shared>>
    tpu.enqueue_dma source(%arg16 : memref<80x16xf32, #tpu.memory_space<vmem>>) target(%dma_start3A_45 : memref<80x16xf32, #tpu.memory_space<vmem_shared>>) target_semaphore(%arg37 : memref<!tpu.dma_semaphore, #tpu.memory_space<semaphore_mem>>)
    %add3A_46 = arith.constant 160 : i32
    %add3A_47 = arith.addi %mul3A_16, %add3A_46 : i32
    %dma_start3A_48 = arith.constant 0 : i32
    %dma_start3A_49 = tpu.memref_slice %arg7[%add3A_47, %dma_start3A_48] : memref<10240x16xf32, #tpu.memory_space<vmem_shared>> -> memref<80x16xf32, #tpu.memory_space<vmem_shared>>
    %dma_start3A_50 = arith.constant 0 : i32
    %dma_start3A_51 = tpu.memref_slice %arg7[%add3A_47, %dma_start3A_50] : memref<10240x16xf32, #tpu.memory_space<vmem_shared>> -> memref<80x16xf32, #tpu.memory_space<vmem_shared>>
    tpu.enqueue_dma source(%arg16 : memref<80x16xf32, #tpu.memory_space<vmem>>) target(%dma_start3A_51 : memref<80x16xf32, #tpu.memory_space<vmem_shared>>) target_semaphore(%arg37 : memref<!tpu.dma_semaphore, #tpu.memory_space<semaphore_mem>>)
    %add3A_52 = arith.constant 240 : i32
    %add3A_53 = arith.addi %mul3A_16, %add3A_52 : i32
    %dma_start3A_54 = arith.constant 0 : i32
    %dma_start3A_55 = tpu.memref_slice %arg6[%add3A_53, %dma_start3A_54] : memref<10240x16xf32, #tpu.memory_space<vmem_shared>> -> memref<80x16xf32, #tpu.memory_space<vmem_shared>>
    %dma_start3A_56 = arith.constant 0 : i32
    %dma_start3A_57 = tpu.memref_slice %arg6[%add3A_53, %dma_start3A_56] : memref<10240x16xf32, #tpu.memory_space<vmem_shared>> -> memref<80x16xf32, #tpu.memory_space<vmem_shared>>
    tpu.enqueue_dma source(%arg16 : memref<80x16xf32, #tpu.memory_space<vmem>>) target(%dma_start3A_57 : memref<80x16xf32, #tpu.memory_space<vmem_shared>>) target_semaphore(%arg37 : memref<!tpu.dma_semaphore, #tpu.memory_space<semaphore_mem>>)
    %add3A_58 = arith.constant 240 : i32
    %add3A_59 = arith.addi %mul3A_16, %add3A_58 : i32
    %dma_start3A_60 = arith.constant 0 : i32
    %dma_start3A_61 = tpu.memref_slice %arg7[%add3A_59, %dma_start3A_60] : memref<10240x16xf32, #tpu.memory_space<vmem_shared>> -> memref<80x16xf32, #tpu.memory_space<vmem_shared>>
    %dma_start3A_62 = arith.constant 0 : i32
    %dma_start3A_63 = tpu.memref_slice %arg7[%add3A_59, %dma_start3A_62] : memref<10240x16xf32, #tpu.memory_space<vmem_shared>> -> memref<80x16xf32, #tpu.memory_space<vmem_shared>>
    tpu.enqueue_dma source(%arg16 : memref<80x16xf32, #tpu.memory_space<vmem>>) target(%dma_start3A_63 : memref<80x16xf32, #tpu.memory_space<vmem_shared>>) target_semaphore(%arg37 : memref<!tpu.dma_semaphore, #tpu.memory_space<semaphore_mem>>)
    %add3A_64 = arith.constant 320 : i32
    %add3A_65 = arith.addi %mul3A_16, %add3A_64 : i32
    %dma_start3A_66 = arith.constant 0 : i32
    %dma_start3A_67 = tpu.memref_slice %arg6[%add3A_65, %dma_start3A_66] : memref<10240x16xf32, #tpu.memory_space<vmem_shared>> -> memref<80x16xf32, #tpu.memory_space<vmem_shared>>
    %dma_start3A_68 = arith.constant 0 : i32
    %dma_start3A_69 = tpu.memref_slice %arg6[%add3A_65, %dma_start3A_68] : memref<10240x16xf32, #tpu.memory_space<vmem_shared>> -> memref<80x16xf32, #tpu.memory_space<vmem_shared>>
    tpu.enqueue_dma source(%arg16 : memref<80x16xf32, #tpu.memory_space<vmem>>) target(%dma_start3A_69 : memref<80x16xf32, #tpu.memory_space<vmem_shared>>) target_semaphore(%arg37 : memref<!tpu.dma_semaphore, #tpu.memory_space<semaphore_mem>>)
    %add3A_70 = arith.constant 320 : i32
    %add3A_71 = arith.addi %mul3A_16, %add3A_70 : i32
    %dma_start3A_72 = arith.constant 0 : i32
    %dma_start3A_73 = tpu.memref_slice %arg7[%add3A_71, %dma_start3A_72] : memref<10240x16xf32, #tpu.memory_space<vmem_shared>> -> memref<80x16xf32, #tpu.memory_space<vmem_shared>>
    %dma_start3A_74 = arith.constant 0 : i32
    %dma_start3A_75 = tpu.memref_slice %arg7[%add3A_71, %dma_start3A_74] : memref<10240x16xf32, #tpu.memory_space<vmem_shared>> -> memref<80x16xf32, #tpu.memory_space<vmem_shared>>
    tpu.enqueue_dma source(%arg16 : memref<80x16xf32, #tpu.memory_space<vmem>>) target(%dma_start3A_75 : memref<80x16xf32, #tpu.memory_space<vmem_shared>>) target_semaphore(%arg37 : memref<!tpu.dma_semaphore, #tpu.memory_space<semaphore_mem>>)
    %add3A_76 = arith.constant 400 : i32
    %add3A_77 = arith.addi %mul3A_16, %add3A_76 : i32
    %dma_start3A_78 = arith.constant 0 : i32
    %dma_start3A_79 = tpu.memref_slice %arg6[%add3A_77, %dma_start3A_78] : memref<10240x16xf32, #tpu.memory_space<vmem_shared>> -> memref<80x16xf32, #tpu.memory_space<vmem_shared>>
    %dma_start3A_80 = arith.constant 0 : i32
    %dma_start3A_81 = tpu.memref_slice %arg6[%add3A_77, %dma_start3A_80] : memref<10240x16xf32, #tpu.memory_space<vmem_shared>> -> memref<80x16xf32, #tpu.memory_space<vmem_shared>>
    tpu.enqueue_dma source(%arg16 : memref<80x16xf32, #tpu.memory_space<vmem>>) target(%dma_start3A_81 : memref<80x16xf32, #tpu.memory_space<vmem_shared>>) target_semaphore(%arg37 : memref<!tpu.dma_semaphore, #tpu.memory_space<semaphore_mem>>)
    %add3A_82 = arith.constant 400 : i32
    %add3A_83 = arith.addi %mul3A_16, %add3A_82 : i32
    %dma_start3A_84 = arith.constant 0 : i32
    %dma_start3A_85 = tpu.memref_slice %arg7[%add3A_83, %dma_start3A_84] : memref<10240x16xf32, #tpu.memory_space<vmem_shared>> -> memref<80x16xf32, #tpu.memory_space<vmem_shared>>
    %dma_start3A_86 = arith.constant 0 : i32
    %dma_start3A_87 = tpu.memref_slice %arg7[%add3A_83, %dma_start3A_86] : memref<10240x16xf32, #tpu.memory_space<vmem_shared>> -> memref<80x16xf32, #tpu.memory_space<vmem_shared>>
    tpu.enqueue_dma source(%arg16 : memref<80x16xf32, #tpu.memory_space<vmem>>) target(%dma_start3A_87 : memref<80x16xf32, #tpu.memory_space<vmem_shared>>) target_semaphore(%arg37 : memref<!tpu.dma_semaphore, #tpu.memory_space<semaphore_mem>>)
    %add3A_88 = arith.constant 480 : i32
    %add3A_89 = arith.addi %mul3A_16, %add3A_88 : i32
    %dma_start3A_90 = arith.constant 0 : i32
    %dma_start3A_91 = tpu.memref_slice %arg6[%add3A_89, %dma_start3A_90] : memref<10240x16xf32, #tpu.memory_space<vmem_shared>> -> memref<80x16xf32, #tpu.memory_space<vmem_shared>>
    %dma_start3A_92 = arith.constant 0 : i32
    %dma_start3A_93 = tpu.memref_slice %arg6[%add3A_89, %dma_start3A_92] : memref<10240x16xf32, #tpu.memory_space<vmem_shared>> -> memref<80x16xf32, #tpu.memory_space<vmem_shared>>
    tpu.enqueue_dma source(%arg16 : memref<80x16xf32, #tpu.memory_space<vmem>>) target(%dma_start3A_93 : memref<80x16xf32, #tpu.memory_space<vmem_shared>>) target_semaphore(%arg37 : memref<!tpu.dma_semaphore, #tpu.memory_space<semaphore_mem>>)
    %add3A_94 = arith.constant 480 : i32
    %add3A_95 = arith.addi %mul3A_16, %add3A_94 : i32
    %dma_start3A_96 = arith.constant 0 : i32
    %dma_start3A_97 = tpu.memref_slice %arg7[%add3A_95, %dma_start3A_96] : memref<10240x16xf32, #tpu.memory_space<vmem_shared>> -> memref<80x16xf32, #tpu.memory_space<vmem_shared>>
    %dma_start3A_98 = arith.constant 0 : i32
    %dma_start3A_99 = tpu.memref_slice %arg7[%add3A_95, %dma_start3A_98] : memref<10240x16xf32, #tpu.memory_space<vmem_shared>> -> memref<80x16xf32, #tpu.memory_space<vmem_shared>>
    tpu.enqueue_dma source(%arg16 : memref<80x16xf32, #tpu.memory_space<vmem>>) target(%dma_start3A_99 : memref<80x16xf32, #tpu.memory_space<vmem_shared>>) target_semaphore(%arg37 : memref<!tpu.dma_semaphore, #tpu.memory_space<semaphore_mem>>)
    %add3A_100 = arith.constant 560 : i32
    %add3A_101 = arith.addi %mul3A_16, %add3A_100 : i32
    %dma_start3A_102 = arith.constant 0 : i32
    %dma_start3A_103 = tpu.memref_slice %arg6[%add3A_101, %dma_start3A_102] : memref<10240x16xf32, #tpu.memory_space<vmem_shared>> -> memref<80x16xf32, #tpu.memory_space<vmem_shared>>
    %dma_start3A_104 = arith.constant 0 : i32
    %dma_start3A_105 = tpu.memref_slice %arg6[%add3A_101, %dma_start3A_104] : memref<10240x16xf32, #tpu.memory_space<vmem_shared>> -> memref<80x16xf32, #tpu.memory_space<vmem_shared>>
    tpu.enqueue_dma source(%arg16 : memref<80x16xf32, #tpu.memory_space<vmem>>) target(%dma_start3A_105 : memref<80x16xf32, #tpu.memory_space<vmem_shared>>) target_semaphore(%arg37 : memref<!tpu.dma_semaphore, #tpu.memory_space<semaphore_mem>>)
    %add3A_106 = arith.constant 560 : i32
    %add3A_107 = arith.addi %mul3A_16, %add3A_106 : i32
    %dma_start3A_108 = arith.constant 0 : i32
    %dma_start3A_109 = tpu.memref_slice %arg7[%add3A_107, %dma_start3A_108] : memref<10240x16xf32, #tpu.memory_space<vmem_shared>> -> memref<80x16xf32, #tpu.memory_space<vmem_shared>>
    %dma_start3A_110 = arith.constant 0 : i32
    %dma_start3A_111 = tpu.memref_slice %arg7[%add3A_107, %dma_start3A_110] : memref<10240x16xf32, #tpu.memory_space<vmem_shared>> -> memref<80x16xf32, #tpu.memory_space<vmem_shared>>
    tpu.enqueue_dma source(%arg16 : memref<80x16xf32, #tpu.memory_space<vmem>>) target(%dma_start3A_111 : memref<80x16xf32, #tpu.memory_space<vmem_shared>>) target_semaphore(%arg37 : memref<!tpu.dma_semaphore, #tpu.memory_space<semaphore_mem>>)
    %add3A_112 = arith.constant 0 : i32
    %add3A_113 = arith.addi %mul3A_16, %add3A_112 : i32
    %dma_wait3A = arith.constant 0 : i32
    %dma_wait3A_114 = tpu.memref_slice %arg6[%add3A_113, %dma_wait3A] : memref<10240x16xf32, #tpu.memory_space<vmem_shared>> -> memref<80x16xf32, #tpu.memory_space<vmem_shared>>
    %dma_wait3A_115 = arith.constant 0 : i32
    %dma_wait3A_116 = tpu.memref_slice %arg6[%add3A_113, %dma_wait3A_115] : memref<10240x16xf32, #tpu.memory_space<vmem_shared>> -> memref<80x16xf32, #tpu.memory_space<vmem_shared>>
    tpu.wait_dma2 semaphore(%arg37 : memref<!tpu.dma_semaphore, #tpu.memory_space<semaphore_mem>>) src(%arg16 : memref<80x16xf32, #tpu.memory_space<vmem>>) dst(%dma_wait3A_116 : memref<80x16xf32, #tpu.memory_space<vmem_shared>>)
    %add3A_117 = arith.constant 0 : i32
    %add3A_118 = arith.addi %mul3A_16, %add3A_117 : i32
    %dma_wait3A_119 = arith.constant 0 : i32
    %dma_wait3A_120 = tpu.memref_slice %arg7[%add3A_118, %dma_wait3A_119] : memref<10240x16xf32, #tpu.memory_space<vmem_shared>> -> memref<80x16xf32, #tpu.memory_space<vmem_shared>>
    %dma_wait3A_121 = arith.constant 0 : i32
    %dma_wait3A_122 = tpu.memref_slice %arg7[%add3A_118, %dma_wait3A_121] : memref<10240x16xf32, #tpu.memory_space<vmem_shared>> -> memref<80x16xf32, #tpu.memory_space<vmem_shared>>
    tpu.wait_dma2 semaphore(%arg37 : memref<!tpu.dma_semaphore, #tpu.memory_space<semaphore_mem>>) src(%arg16 : memref<80x16xf32, #tpu.memory_space<vmem>>) dst(%dma_wait3A_122 : memref<80x16xf32, #tpu.memory_space<vmem_shared>>)
    %add3A_123 = arith.constant 80 : i32
    %add3A_124 = arith.addi %mul3A_16, %add3A_123 : i32
    %dma_wait3A_125 = arith.constant 0 : i32
    %dma_wait3A_126 = tpu.memref_slice %arg6[%add3A_124, %dma_wait3A_125] : memref<10240x16xf32, #tpu.memory_space<vmem_shared>> -> memref<80x16xf32, #tpu.memory_space<vmem_shared>>
    %dma_wait3A_127 = arith.constant 0 : i32
    %dma_wait3A_128 = tpu.memref_slice %arg6[%add3A_124, %dma_wait3A_127] : memref<10240x16xf32, #tpu.memory_space<vmem_shared>> -> memref<80x16xf32, #tpu.memory_space<vmem_shared>>
    tpu.wait_dma2 semaphore(%arg37 : memref<!tpu.dma_semaphore, #tpu.memory_space<semaphore_mem>>) src(%arg16 : memref<80x16xf32, #tpu.memory_space<vmem>>) dst(%dma_wait3A_128 : memref<80x16xf32, #tpu.memory_space<vmem_shared>>)
    %add3A_129 = arith.constant 80 : i32
    %add3A_130 = arith.addi %mul3A_16, %add3A_129 : i32
    %dma_wait3A_131 = arith.constant 0 : i32
    %dma_wait3A_132 = tpu.memref_slice %arg7[%add3A_130, %dma_wait3A_131] : memref<10240x16xf32, #tpu.memory_space<vmem_shared>> -> memref<80x16xf32, #tpu.memory_space<vmem_shared>>
    %dma_wait3A_133 = arith.constant 0 : i32
    %dma_wait3A_134 = tpu.memref_slice %arg7[%add3A_130, %dma_wait3A_133] : memref<10240x16xf32, #tpu.memory_space<vmem_shared>> -> memref<80x16xf32, #tpu.memory_space<vmem_shared>>
    tpu.wait_dma2 semaphore(%arg37 : memref<!tpu.dma_semaphore, #tpu.memory_space<semaphore_mem>>) src(%arg16 : memref<80x16xf32, #tpu.memory_space<vmem>>) dst(%dma_wait3A_134 : memref<80x16xf32, #tpu.memory_space<vmem_shared>>)
    %add3A_135 = arith.constant 160 : i32
    %add3A_136 = arith.addi %mul3A_16, %add3A_135 : i32
    %dma_wait3A_137 = arith.constant 0 : i32
    %dma_wait3A_138 = tpu.memref_slice %arg6[%add3A_136, %dma_wait3A_137] : memref<10240x16xf32, #tpu.memory_space<vmem_shared>> -> memref<80x16xf32, #tpu.memory_space<vmem_shared>>
    %dma_wait3A_139 = arith.constant 0 : i32
    %dma_wait3A_140 = tpu.memref_slice %arg6[%add3A_136, %dma_wait3A_139] : memref<10240x16xf32, #tpu.memory_space<vmem_shared>> -> memref<80x16xf32, #tpu.memory_space<vmem_shared>>
    tpu.wait_dma2 semaphore(%arg37 : memref<!tpu.dma_semaphore, #tpu.memory_space<semaphore_mem>>) src(%arg16 : memref<80x16xf32, #tpu.memory_space<vmem>>) dst(%dma_wait3A_140 : memref<80x16xf32, #tpu.memory_space<vmem_shared>>)
    %add3A_141 = arith.constant 160 : i32
    %add3A_142 = arith.addi %mul3A_16, %add3A_141 : i32
    %dma_wait3A_143 = arith.constant 0 : i32
    %dma_wait3A_144 = tpu.memref_slice %arg7[%add3A_142, %dma_wait3A_143] : memref<10240x16xf32, #tpu.memory_space<vmem_shared>> -> memref<80x16xf32, #tpu.memory_space<vmem_shared>>
    %dma_wait3A_145 = arith.constant 0 : i32
    %dma_wait3A_146 = tpu.memref_slice %arg7[%add3A_142, %dma_wait3A_145] : memref<10240x16xf32, #tpu.memory_space<vmem_shared>> -> memref<80x16xf32, #tpu.memory_space<vmem_shared>>
    tpu.wait_dma2 semaphore(%arg37 : memref<!tpu.dma_semaphore, #tpu.memory_space<semaphore_mem>>) src(%arg16 : memref<80x16xf32, #tpu.memory_space<vmem>>) dst(%dma_wait3A_146 : memref<80x16xf32, #tpu.memory_space<vmem_shared>>)
    %add3A_147 = arith.constant 240 : i32
    %add3A_148 = arith.addi %mul3A_16, %add3A_147 : i32
    %dma_wait3A_149 = arith.constant 0 : i32
    %dma_wait3A_150 = tpu.memref_slice %arg6[%add3A_148, %dma_wait3A_149] : memref<10240x16xf32, #tpu.memory_space<vmem_shared>> -> memref<80x16xf32, #tpu.memory_space<vmem_shared>>
    %dma_wait3A_151 = arith.constant 0 : i32
    %dma_wait3A_152 = tpu.memref_slice %arg6[%add3A_148, %dma_wait3A_151] : memref<10240x16xf32, #tpu.memory_space<vmem_shared>> -> memref<80x16xf32, #tpu.memory_space<vmem_shared>>
    tpu.wait_dma2 semaphore(%arg37 : memref<!tpu.dma_semaphore, #tpu.memory_space<semaphore_mem>>) src(%arg16 : memref<80x16xf32, #tpu.memory_space<vmem>>) dst(%dma_wait3A_152 : memref<80x16xf32, #tpu.memory_space<vmem_shared>>)
    %add3A_153 = arith.constant 240 : i32
    %add3A_154 = arith.addi %mul3A_16, %add3A_153 : i32
    %dma_wait3A_155 = arith.constant 0 : i32
    %dma_wait3A_156 = tpu.memref_slice %arg7[%add3A_154, %dma_wait3A_155] : memref<10240x16xf32, #tpu.memory_space<vmem_shared>> -> memref<80x16xf32, #tpu.memory_space<vmem_shared>>
    %dma_wait3A_157 = arith.constant 0 : i32
    %dma_wait3A_158 = tpu.memref_slice %arg7[%add3A_154, %dma_wait3A_157] : memref<10240x16xf32, #tpu.memory_space<vmem_shared>> -> memref<80x16xf32, #tpu.memory_space<vmem_shared>>
    tpu.wait_dma2 semaphore(%arg37 : memref<!tpu.dma_semaphore, #tpu.memory_space<semaphore_mem>>) src(%arg16 : memref<80x16xf32, #tpu.memory_space<vmem>>) dst(%dma_wait3A_158 : memref<80x16xf32, #tpu.memory_space<vmem_shared>>)
    %add3A_159 = arith.constant 320 : i32
    %add3A_160 = arith.addi %mul3A_16, %add3A_159 : i32
    %dma_wait3A_161 = arith.constant 0 : i32
    %dma_wait3A_162 = tpu.memref_slice %arg6[%add3A_160, %dma_wait3A_161] : memref<10240x16xf32, #tpu.memory_space<vmem_shared>> -> memref<80x16xf32, #tpu.memory_space<vmem_shared>>
    %dma_wait3A_163 = arith.constant 0 : i32
    %dma_wait3A_164 = tpu.memref_slice %arg6[%add3A_160, %dma_wait3A_163] : memref<10240x16xf32, #tpu.memory_space<vmem_shared>> -> memref<80x16xf32, #tpu.memory_space<vmem_shared>>
    tpu.wait_dma2 semaphore(%arg37 : memref<!tpu.dma_semaphore, #tpu.memory_space<semaphore_mem>>) src(%arg16 : memref<80x16xf32, #tpu.memory_space<vmem>>) dst(%dma_wait3A_164 : memref<80x16xf32, #tpu.memory_space<vmem_shared>>)
    %add3A_165 = arith.constant 320 : i32
    %add3A_166 = arith.addi %mul3A_16, %add3A_165 : i32
    %dma_wait3A_167 = arith.constant 0 : i32
    %dma_wait3A_168 = tpu.memref_slice %arg7[%add3A_166, %dma_wait3A_167] : memref<10240x16xf32, #tpu.memory_space<vmem_shared>> -> memref<80x16xf32, #tpu.memory_space<vmem_shared>>
    %dma_wait3A_169 = arith.constant 0 : i32
    %dma_wait3A_170 = tpu.memref_slice %arg7[%add3A_166, %dma_wait3A_169] : memref<10240x16xf32, #tpu.memory_space<vmem_shared>> -> memref<80x16xf32, #tpu.memory_space<vmem_shared>>
    tpu.wait_dma2 semaphore(%arg37 : memref<!tpu.dma_semaphore, #tpu.memory_space<semaphore_mem>>) src(%arg16 : memref<80x16xf32, #tpu.memory_space<vmem>>) dst(%dma_wait3A_170 : memref<80x16xf32, #tpu.memory_space<vmem_shared>>)
    %add3A_171 = arith.constant 400 : i32
    %add3A_172 = arith.addi %mul3A_16, %add3A_171 : i32
    %dma_wait3A_173 = arith.constant 0 : i32
    %dma_wait3A_174 = tpu.memref_slice %arg6[%add3A_172, %dma_wait3A_173] : memref<10240x16xf32, #tpu.memory_space<vmem_shared>> -> memref<80x16xf32, #tpu.memory_space<vmem_shared>>
    %dma_wait3A_175 = arith.constant 0 : i32
    %dma_wait3A_176 = tpu.memref_slice %arg6[%add3A_172, %dma_wait3A_175] : memref<10240x16xf32, #tpu.memory_space<vmem_shared>> -> memref<80x16xf32, #tpu.memory_space<vmem_shared>>
    tpu.wait_dma2 semaphore(%arg37 : memref<!tpu.dma_semaphore, #tpu.memory_space<semaphore_mem>>) src(%arg16 : memref<80x16xf32, #tpu.memory_space<vmem>>) dst(%dma_wait3A_176 : memref<80x16xf32, #tpu.memory_space<vmem_shared>>)
    %add3A_177 = arith.constant 400 : i32
    %add3A_178 = arith.addi %mul3A_16, %add3A_177 : i32
    %dma_wait3A_179 = arith.constant 0 : i32
    %dma_wait3A_180 = tpu.memref_slice %arg7[%add3A_178, %dma_wait3A_179] : memref<10240x16xf32, #tpu.memory_space<vmem_shared>> -> memref<80x16xf32, #tpu.memory_space<vmem_shared>>
    %dma_wait3A_181 = arith.constant 0 : i32
    %dma_wait3A_182 = tpu.memref_slice %arg7[%add3A_178, %dma_wait3A_181] : memref<10240x16xf32, #tpu.memory_space<vmem_shared>> -> memref<80x16xf32, #tpu.memory_space<vmem_shared>>
    tpu.wait_dma2 semaphore(%arg37 : memref<!tpu.dma_semaphore, #tpu.memory_space<semaphore_mem>>) src(%arg16 : memref<80x16xf32, #tpu.memory_space<vmem>>) dst(%dma_wait3A_182 : memref<80x16xf32, #tpu.memory_space<vmem_shared>>)
    %add3A_183 = arith.constant 480 : i32
    %add3A_184 = arith.addi %mul3A_16, %add3A_183 : i32
    %dma_wait3A_185 = arith.constant 0 : i32
    %dma_wait3A_186 = tpu.memref_slice %arg6[%add3A_184, %dma_wait3A_185] : memref<10240x16xf32, #tpu.memory_space<vmem_shared>> -> memref<80x16xf32, #tpu.memory_space<vmem_shared>>
    %dma_wait3A_187 = arith.constant 0 : i32
    %dma_wait3A_188 = tpu.memref_slice %arg6[%add3A_184, %dma_wait3A_187] : memref<10240x16xf32, #tpu.memory_space<vmem_shared>> -> memref<80x16xf32, #tpu.memory_space<vmem_shared>>
    tpu.wait_dma2 semaphore(%arg37 : memref<!tpu.dma_semaphore, #tpu.memory_space<semaphore_mem>>) src(%arg16 : memref<80x16xf32, #tpu.memory_space<vmem>>) dst(%dma_wait3A_188 : memref<80x16xf32, #tpu.memory_space<vmem_shared>>)
    %add3A_189 = arith.constant 480 : i32
    %add3A_190 = arith.addi %mul3A_16, %add3A_189 : i32
    %dma_wait3A_191 = arith.constant 0 : i32
    %dma_wait3A_192 = tpu.memref_slice %arg7[%add3A_190, %dma_wait3A_191] : memref<10240x16xf32, #tpu.memory_space<vmem_shared>> -> memref<80x16xf32, #tpu.memory_space<vmem_shared>>
    %dma_wait3A_193 = arith.constant 0 : i32
    %dma_wait3A_194 = tpu.memref_slice %arg7[%add3A_190, %dma_wait3A_193] : memref<10240x16xf32, #tpu.memory_space<vmem_shared>> -> memref<80x16xf32, #tpu.memory_space<vmem_shared>>
    tpu.wait_dma2 semaphore(%arg37 : memref<!tpu.dma_semaphore, #tpu.memory_space<semaphore_mem>>) src(%arg16 : memref<80x16xf32, #tpu.memory_space<vmem>>) dst(%dma_wait3A_194 : memref<80x16xf32, #tpu.memory_space<vmem_shared>>)
    %add3A_195 = arith.constant 560 : i32
    %add3A_196 = arith.addi %mul3A_16, %add3A_195 : i32
    %dma_wait3A_197 = arith.constant 0 : i32
    %dma_wait3A_198 = tpu.memref_slice %arg6[%add3A_196, %dma_wait3A_197] : memref<10240x16xf32, #tpu.memory_space<vmem_shared>> -> memref<80x16xf32, #tpu.memory_space<vmem_shared>>
    %dma_wait3A_199 = arith.constant 0 : i32
    %dma_wait3A_200 = tpu.memref_slice %arg6[%add3A_196, %dma_wait3A_199] : memref<10240x16xf32, #tpu.memory_space<vmem_shared>> -> memref<80x16xf32, #tpu.memory_space<vmem_shared>>
    tpu.wait_dma2 semaphore(%arg37 : memref<!tpu.dma_semaphore, #tpu.memory_space<semaphore_mem>>) src(%arg16 : memref<80x16xf32, #tpu.memory_space<vmem>>) dst(%dma_wait3A_200 : memref<80x16xf32, #tpu.memory_space<vmem_shared>>)
    %add3A_201 = arith.constant 560 : i32
    %add3A_202 = arith.addi %mul3A_16, %add3A_201 : i32
    %dma_wait3A_203 = arith.constant 0 : i32
    %dma_wait3A_204 = tpu.memref_slice %arg7[%add3A_202, %dma_wait3A_203] : memref<10240x16xf32, #tpu.memory_space<vmem_shared>> -> memref<80x16xf32, #tpu.memory_space<vmem_shared>>
    %dma_wait3A_205 = arith.constant 0 : i32
    %dma_wait3A_206 = tpu.memref_slice %arg7[%add3A_202, %dma_wait3A_205] : memref<10240x16xf32, #tpu.memory_space<vmem_shared>> -> memref<80x16xf32, #tpu.memory_space<vmem_shared>>
    tpu.wait_dma2 semaphore(%arg37 : memref<!tpu.dma_semaphore, #tpu.memory_space<semaphore_mem>>) src(%arg16 : memref<80x16xf32, #tpu.memory_space<vmem>>) dst(%dma_wait3A_206 : memref<80x16xf32, #tpu.memory_space<vmem_shared>>)
    %barrier3A = arith.constant 0 : index
    tpu.barrier barrier_id(%barrier3A)
    %mul3A_207 = arith.constant 10000 : i32
    %mul3A_208 = arith.muli %add3A, %mul3A_207 : i32
    %add3A_209 = arith.constant 0 : i32
    %add3A_210 = arith.addi %mul3A_208, %add3A_209 : i32
    %dma_start3A_211 = tpu.memref_slice %arg2[%add3A_210] : memref<320000xi32, #tpu.memory_space<hbm>> -> memref<80xi32, #tpu.memory_space<hbm>>
    %dma_start3A_212 = tpu.memref_slice %arg2[%add3A_210] : memref<320000xi32, #tpu.memory_space<hbm>> -> memref<80xi32, #tpu.memory_space<hbm>>
    tpu.enqueue_dma source(%dma_start3A_212 : memref<80xi32, #tpu.memory_space<hbm>>) target(%arg8 : memref<80xi32, #tpu.memory_space<vmem>>) target_semaphore(%arg21 : memref<!tpu.dma_semaphore, #tpu.memory_space<semaphore_mem>>)
    %add3A_213 = arith.constant 80 : i32
    %add3A_214 = arith.addi %mul3A_208, %add3A_213 : i32
    %dma_start3A_215 = tpu.memref_slice %arg2[%add3A_214] : memref<320000xi32, #tpu.memory_space<hbm>> -> memref<80xi32, #tpu.memory_space<hbm>>
    %dma_start3A_216 = tpu.memref_slice %arg2[%add3A_214] : memref<320000xi32, #tpu.memory_space<hbm>> -> memref<80xi32, #tpu.memory_space<hbm>>
    tpu.enqueue_dma source(%dma_start3A_216 : memref<80xi32, #tpu.memory_space<hbm>>) target(%arg9 : memref<80xi32, #tpu.memory_space<vmem>>) target_semaphore(%arg22 : memref<!tpu.dma_semaphore, #tpu.memory_space<semaphore_mem>>)
    %add3A_217 = arith.constant 160 : i32
    %add3A_218 = arith.addi %mul3A_208, %add3A_217 : i32
    %dma_start3A_219 = tpu.memref_slice %arg2[%add3A_218] : memref<320000xi32, #tpu.memory_space<hbm>> -> memref<80xi32, #tpu.memory_space<hbm>>
    %dma_start3A_220 = tpu.memref_slice %arg2[%add3A_218] : memref<320000xi32, #tpu.memory_space<hbm>> -> memref<80xi32, #tpu.memory_space<hbm>>
    tpu.enqueue_dma source(%dma_start3A_220 : memref<80xi32, #tpu.memory_space<hbm>>) target(%arg10 : memref<80xi32, #tpu.memory_space<vmem>>) target_semaphore(%arg23 : memref<!tpu.dma_semaphore, #tpu.memory_space<semaphore_mem>>)
    %add3A_221 = arith.constant 240 : i32
    %add3A_222 = arith.addi %mul3A_208, %add3A_221 : i32
    %dma_start3A_223 = tpu.memref_slice %arg2[%add3A_222] : memref<320000xi32, #tpu.memory_space<hbm>> -> memref<80xi32, #tpu.memory_space<hbm>>
    %dma_start3A_224 = tpu.memref_slice %arg2[%add3A_222] : memref<320000xi32, #tpu.memory_space<hbm>> -> memref<80xi32, #tpu.memory_space<hbm>>
    tpu.enqueue_dma source(%dma_start3A_224 : memref<80xi32, #tpu.memory_space<hbm>>) target(%arg11 : memref<80xi32, #tpu.memory_space<vmem>>) target_semaphore(%arg24 : memref<!tpu.dma_semaphore, #tpu.memory_space<semaphore_mem>>)
    %dma_wait3A_225 = arith.constant 0 : i32
    %dma_wait3A_226 = tpu.memref_slice %arg2[%dma_wait3A_225] : memref<320000xi32, #tpu.memory_space<hbm>> -> memref<80xi32, #tpu.memory_space<hbm>>
    %dma_wait3A_227 = arith.constant 0 : i32
    %dma_wait3A_228 = tpu.memref_slice %arg2[%dma_wait3A_227] : memref<320000xi32, #tpu.memory_space<hbm>> -> memref<80xi32, #tpu.memory_space<hbm>>
    tpu.wait_dma2 semaphore(%arg21 : memref<!tpu.dma_semaphore, #tpu.memory_space<semaphore_mem>>) src(%dma_wait3A_228 : memref<80xi32, #tpu.memory_space<hbm>>) dst(%arg8 : memref<80xi32, #tpu.memory_space<vmem>>)
    %add3A_229 = arith.constant 0 : i32
    %add3A_230 = arith.addi %mul3A_208, %add3A_229 : i32
    %dma_start3A_231 = arith.constant 0 : i32
    %dma_start3A_232 = tpu.memref_slice %arg3[%add3A_230, %dma_start3A_231] : memref<320000x16xf32, #tpu.memory_space<hbm>> -> memref<80x16xf32, #tpu.memory_space<hbm>>
    %dma_start3A_233 = arith.constant 0 : i32
    %dma_start3A_234 = tpu.memref_slice %arg3[%add3A_230, %dma_start3A_233] : memref<320000x16xf32, #tpu.memory_space<hbm>> -> memref<80x16xf32, #tpu.memory_space<hbm>>
    tpu.enqueue_dma source(%dma_start3A_234 : memref<80x16xf32, #tpu.memory_space<hbm>>) target(%arg16 : memref<80x16xf32, #tpu.memory_space<vmem>>) target_semaphore(%arg29 : memref<!tpu.dma_semaphore, #tpu.memory_space<semaphore_mem>>)
    %dma_wait3A_235 = arith.constant 0 : i32
    %dma_wait3A_236 = tpu.memref_slice %arg2[%dma_wait3A_235] : memref<320000xi32, #tpu.memory_space<hbm>> -> memref<80xi32, #tpu.memory_space<hbm>>
    %dma_wait3A_237 = arith.constant 0 : i32
    %dma_wait3A_238 = tpu.memref_slice %arg2[%dma_wait3A_237] : memref<320000xi32, #tpu.memory_space<hbm>> -> memref<80xi32, #tpu.memory_space<hbm>>
    tpu.wait_dma2 semaphore(%arg22 : memref<!tpu.dma_semaphore, #tpu.memory_space<semaphore_mem>>) src(%dma_wait3A_238 : memref<80xi32, #tpu.memory_space<hbm>>) dst(%arg9 : memref<80xi32, #tpu.memory_space<vmem>>)
    %add3A_239 = arith.constant 80 : i32
    %add3A_240 = arith.addi %mul3A_208, %add3A_239 : i32
    %dma_start3A_241 = arith.constant 0 : i32
    %dma_start3A_242 = tpu.memref_slice %arg3[%add3A_240, %dma_start3A_241] : memref<320000x16xf32, #tpu.memory_space<hbm>> -> memref<80x16xf32, #tpu.memory_space<hbm>>
    %dma_start3A_243 = arith.constant 0 : i32
    %dma_start3A_244 = tpu.memref_slice %arg3[%add3A_240, %dma_start3A_243] : memref<320000x16xf32, #tpu.memory_space<hbm>> -> memref<80x16xf32, #tpu.memory_space<hbm>>
    tpu.enqueue_dma source(%dma_start3A_244 : memref<80x16xf32, #tpu.memory_space<hbm>>) target(%arg17 : memref<80x16xf32, #tpu.memory_space<vmem>>) target_semaphore(%arg30 : memref<!tpu.dma_semaphore, #tpu.memory_space<semaphore_mem>>)
    %scan3A_245 = arith.constant 0 : i32
    %scan3A_246 = arith.constant 0 : i32
    %scan3A_247 = arith.constant 16 : i32
    %scan3A_248 = arith.addi %scan3A_246, %scan3A_247 : i32
    %scan3A_249 = arith.constant 1 : i32
    scf.for %scan3A_284 = %scan3A_246 to %scan3A_248 step %scan3A_249  : i32 {
      %mul3A_285 = arith.constant 8 : i32
      %mul3A_286 = arith.muli %scan3A_284, %mul3A_285 : i32
      %add3A_287 = arith.constant 0 : i32
      %add3A_288 = arith.addi %mul3A_286, %add3A_287 : i32
      %lt3A = arith.constant 125 : i32
      %lt3A_289 = arith.cmpi slt, %add3A_288, %lt3A : i32
      %convert_element_type3A = arith.extui %lt3A_289 : i1 to i32
      %cond3A = arith.constant 0 : i32
      %cond3A_290 = arith.cmpi ne, %convert_element_type3A, %cond3A : i32
      scf.if %cond3A_290 {
        %dma_wait3A_354 = arith.constant 0 : i32
        %dma_wait3A_355 = arith.constant 0 : i32
        %dma_wait3A_356 = tpu.memref_slice %arg3[%dma_wait3A_354, %dma_wait3A_355] : memref<320000x16xf32, #tpu.memory_space<hbm>> -> memref<80x16xf32, #tpu.memory_space<hbm>>
        %dma_wait3A_357 = arith.constant 0 : i32
        %dma_wait3A_358 = arith.constant 0 : i32
        %dma_wait3A_359 = tpu.memref_slice %arg3[%dma_wait3A_357, %dma_wait3A_358] : memref<320000x16xf32, #tpu.memory_space<hbm>> -> memref<80x16xf32, #tpu.memory_space<hbm>>
        tpu.wait_dma2 semaphore(%arg29 : memref<!tpu.dma_semaphore, #tpu.memory_space<semaphore_mem>>) src(%dma_wait3A_359 : memref<80x16xf32, #tpu.memory_space<hbm>>) dst(%arg16 : memref<80x16xf32, #tpu.memory_space<vmem>>)
        %dma_start3A_360 = arith.constant 0 : i32
        %dma_start3A_361 = arith.constant 0 : i32
        %dma_start3A_362 = tpu.memref_slice %arg6[%dma_start3A_360, %dma_start3A_361] : memref<10240x16xf32, #tpu.memory_space<vmem_shared>> -> memref<10240x16xf32, #tpu.memory_space<vmem_shared>>
        tpu.enqueue_indirect_dma source(%arg16 : memref<80x16xf32, #tpu.memory_space<vmem>>) target(%dma_start3A_362 : memref<10240x16xf32, #tpu.memory_space<vmem_shared>>) offsets(%arg8 : memref<80xi32, #tpu.memory_space<vmem>>) semaphore(%arg33 : memref<!tpu.dma_semaphore, #tpu.memory_space<semaphore_mem>>) {add = true}
        %dma_start3A_363 = arith.constant 0 : i32
        %dma_start3A_364 = arith.constant 0 : i32
        %dma_start3A_365 = tpu.memref_slice %arg7[%dma_start3A_363, %dma_start3A_364] : memref<10240x16xf32, #tpu.memory_space<vmem_shared>> -> memref<10240x16xf32, #tpu.memory_space<vmem_shared>>
        tpu.enqueue_indirect_dma source(%arg20 : memref<80x16xf32, #tpu.memory_space<vmem>>) target(%dma_start3A_365 : memref<10240x16xf32, #tpu.memory_space<vmem_shared>>) offsets(%arg8 : memref<80xi32, #tpu.memory_space<vmem>>) semaphore(%arg33 : memref<!tpu.dma_semaphore, #tpu.memory_space<semaphore_mem>>) {add = true}
        %ge3A = arith.constant 2 : i32
        %ge3A_366 = arith.cmpi sge, %add3A_288, %ge3A : i32
        %convert_element_type3A_367 = arith.extui %ge3A_366 : i1 to i32
        %cond3A_368 = arith.constant 0 : i32
        %cond3A_369 = arith.cmpi ne, %convert_element_type3A_367, %cond3A_368 : i32
        scf.if %cond3A_369 {
          %dma_wait3A_384 = arith.constant 0 : i32
          %dma_wait3A_385 = arith.constant 0 : i32
          %dma_wait3A_386 = tpu.memref_slice %arg6[%dma_wait3A_384, %dma_wait3A_385] : memref<10240x16xf32, #tpu.memory_space<vmem_shared>> -> memref<10240x16xf32, #tpu.memory_space<vmem_shared>>
          tpu.wait_indirect_dma semaphore(%arg35 : memref<!tpu.dma_semaphore, #tpu.memory_space<semaphore_mem>>) src(%arg18 : memref<80x16xf32, #tpu.memory_space<vmem>>) dst(%dma_wait3A_386 : memref<10240x16xf32, #tpu.memory_space<vmem_shared>>)
          %dma_wait3A_387 = arith.constant 0 : i32
          %dma_wait3A_388 = arith.constant 0 : i32
          %dma_wait3A_389 = tpu.memref_slice %arg7[%dma_wait3A_387, %dma_wait3A_388] : memref<10240x16xf32, #tpu.memory_space<vmem_shared>> -> memref<10240x16xf32, #tpu.memory_space<vmem_shared>>
          tpu.wait_indirect_dma semaphore(%arg35 : memref<!tpu.dma_semaphore, #tpu.memory_space<semaphore_mem>>) src(%arg20 : memref<80x16xf32, #tpu.memory_space<vmem>>) dst(%dma_wait3A_389 : memref<10240x16xf32, #tpu.memory_space<vmem_shared>>)
        } else {
        }
        %add3A_370 = arith.constant 2 : i32
        %add3A_371 = arith.addi %add3A_288, %add3A_370 : i32
        %lt3A_372 = arith.constant 125 : i32
        %lt3A_373 = arith.cmpi slt, %add3A_371, %lt3A_372 : i32
        %convert_element_type3A_374 = arith.extui %lt3A_373 : i1 to i32
        %cond3A_375 = arith.constant 0 : i32
        %cond3A_376 = arith.cmpi ne, %convert_element_type3A_374, %cond3A_375 : i32
        scf.if %cond3A_376 {
          %dma_wait3A_384 = arith.constant 0 : i32
          %dma_wait3A_385 = tpu.memref_slice %arg2[%dma_wait3A_384] : memref<320000xi32, #tpu.memory_space<hbm>> -> memref<80xi32, #tpu.memory_space<hbm>>
          %dma_wait3A_386 = arith.constant 0 : i32
          %dma_wait3A_387 = tpu.memref_slice %arg2[%dma_wait3A_386] : memref<320000xi32, #tpu.memory_space<hbm>> -> memref<80xi32, #tpu.memory_space<hbm>>
          tpu.wait_dma2 semaphore(%arg23 : memref<!tpu.dma_semaphore, #tpu.memory_space<semaphore_mem>>) src(%dma_wait3A_387 : memref<80xi32, #tpu.memory_space<hbm>>) dst(%arg10 : memref<80xi32, #tpu.memory_space<vmem>>)
          %add3A_388 = arith.constant 2 : i32
          %add3A_389 = arith.addi %add3A_288, %add3A_388 : i32
          %mul3A_390 = arith.constant 80 : i32
          %mul3A_391 = arith.muli %add3A_389, %mul3A_390 : i32
          %add3A_392 = arith.addi %mul3A_208, %mul3A_391 : i32
          %dma_start3A_393 = arith.constant 0 : i32
          %dma_start3A_394 = tpu.memref_slice %arg3[%add3A_392, %dma_start3A_393] : memref<320000x16xf32, #tpu.memory_space<hbm>> -> memref<80x16xf32, #tpu.memory_space<hbm>>
          %dma_start3A_395 = arith.constant 0 : i32
          %dma_start3A_396 = tpu.memref_slice %arg3[%add3A_392, %dma_start3A_395] : memref<320000x16xf32, #tpu.memory_space<hbm>> -> memref<80x16xf32, #tpu.memory_space<hbm>>
          tpu.enqueue_dma source(%dma_start3A_396 : memref<80x16xf32, #tpu.memory_space<hbm>>) target(%arg18 : memref<80x16xf32, #tpu.memory_space<vmem>>) target_semaphore(%arg31 : memref<!tpu.dma_semaphore, #tpu.memory_space<semaphore_mem>>)
        } else {
        }
        %add3A_377 = arith.constant 4 : i32
        %add3A_378 = arith.addi %add3A_288, %add3A_377 : i32
        %lt3A_379 = arith.constant 125 : i32
        %lt3A_380 = arith.cmpi slt, %add3A_378, %lt3A_379 : i32
        %convert_element_type3A_381 = arith.extui %lt3A_380 : i1 to i32
        %cond3A_382 = arith.constant 0 : i32
        %cond3A_383 = arith.cmpi ne, %convert_element_type3A_381, %cond3A_382 : i32
        scf.if %cond3A_383 {
          %add3A_384 = arith.constant 4 : i32
          %add3A_385 = arith.addi %add3A_288, %add3A_384 : i32
          %mul3A_386 = arith.constant 80 : i32
          %mul3A_387 = arith.muli %add3A_385, %mul3A_386 : i32
          %add3A_388 = arith.addi %mul3A_208, %mul3A_387 : i32
          %dma_start3A_389 = tpu.memref_slice %arg2[%add3A_388] : memref<320000xi32, #tpu.memory_space<hbm>> -> memref<80xi32, #tpu.memory_space<hbm>>
          %dma_start3A_390 = tpu.memref_slice %arg2[%add3A_388] : memref<320000xi32, #tpu.memory_space<hbm>> -> memref<80xi32, #tpu.memory_space<hbm>>
          tpu.enqueue_dma source(%dma_start3A_390 : memref<80xi32, #tpu.memory_space<hbm>>) target(%arg12 : memref<80xi32, #tpu.memory_space<vmem>>) target_semaphore(%arg25 : memref<!tpu.dma_semaphore, #tpu.memory_space<semaphore_mem>>)
        } else {
        }
      } else {
      }
      %mul3A_291 = arith.constant 8 : i32
      %mul3A_292 = arith.muli %scan3A_284, %mul3A_291 : i32
      %add3A_293 = arith.constant 1 : i32
      %add3A_294 = arith.addi %mul3A_292, %add3A_293 : i32
      %lt3A_295 = arith.constant 125 : i32
      %lt3A_296 = arith.cmpi slt, %add3A_294, %lt3A_295 : i32
      %convert_element_type3A_297 = arith.extui %lt3A_296 : i1 to i32
      %cond3A_298 = arith.constant 0 : i32
      %cond3A_299 = arith.cmpi ne, %convert_element_type3A_297, %cond3A_298 : i32
      scf.if %cond3A_299 {
        %dma_wait3A_354 = arith.constant 0 : i32
        %dma_wait3A_355 = arith.constant 0 : i32
        %dma_wait3A_356 = tpu.memref_slice %arg3[%dma_wait3A_354, %dma_wait3A_355] : memref<320000x16xf32, #tpu.memory_space<hbm>> -> memref<80x16xf32, #tpu.memory_space<hbm>>
        %dma_wait3A_357 = arith.constant 0 : i32
        %dma_wait3A_358 = arith.constant 0 : i32
        %dma_wait3A_359 = tpu.memref_slice %arg3[%dma_wait3A_357, %dma_wait3A_358] : memref<320000x16xf32, #tpu.memory_space<hbm>> -> memref<80x16xf32, #tpu.memory_space<hbm>>
        tpu.wait_dma2 semaphore(%arg30 : memref<!tpu.dma_semaphore, #tpu.memory_space<semaphore_mem>>) src(%dma_wait3A_359 : memref<80x16xf32, #tpu.memory_space<hbm>>) dst(%arg17 : memref<80x16xf32, #tpu.memory_space<vmem>>)
        %dma_start3A_360 = arith.constant 0 : i32
        %dma_start3A_361 = arith.constant 0 : i32
        %dma_start3A_362 = tpu.memref_slice %arg6[%dma_start3A_360, %dma_start3A_361] : memref<10240x16xf32, #tpu.memory_space<vmem_shared>> -> memref<10240x16xf32, #tpu.memory_space<vmem_shared>>
        tpu.enqueue_indirect_dma source(%arg17 : memref<80x16xf32, #tpu.memory_space<vmem>>) target(%dma_start3A_362 : memref<10240x16xf32, #tpu.memory_space<vmem_shared>>) offsets(%arg9 : memref<80xi32, #tpu.memory_space<vmem>>) semaphore(%arg34 : memref<!tpu.dma_semaphore, #tpu.memory_space<semaphore_mem>>) {add = true}
        %dma_start3A_363 = arith.constant 0 : i32
        %dma_start3A_364 = arith.constant 0 : i32
        %dma_start3A_365 = tpu.memref_slice %arg7[%dma_start3A_363, %dma_start3A_364] : memref<10240x16xf32, #tpu.memory_space<vmem_shared>> -> memref<10240x16xf32, #tpu.memory_space<vmem_shared>>
        tpu.enqueue_indirect_dma source(%arg20 : memref<80x16xf32, #tpu.memory_space<vmem>>) target(%dma_start3A_365 : memref<10240x16xf32, #tpu.memory_space<vmem_shared>>) offsets(%arg9 : memref<80xi32, #tpu.memory_space<vmem>>) semaphore(%arg34 : memref<!tpu.dma_semaphore, #tpu.memory_space<semaphore_mem>>) {add = true}
        %ge3A = arith.constant 2 : i32
        %ge3A_366 = arith.cmpi sge, %add3A_294, %ge3A : i32
        %convert_element_type3A_367 = arith.extui %ge3A_366 : i1 to i32
        %cond3A_368 = arith.constant 0 : i32
        %cond3A_369 = arith.cmpi ne, %convert_element_type3A_367, %cond3A_368 : i32
        scf.if %cond3A_369 {
          %dma_wait3A_384 = arith.constant 0 : i32
          %dma_wait3A_385 = arith.constant 0 : i32
          %dma_wait3A_386 = tpu.memref_slice %arg6[%dma_wait3A_384, %dma_wait3A_385] : memref<10240x16xf32, #tpu.memory_space<vmem_shared>> -> memref<10240x16xf32, #tpu.memory_space<vmem_shared>>
          tpu.wait_indirect_dma semaphore(%arg36 : memref<!tpu.dma_semaphore, #tpu.memory_space<semaphore_mem>>) src(%arg19 : memref<80x16xf32, #tpu.memory_space<vmem>>) dst(%dma_wait3A_386 : memref<10240x16xf32, #tpu.memory_space<vmem_shared>>)
          %dma_wait3A_387 = arith.constant 0 : i32
          %dma_wait3A_388 = arith.constant 0 : i32
          %dma_wait3A_389 = tpu.memref_slice %arg7[%dma_wait3A_387, %dma_wait3A_388] : memref<10240x16xf32, #tpu.memory_space<vmem_shared>> -> memref<10240x16xf32, #tpu.memory_space<vmem_shared>>
          tpu.wait_indirect_dma semaphore(%arg36 : memref<!tpu.dma_semaphore, #tpu.memory_space<semaphore_mem>>) src(%arg20 : memref<80x16xf32, #tpu.memory_space<vmem>>) dst(%dma_wait3A_389 : memref<10240x16xf32, #tpu.memory_space<vmem_shared>>)
        } else {
        }
        %add3A_370 = arith.constant 2 : i32
        %add3A_371 = arith.addi %add3A_294, %add3A_370 : i32
        %lt3A_372 = arith.constant 125 : i32
        %lt3A_373 = arith.cmpi slt, %add3A_371, %lt3A_372 : i32
        %convert_element_type3A_374 = arith.extui %lt3A_373 : i1 to i32
        %cond3A_375 = arith.constant 0 : i32
        %cond3A_376 = arith.cmpi ne, %convert_element_type3A_374, %cond3A_375 : i32
        scf.if %cond3A_376 {
          %dma_wait3A_384 = arith.constant 0 : i32
          %dma_wait3A_385 = tpu.memref_slice %arg2[%dma_wait3A_384] : memref<320000xi32, #tpu.memory_space<hbm>> -> memref<80xi32, #tpu.memory_space<hbm>>
          %dma_wait3A_386 = arith.constant 0 : i32
          %dma_wait3A_387 = tpu.memref_slice %arg2[%dma_wait3A_386] : memref<320000xi32, #tpu.memory_space<hbm>> -> memref<80xi32, #tpu.memory_space<hbm>>
          tpu.wait_dma2 semaphore(%arg24 : memref<!tpu.dma_semaphore, #tpu.memory_space<semaphore_mem>>) src(%dma_wait3A_387 : memref<80xi32, #tpu.memory_space<hbm>>) dst(%arg11 : memref<80xi32, #tpu.memory_space<vmem>>)
          %add3A_388 = arith.constant 2 : i32
          %add3A_389 = arith.addi %add3A_294, %add3A_388 : i32
          %mul3A_390 = arith.constant 80 : i32
          %mul3A_391 = arith.muli %add3A_389, %mul3A_390 : i32
          %add3A_392 = arith.addi %mul3A_208, %mul3A_391 : i32
          %dma_start3A_393 = arith.constant 0 : i32
          %dma_start3A_394 = tpu.memref_slice %arg3[%add3A_392, %dma_start3A_393] : memref<320000x16xf32, #tpu.memory_space<hbm>> -> memref<80x16xf32, #tpu.memory_space<hbm>>
          %dma_start3A_395 = arith.constant 0 : i32
          %dma_start3A_396 = tpu.memref_slice %arg3[%add3A_392, %dma_start3A_395] : memref<320000x16xf32, #tpu.memory_space<hbm>> -> memref<80x16xf32, #tpu.memory_space<hbm>>
          tpu.enqueue_dma source(%dma_start3A_396 : memref<80x16xf32, #tpu.memory_space<hbm>>) target(%arg19 : memref<80x16xf32, #tpu.memory_space<vmem>>) target_semaphore(%arg32 : memref<!tpu.dma_semaphore, #tpu.memory_space<semaphore_mem>>)
        } else {
        }
        %add3A_377 = arith.constant 4 : i32
        %add3A_378 = arith.addi %add3A_294, %add3A_377 : i32
        %lt3A_379 = arith.constant 125 : i32
        %lt3A_380 = arith.cmpi slt, %add3A_378, %lt3A_379 : i32
        %convert_element_type3A_381 = arith.extui %lt3A_380 : i1 to i32
        %cond3A_382 = arith.constant 0 : i32
        %cond3A_383 = arith.cmpi ne, %convert_element_type3A_381, %cond3A_382 : i32
        scf.if %cond3A_383 {
          %add3A_384 = arith.constant 4 : i32
          %add3A_385 = arith.addi %add3A_294, %add3A_384 : i32
          %mul3A_386 = arith.constant 80 : i32
          %mul3A_387 = arith.muli %add3A_385, %mul3A_386 : i32
          %add3A_388 = arith.addi %mul3A_208, %mul3A_387 : i32
          %dma_start3A_389 = tpu.memref_slice %arg2[%add3A_388] : memref<320000xi32, #tpu.memory_space<hbm>> -> memref<80xi32, #tpu.memory_space<hbm>>
          %dma_start3A_390 = tpu.memref_slice %arg2[%add3A_388] : memref<320000xi32, #tpu.memory_space<hbm>> -> memref<80xi32, #tpu.memory_space<hbm>>
          tpu.enqueue_dma source(%dma_start3A_390 : memref<80xi32, #tpu.memory_space<hbm>>) target(%arg13 : memref<80xi32, #tpu.memory_space<vmem>>) target_semaphore(%arg26 : memref<!tpu.dma_semaphore, #tpu.memory_space<semaphore_mem>>)
        } else {
        }
      } else {
      }
      %mul3A_300 = arith.constant 8 : i32
      %mul3A_301 = arith.muli %scan3A_284, %mul3A_300 : i32
      %add3A_302 = arith.constant 2 : i32
      %add3A_303 = arith.addi %mul3A_301, %add3A_302 : i32
      %lt3A_304 = arith.constant 125 : i32
      %lt3A_305 = arith.cmpi slt, %add3A_303, %lt3A_304 : i32
      %convert_element_type3A_306 = arith.extui %lt3A_305 : i1 to i32
      %cond3A_307 = arith.constant 0 : i32
      %cond3A_308 = arith.cmpi ne, %convert_element_type3A_306, %cond3A_307 : i32
      scf.if %cond3A_308 {
        %dma_wait3A_354 = arith.constant 0 : i32
        %dma_wait3A_355 = arith.constant 0 : i32
        %dma_wait3A_356 = tpu.memref_slice %arg3[%dma_wait3A_354, %dma_wait3A_355] : memref<320000x16xf32, #tpu.memory_space<hbm>> -> memref<80x16xf32, #tpu.memory_space<hbm>>
        %dma_wait3A_357 = arith.constant 0 : i32
        %dma_wait3A_358 = arith.constant 0 : i32
        %dma_wait3A_359 = tpu.memref_slice %arg3[%dma_wait3A_357, %dma_wait3A_358] : memref<320000x16xf32, #tpu.memory_space<hbm>> -> memref<80x16xf32, #tpu.memory_space<hbm>>
        tpu.wait_dma2 semaphore(%arg31 : memref<!tpu.dma_semaphore, #tpu.memory_space<semaphore_mem>>) src(%dma_wait3A_359 : memref<80x16xf32, #tpu.memory_space<hbm>>) dst(%arg18 : memref<80x16xf32, #tpu.memory_space<vmem>>)
        %dma_start3A_360 = arith.constant 0 : i32
        %dma_start3A_361 = arith.constant 0 : i32
        %dma_start3A_362 = tpu.memref_slice %arg6[%dma_start3A_360, %dma_start3A_361] : memref<10240x16xf32, #tpu.memory_space<vmem_shared>> -> memref<10240x16xf32, #tpu.memory_space<vmem_shared>>
        tpu.enqueue_indirect_dma source(%arg18 : memref<80x16xf32, #tpu.memory_space<vmem>>) target(%dma_start3A_362 : memref<10240x16xf32, #tpu.memory_space<vmem_shared>>) offsets(%arg10 : memref<80xi32, #tpu.memory_space<vmem>>) semaphore(%arg35 : memref<!tpu.dma_semaphore, #tpu.memory_space<semaphore_mem>>) {add = true}
        %dma_start3A_363 = arith.constant 0 : i32
        %dma_start3A_364 = arith.constant 0 : i32
        %dma_start3A_365 = tpu.memref_slice %arg7[%dma_start3A_363, %dma_start3A_364] : memref<10240x16xf32, #tpu.memory_space<vmem_shared>> -> memref<10240x16xf32, #tpu.memory_space<vmem_shared>>
        tpu.enqueue_indirect_dma source(%arg20 : memref<80x16xf32, #tpu.memory_space<vmem>>) target(%dma_start3A_365 : memref<10240x16xf32, #tpu.memory_space<vmem_shared>>) offsets(%arg10 : memref<80xi32, #tpu.memory_space<vmem>>) semaphore(%arg35 : memref<!tpu.dma_semaphore, #tpu.memory_space<semaphore_mem>>) {add = true}
        %ge3A = arith.constant 2 : i32
        %ge3A_366 = arith.cmpi sge, %add3A_303, %ge3A : i32
        %convert_element_type3A_367 = arith.extui %ge3A_366 : i1 to i32
        %cond3A_368 = arith.constant 0 : i32
        %cond3A_369 = arith.cmpi ne, %convert_element_type3A_367, %cond3A_368 : i32
        scf.if %cond3A_369 {
          %dma_wait3A_384 = arith.constant 0 : i32
          %dma_wait3A_385 = arith.constant 0 : i32
          %dma_wait3A_386 = tpu.memref_slice %arg6[%dma_wait3A_384, %dma_wait3A_385] : memref<10240x16xf32, #tpu.memory_space<vmem_shared>> -> memref<10240x16xf32, #tpu.memory_space<vmem_shared>>
          tpu.wait_indirect_dma semaphore(%arg33 : memref<!tpu.dma_semaphore, #tpu.memory_space<semaphore_mem>>) src(%arg16 : memref<80x16xf32, #tpu.memory_space<vmem>>) dst(%dma_wait3A_386 : memref<10240x16xf32, #tpu.memory_space<vmem_shared>>)
          %dma_wait3A_387 = arith.constant 0 : i32
          %dma_wait3A_388 = arith.constant 0 : i32
          %dma_wait3A_389 = tpu.memref_slice %arg7[%dma_wait3A_387, %dma_wait3A_388] : memref<10240x16xf32, #tpu.memory_space<vmem_shared>> -> memref<10240x16xf32, #tpu.memory_space<vmem_shared>>
          tpu.wait_indirect_dma semaphore(%arg33 : memref<!tpu.dma_semaphore, #tpu.memory_space<semaphore_mem>>) src(%arg20 : memref<80x16xf32, #tpu.memory_space<vmem>>) dst(%dma_wait3A_389 : memref<10240x16xf32, #tpu.memory_space<vmem_shared>>)
        } else {
        }
        %add3A_370 = arith.constant 2 : i32
        %add3A_371 = arith.addi %add3A_303, %add3A_370 : i32
        %lt3A_372 = arith.constant 125 : i32
        %lt3A_373 = arith.cmpi slt, %add3A_371, %lt3A_372 : i32
        %convert_element_type3A_374 = arith.extui %lt3A_373 : i1 to i32
        %cond3A_375 = arith.constant 0 : i32
        %cond3A_376 = arith.cmpi ne, %convert_element_type3A_374, %cond3A_375 : i32
        scf.if %cond3A_376 {
          %dma_wait3A_384 = arith.constant 0 : i32
          %dma_wait3A_385 = tpu.memref_slice %arg2[%dma_wait3A_384] : memref<320000xi32, #tpu.memory_space<hbm>> -> memref<80xi32, #tpu.memory_space<hbm>>
          %dma_wait3A_386 = arith.constant 0 : i32
          %dma_wait3A_387 = tpu.memref_slice %arg2[%dma_wait3A_386] : memref<320000xi32, #tpu.memory_space<hbm>> -> memref<80xi32, #tpu.memory_space<hbm>>
          tpu.wait_dma2 semaphore(%arg25 : memref<!tpu.dma_semaphore, #tpu.memory_space<semaphore_mem>>) src(%dma_wait3A_387 : memref<80xi32, #tpu.memory_space<hbm>>) dst(%arg12 : memref<80xi32, #tpu.memory_space<vmem>>)
          %add3A_388 = arith.constant 2 : i32
          %add3A_389 = arith.addi %add3A_303, %add3A_388 : i32
          %mul3A_390 = arith.constant 80 : i32
          %mul3A_391 = arith.muli %add3A_389, %mul3A_390 : i32
          %add3A_392 = arith.addi %mul3A_208, %mul3A_391 : i32
          %dma_start3A_393 = arith.constant 0 : i32
          %dma_start3A_394 = tpu.memref_slice %arg3[%add3A_392, %dma_start3A_393] : memref<320000x16xf32, #tpu.memory_space<hbm>> -> memref<80x16xf32, #tpu.memory_space<hbm>>
          %dma_start3A_395 = arith.constant 0 : i32
          %dma_start3A_396 = tpu.memref_slice %arg3[%add3A_392, %dma_start3A_395] : memref<320000x16xf32, #tpu.memory_space<hbm>> -> memref<80x16xf32, #tpu.memory_space<hbm>>
          tpu.enqueue_dma source(%dma_start3A_396 : memref<80x16xf32, #tpu.memory_space<hbm>>) target(%arg16 : memref<80x16xf32, #tpu.memory_space<vmem>>) target_semaphore(%arg29 : memref<!tpu.dma_semaphore, #tpu.memory_space<semaphore_mem>>)
        } else {
        }
        %add3A_377 = arith.constant 4 : i32
        %add3A_378 = arith.addi %add3A_303, %add3A_377 : i32
        %lt3A_379 = arith.constant 125 : i32
        %lt3A_380 = arith.cmpi slt, %add3A_378, %lt3A_379 : i32
        %convert_element_type3A_381 = arith.extui %lt3A_380 : i1 to i32
        %cond3A_382 = arith.constant 0 : i32
        %cond3A_383 = arith.cmpi ne, %convert_element_type3A_381, %cond3A_382 : i32
        scf.if %cond3A_383 {
          %add3A_384 = arith.constant 4 : i32
          %add3A_385 = arith.addi %add3A_303, %add3A_384 : i32
          %mul3A_386 = arith.constant 80 : i32
          %mul3A_387 = arith.muli %add3A_385, %mul3A_386 : i32
          %add3A_388 = arith.addi %mul3A_208, %mul3A_387 : i32
          %dma_start3A_389 = tpu.memref_slice %arg2[%add3A_388] : memref<320000xi32, #tpu.memory_space<hbm>> -> memref<80xi32, #tpu.memory_space<hbm>>
          %dma_start3A_390 = tpu.memref_slice %arg2[%add3A_388] : memref<320000xi32, #tpu.memory_space<hbm>> -> memref<80xi32, #tpu.memory_space<hbm>>
          tpu.enqueue_dma source(%dma_start3A_390 : memref<80xi32, #tpu.memory_space<hbm>>) target(%arg14 : memref<80xi32, #tpu.memory_space<vmem>>) target_semaphore(%arg27 : memref<!tpu.dma_semaphore, #tpu.memory_space<semaphore_mem>>)
        } else {
        }
      } else {
      }
      %mul3A_309 = arith.constant 8 : i32
      %mul3A_310 = arith.muli %scan3A_284, %mul3A_309 : i32
      %add3A_311 = arith.constant 3 : i32
      %add3A_312 = arith.addi %mul3A_310, %add3A_311 : i32
      %lt3A_313 = arith.constant 125 : i32
      %lt3A_314 = arith.cmpi slt, %add3A_312, %lt3A_313 : i32
      %convert_element_type3A_315 = arith.extui %lt3A_314 : i1 to i32
      %cond3A_316 = arith.constant 0 : i32
      %cond3A_317 = arith.cmpi ne, %convert_element_type3A_315, %cond3A_316 : i32
      scf.if %cond3A_317 {
        %dma_wait3A_354 = arith.constant 0 : i32
        %dma_wait3A_355 = arith.constant 0 : i32
        %dma_wait3A_356 = tpu.memref_slice %arg3[%dma_wait3A_354, %dma_wait3A_355] : memref<320000x16xf32, #tpu.memory_space<hbm>> -> memref<80x16xf32, #tpu.memory_space<hbm>>
        %dma_wait3A_357 = arith.constant 0 : i32
        %dma_wait3A_358 = arith.constant 0 : i32
        %dma_wait3A_359 = tpu.memref_slice %arg3[%dma_wait3A_357, %dma_wait3A_358] : memref<320000x16xf32, #tpu.memory_space<hbm>> -> memref<80x16xf32, #tpu.memory_space<hbm>>
        tpu.wait_dma2 semaphore(%arg32 : memref<!tpu.dma_semaphore, #tpu.memory_space<semaphore_mem>>) src(%dma_wait3A_359 : memref<80x16xf32, #tpu.memory_space<hbm>>) dst(%arg19 : memref<80x16xf32, #tpu.memory_space<vmem>>)
        %dma_start3A_360 = arith.constant 0 : i32
        %dma_start3A_361 = arith.constant 0 : i32
        %dma_start3A_362 = tpu.memref_slice %arg6[%dma_start3A_360, %dma_start3A_361] : memref<10240x16xf32, #tpu.memory_space<vmem_shared>> -> memref<10240x16xf32, #tpu.memory_space<vmem_shared>>
        tpu.enqueue_indirect_dma source(%arg19 : memref<80x16xf32, #tpu.memory_space<vmem>>) target(%dma_start3A_362 : memref<10240x16xf32, #tpu.memory_space<vmem_shared>>) offsets(%arg11 : memref<80xi32, #tpu.memory_space<vmem>>) semaphore(%arg36 : memref<!tpu.dma_semaphore, #tpu.memory_space<semaphore_mem>>) {add = true}
        %dma_start3A_363 = arith.constant 0 : i32
        %dma_start3A_364 = arith.constant 0 : i32
        %dma_start3A_365 = tpu.memref_slice %arg7[%dma_start3A_363, %dma_start3A_364] : memref<10240x16xf32, #tpu.memory_space<vmem_shared>> -> memref<10240x16xf32, #tpu.memory_space<vmem_shared>>
        tpu.enqueue_indirect_dma source(%arg20 : memref<80x16xf32, #tpu.memory_space<vmem>>) target(%dma_start3A_365 : memref<10240x16xf32, #tpu.memory_space<vmem_shared>>) offsets(%arg11 : memref<80xi32, #tpu.memory_space<vmem>>) semaphore(%arg36 : memref<!tpu.dma_semaphore, #tpu.memory_space<semaphore_mem>>) {add = true}
        %ge3A = arith.constant 2 : i32
        %ge3A_366 = arith.cmpi sge, %add3A_312, %ge3A : i32
        %convert_element_type3A_367 = arith.extui %ge3A_366 : i1 to i32
        %cond3A_368 = arith.constant 0 : i32
        %cond3A_369 = arith.cmpi ne, %convert_element_type3A_367, %cond3A_368 : i32
        scf.if %cond3A_369 {
          %dma_wait3A_384 = arith.constant 0 : i32
          %dma_wait3A_385 = arith.constant 0 : i32
          %dma_wait3A_386 = tpu.memref_slice %arg6[%dma_wait3A_384, %dma_wait3A_385] : memref<10240x16xf32, #tpu.memory_space<vmem_shared>> -> memref<10240x16xf32, #tpu.memory_space<vmem_shared>>
          tpu.wait_indirect_dma semaphore(%arg34 : memref<!tpu.dma_semaphore, #tpu.memory_space<semaphore_mem>>) src(%arg17 : memref<80x16xf32, #tpu.memory_space<vmem>>) dst(%dma_wait3A_386 : memref<10240x16xf32, #tpu.memory_space<vmem_shared>>)
          %dma_wait3A_387 = arith.constant 0 : i32
          %dma_wait3A_388 = arith.constant 0 : i32
          %dma_wait3A_389 = tpu.memref_slice %arg7[%dma_wait3A_387, %dma_wait3A_388] : memref<10240x16xf32, #tpu.memory_space<vmem_shared>> -> memref<10240x16xf32, #tpu.memory_space<vmem_shared>>
          tpu.wait_indirect_dma semaphore(%arg34 : memref<!tpu.dma_semaphore, #tpu.memory_space<semaphore_mem>>) src(%arg20 : memref<80x16xf32, #tpu.memory_space<vmem>>) dst(%dma_wait3A_389 : memref<10240x16xf32, #tpu.memory_space<vmem_shared>>)
        } else {
        }
        %add3A_370 = arith.constant 2 : i32
        %add3A_371 = arith.addi %add3A_312, %add3A_370 : i32
        %lt3A_372 = arith.constant 125 : i32
        %lt3A_373 = arith.cmpi slt, %add3A_371, %lt3A_372 : i32
        %convert_element_type3A_374 = arith.extui %lt3A_373 : i1 to i32
        %cond3A_375 = arith.constant 0 : i32
        %cond3A_376 = arith.cmpi ne, %convert_element_type3A_374, %cond3A_375 : i32
        scf.if %cond3A_376 {
          %dma_wait3A_384 = arith.constant 0 : i32
          %dma_wait3A_385 = tpu.memref_slice %arg2[%dma_wait3A_384] : memref<320000xi32, #tpu.memory_space<hbm>> -> memref<80xi32, #tpu.memory_space<hbm>>
          %dma_wait3A_386 = arith.constant 0 : i32
          %dma_wait3A_387 = tpu.memref_slice %arg2[%dma_wait3A_386] : memref<320000xi32, #tpu.memory_space<hbm>> -> memref<80xi32, #tpu.memory_space<hbm>>
          tpu.wait_dma2 semaphore(%arg26 : memref<!tpu.dma_semaphore, #tpu.memory_space<semaphore_mem>>) src(%dma_wait3A_387 : memref<80xi32, #tpu.memory_space<hbm>>) dst(%arg13 : memref<80xi32, #tpu.memory_space<vmem>>)
          %add3A_388 = arith.constant 2 : i32
          %add3A_389 = arith.addi %add3A_312, %add3A_388 : i32
          %mul3A_390 = arith.constant 80 : i32
          %mul3A_391 = arith.muli %add3A_389, %mul3A_390 : i32
          %add3A_392 = arith.addi %mul3A_208, %mul3A_391 : i32
          %dma_start3A_393 = arith.constant 0 : i32
          %dma_start3A_394 = tpu.memref_slice %arg3[%add3A_392, %dma_start3A_393] : memref<320000x16xf32, #tpu.memory_space<hbm>> -> memref<80x16xf32, #tpu.memory_space<hbm>>
          %dma_start3A_395 = arith.constant 0 : i32
          %dma_start3A_396 = tpu.memref_slice %arg3[%add3A_392, %dma_start3A_395] : memref<320000x16xf32, #tpu.memory_space<hbm>> -> memref<80x16xf32, #tpu.memory_space<hbm>>
          tpu.enqueue_dma source(%dma_start3A_396 : memref<80x16xf32, #tpu.memory_space<hbm>>) target(%arg17 : memref<80x16xf32, #tpu.memory_space<vmem>>) target_semaphore(%arg30 : memref<!tpu.dma_semaphore, #tpu.memory_space<semaphore_mem>>)
        } else {
        }
        %add3A_377 = arith.constant 4 : i32
        %add3A_378 = arith.addi %add3A_312, %add3A_377 : i32
        %lt3A_379 = arith.constant 125 : i32
        %lt3A_380 = arith.cmpi slt, %add3A_378, %lt3A_379 : i32
        %convert_element_type3A_381 = arith.extui %lt3A_380 : i1 to i32
        %cond3A_382 = arith.constant 0 : i32
        %cond3A_383 = arith.cmpi ne, %convert_element_type3A_381, %cond3A_382 : i32
        scf.if %cond3A_383 {
          %add3A_384 = arith.constant 4 : i32
          %add3A_385 = arith.addi %add3A_312, %add3A_384 : i32
          %mul3A_386 = arith.constant 80 : i32
          %mul3A_387 = arith.muli %add3A_385, %mul3A_386 : i32
          %add3A_388 = arith.addi %mul3A_208, %mul3A_387 : i32
          %dma_start3A_389 = tpu.memref_slice %arg2[%add3A_388] : memref<320000xi32, #tpu.memory_space<hbm>> -> memref<80xi32, #tpu.memory_space<hbm>>
          %dma_start3A_390 = tpu.memref_slice %arg2[%add3A_388] : memref<320000xi32, #tpu.memory_space<hbm>> -> memref<80xi32, #tpu.memory_space<hbm>>
          tpu.enqueue_dma source(%dma_start3A_390 : memref<80xi32, #tpu.memory_space<hbm>>) target(%arg15 : memref<80xi32, #tpu.memory_space<vmem>>) target_semaphore(%arg28 : memref<!tpu.dma_semaphore, #tpu.memory_space<semaphore_mem>>)
        } else {
        }
      } else {
      }
      %mul3A_318 = arith.constant 8 : i32
      %mul3A_319 = arith.muli %scan3A_284, %mul3A_318 : i32
      %add3A_320 = arith.constant 4 : i32
      %add3A_321 = arith.addi %mul3A_319, %add3A_320 : i32
      %lt3A_322 = arith.constant 125 : i32
      %lt3A_323 = arith.cmpi slt, %add3A_321, %lt3A_322 : i32
      %convert_element_type3A_324 = arith.extui %lt3A_323 : i1 to i32
      %cond3A_325 = arith.constant 0 : i32
      %cond3A_326 = arith.cmpi ne, %convert_element_type3A_324, %cond3A_325 : i32
      scf.if %cond3A_326 {
        %dma_wait3A_354 = arith.constant 0 : i32
        %dma_wait3A_355 = arith.constant 0 : i32
        %dma_wait3A_356 = tpu.memref_slice %arg3[%dma_wait3A_354, %dma_wait3A_355] : memref<320000x16xf32, #tpu.memory_space<hbm>> -> memref<80x16xf32, #tpu.memory_space<hbm>>
        %dma_wait3A_357 = arith.constant 0 : i32
        %dma_wait3A_358 = arith.constant 0 : i32
        %dma_wait3A_359 = tpu.memref_slice %arg3[%dma_wait3A_357, %dma_wait3A_358] : memref<320000x16xf32, #tpu.memory_space<hbm>> -> memref<80x16xf32, #tpu.memory_space<hbm>>
        tpu.wait_dma2 semaphore(%arg29 : memref<!tpu.dma_semaphore, #tpu.memory_space<semaphore_mem>>) src(%dma_wait3A_359 : memref<80x16xf32, #tpu.memory_space<hbm>>) dst(%arg16 : memref<80x16xf32, #tpu.memory_space<vmem>>)
        %dma_start3A_360 = arith.constant 0 : i32
        %dma_start3A_361 = arith.constant 0 : i32
        %dma_start3A_362 = tpu.memref_slice %arg6[%dma_start3A_360, %dma_start3A_361] : memref<10240x16xf32, #tpu.memory_space<vmem_shared>> -> memref<10240x16xf32, #tpu.memory_space<vmem_shared>>
        tpu.enqueue_indirect_dma source(%arg16 : memref<80x16xf32, #tpu.memory_space<vmem>>) target(%dma_start3A_362 : memref<10240x16xf32, #tpu.memory_space<vmem_shared>>) offsets(%arg12 : memref<80xi32, #tpu.memory_space<vmem>>) semaphore(%arg33 : memref<!tpu.dma_semaphore, #tpu.memory_space<semaphore_mem>>) {add = true}
        %dma_start3A_363 = arith.constant 0 : i32
        %dma_start3A_364 = arith.constant 0 : i32
        %dma_start3A_365 = tpu.memref_slice %arg7[%dma_start3A_363, %dma_start3A_364] : memref<10240x16xf32, #tpu.memory_space<vmem_shared>> -> memref<10240x16xf32, #tpu.memory_space<vmem_shared>>
        tpu.enqueue_indirect_dma source(%arg20 : memref<80x16xf32, #tpu.memory_space<vmem>>) target(%dma_start3A_365 : memref<10240x16xf32, #tpu.memory_space<vmem_shared>>) offsets(%arg12 : memref<80xi32, #tpu.memory_space<vmem>>) semaphore(%arg33 : memref<!tpu.dma_semaphore, #tpu.memory_space<semaphore_mem>>) {add = true}
        %ge3A = arith.constant 2 : i32
        %ge3A_366 = arith.cmpi sge, %add3A_321, %ge3A : i32
        %convert_element_type3A_367 = arith.extui %ge3A_366 : i1 to i32
        %cond3A_368 = arith.constant 0 : i32
        %cond3A_369 = arith.cmpi ne, %convert_element_type3A_367, %cond3A_368 : i32
        scf.if %cond3A_369 {
          %dma_wait3A_384 = arith.constant 0 : i32
          %dma_wait3A_385 = arith.constant 0 : i32
          %dma_wait3A_386 = tpu.memref_slice %arg6[%dma_wait3A_384, %dma_wait3A_385] : memref<10240x16xf32, #tpu.memory_space<vmem_shared>> -> memref<10240x16xf32, #tpu.memory_space<vmem_shared>>
          tpu.wait_indirect_dma semaphore(%arg35 : memref<!tpu.dma_semaphore, #tpu.memory_space<semaphore_mem>>) src(%arg18 : memref<80x16xf32, #tpu.memory_space<vmem>>) dst(%dma_wait3A_386 : memref<10240x16xf32, #tpu.memory_space<vmem_shared>>)
          %dma_wait3A_387 = arith.constant 0 : i32
          %dma_wait3A_388 = arith.constant 0 : i32
          %dma_wait3A_389 = tpu.memref_slice %arg7[%dma_wait3A_387, %dma_wait3A_388] : memref<10240x16xf32, #tpu.memory_space<vmem_shared>> -> memref<10240x16xf32, #tpu.memory_space<vmem_shared>>
          tpu.wait_indirect_dma semaphore(%arg35 : memref<!tpu.dma_semaphore, #tpu.memory_space<semaphore_mem>>) src(%arg20 : memref<80x16xf32, #tpu.memory_space<vmem>>) dst(%dma_wait3A_389 : memref<10240x16xf32, #tpu.memory_space<vmem_shared>>)
        } else {
        }
        %add3A_370 = arith.constant 2 : i32
        %add3A_371 = arith.addi %add3A_321, %add3A_370 : i32
        %lt3A_372 = arith.constant 125 : i32
        %lt3A_373 = arith.cmpi slt, %add3A_371, %lt3A_372 : i32
        %convert_element_type3A_374 = arith.extui %lt3A_373 : i1 to i32
        %cond3A_375 = arith.constant 0 : i32
        %cond3A_376 = arith.cmpi ne, %convert_element_type3A_374, %cond3A_375 : i32
        scf.if %cond3A_376 {
          %dma_wait3A_384 = arith.constant 0 : i32
          %dma_wait3A_385 = tpu.memref_slice %arg2[%dma_wait3A_384] : memref<320000xi32, #tpu.memory_space<hbm>> -> memref<80xi32, #tpu.memory_space<hbm>>
          %dma_wait3A_386 = arith.constant 0 : i32
          %dma_wait3A_387 = tpu.memref_slice %arg2[%dma_wait3A_386] : memref<320000xi32, #tpu.memory_space<hbm>> -> memref<80xi32, #tpu.memory_space<hbm>>
          tpu.wait_dma2 semaphore(%arg27 : memref<!tpu.dma_semaphore, #tpu.memory_space<semaphore_mem>>) src(%dma_wait3A_387 : memref<80xi32, #tpu.memory_space<hbm>>) dst(%arg14 : memref<80xi32, #tpu.memory_space<vmem>>)
          %add3A_388 = arith.constant 2 : i32
          %add3A_389 = arith.addi %add3A_321, %add3A_388 : i32
          %mul3A_390 = arith.constant 80 : i32
          %mul3A_391 = arith.muli %add3A_389, %mul3A_390 : i32
          %add3A_392 = arith.addi %mul3A_208, %mul3A_391 : i32
          %dma_start3A_393 = arith.constant 0 : i32
          %dma_start3A_394 = tpu.memref_slice %arg3[%add3A_392, %dma_start3A_393] : memref<320000x16xf32, #tpu.memory_space<hbm>> -> memref<80x16xf32, #tpu.memory_space<hbm>>
          %dma_start3A_395 = arith.constant 0 : i32
          %dma_start3A_396 = tpu.memref_slice %arg3[%add3A_392, %dma_start3A_395] : memref<320000x16xf32, #tpu.memory_space<hbm>> -> memref<80x16xf32, #tpu.memory_space<hbm>>
          tpu.enqueue_dma source(%dma_start3A_396 : memref<80x16xf32, #tpu.memory_space<hbm>>) target(%arg18 : memref<80x16xf32, #tpu.memory_space<vmem>>) target_semaphore(%arg31 : memref<!tpu.dma_semaphore, #tpu.memory_space<semaphore_mem>>)
        } else {
        }
        %add3A_377 = arith.constant 4 : i32
        %add3A_378 = arith.addi %add3A_321, %add3A_377 : i32
        %lt3A_379 = arith.constant 125 : i32
        %lt3A_380 = arith.cmpi slt, %add3A_378, %lt3A_379 : i32
        %convert_element_type3A_381 = arith.extui %lt3A_380 : i1 to i32
        %cond3A_382 = arith.constant 0 : i32
        %cond3A_383 = arith.cmpi ne, %convert_element_type3A_381, %cond3A_382 : i32
        scf.if %cond3A_383 {
          %add3A_384 = arith.constant 4 : i32
          %add3A_385 = arith.addi %add3A_321, %add3A_384 : i32
          %mul3A_386 = arith.constant 80 : i32
          %mul3A_387 = arith.muli %add3A_385, %mul3A_386 : i32
          %add3A_388 = arith.addi %mul3A_208, %mul3A_387 : i32
          %dma_start3A_389 = tpu.memref_slice %arg2[%add3A_388] : memref<320000xi32, #tpu.memory_space<hbm>> -> memref<80xi32, #tpu.memory_space<hbm>>
          %dma_start3A_390 = tpu.memref_slice %arg2[%add3A_388] : memref<320000xi32, #tpu.memory_space<hbm>> -> memref<80xi32, #tpu.memory_space<hbm>>
          tpu.enqueue_dma source(%dma_start3A_390 : memref<80xi32, #tpu.memory_space<hbm>>) target(%arg8 : memref<80xi32, #tpu.memory_space<vmem>>) target_semaphore(%arg21 : memref<!tpu.dma_semaphore, #tpu.memory_space<semaphore_mem>>)
        } else {
        }
      } else {
      }
      %mul3A_327 = arith.constant 8 : i32
      %mul3A_328 = arith.muli %scan3A_284, %mul3A_327 : i32
      %add3A_329 = arith.constant 5 : i32
      %add3A_330 = arith.addi %mul3A_328, %add3A_329 : i32
      %lt3A_331 = arith.constant 125 : i32
      %lt3A_332 = arith.cmpi slt, %add3A_330, %lt3A_331 : i32
      %convert_element_type3A_333 = arith.extui %lt3A_332 : i1 to i32
      %cond3A_334 = arith.constant 0 : i32
      %cond3A_335 = arith.cmpi ne, %convert_element_type3A_333, %cond3A_334 : i32
      scf.if %cond3A_335 {
        %dma_wait3A_354 = arith.constant 0 : i32
        %dma_wait3A_355 = arith.constant 0 : i32
        %dma_wait3A_356 = tpu.memref_slice %arg3[%dma_wait3A_354, %dma_wait3A_355] : memref<320000x16xf32, #tpu.memory_space<hbm>> -> memref<80x16xf32, #tpu.memory_space<hbm>>
        %dma_wait3A_357 = arith.constant 0 : i32
        %dma_wait3A_358 = arith.constant 0 : i32
        %dma_wait3A_359 = tpu.memref_slice %arg3[%dma_wait3A_357, %dma_wait3A_358] : memref<320000x16xf32, #tpu.memory_space<hbm>> -> memref<80x16xf32, #tpu.memory_space<hbm>>
        tpu.wait_dma2 semaphore(%arg30 : memref<!tpu.dma_semaphore, #tpu.memory_space<semaphore_mem>>) src(%dma_wait3A_359 : memref<80x16xf32, #tpu.memory_space<hbm>>) dst(%arg17 : memref<80x16xf32, #tpu.memory_space<vmem>>)
        %dma_start3A_360 = arith.constant 0 : i32
        %dma_start3A_361 = arith.constant 0 : i32
        %dma_start3A_362 = tpu.memref_slice %arg6[%dma_start3A_360, %dma_start3A_361] : memref<10240x16xf32, #tpu.memory_space<vmem_shared>> -> memref<10240x16xf32, #tpu.memory_space<vmem_shared>>
        tpu.enqueue_indirect_dma source(%arg17 : memref<80x16xf32, #tpu.memory_space<vmem>>) target(%dma_start3A_362 : memref<10240x16xf32, #tpu.memory_space<vmem_shared>>) offsets(%arg13 : memref<80xi32, #tpu.memory_space<vmem>>) semaphore(%arg34 : memref<!tpu.dma_semaphore, #tpu.memory_space<semaphore_mem>>) {add = true}
        %dma_start3A_363 = arith.constant 0 : i32
        %dma_start3A_364 = arith.constant 0 : i32
        %dma_start3A_365 = tpu.memref_slice %arg7[%dma_start3A_363, %dma_start3A_364] : memref<10240x16xf32, #tpu.memory_space<vmem_shared>> -> memref<10240x16xf32, #tpu.memory_space<vmem_shared>>
        tpu.enqueue_indirect_dma source(%arg20 : memref<80x16xf32, #tpu.memory_space<vmem>>) target(%dma_start3A_365 : memref<10240x16xf32, #tpu.memory_space<vmem_shared>>) offsets(%arg13 : memref<80xi32, #tpu.memory_space<vmem>>) semaphore(%arg34 : memref<!tpu.dma_semaphore, #tpu.memory_space<semaphore_mem>>) {add = true}
        %ge3A = arith.constant 2 : i32
        %ge3A_366 = arith.cmpi sge, %add3A_330, %ge3A : i32
        %convert_element_type3A_367 = arith.extui %ge3A_366 : i1 to i32
        %cond3A_368 = arith.constant 0 : i32
        %cond3A_369 = arith.cmpi ne, %convert_element_type3A_367, %cond3A_368 : i32
        scf.if %cond3A_369 {
          %dma_wait3A_384 = arith.constant 0 : i32
          %dma_wait3A_385 = arith.constant 0 : i32
          %dma_wait3A_386 = tpu.memref_slice %arg6[%dma_wait3A_384, %dma_wait3A_385] : memref<10240x16xf32, #tpu.memory_space<vmem_shared>> -> memref<10240x16xf32, #tpu.memory_space<vmem_shared>>
          tpu.wait_indirect_dma semaphore(%arg36 : memref<!tpu.dma_semaphore, #tpu.memory_space<semaphore_mem>>) src(%arg19 : memref<80x16xf32, #tpu.memory_space<vmem>>) dst(%dma_wait3A_386 : memref<10240x16xf32, #tpu.memory_space<vmem_shared>>)
          %dma_wait3A_387 = arith.constant 0 : i32
          %dma_wait3A_388 = arith.constant 0 : i32
          %dma_wait3A_389 = tpu.memref_slice %arg7[%dma_wait3A_387, %dma_wait3A_388] : memref<10240x16xf32, #tpu.memory_space<vmem_shared>> -> memref<10240x16xf32, #tpu.memory_space<vmem_shared>>
          tpu.wait_indirect_dma semaphore(%arg36 : memref<!tpu.dma_semaphore, #tpu.memory_space<semaphore_mem>>) src(%arg20 : memref<80x16xf32, #tpu.memory_space<vmem>>) dst(%dma_wait3A_389 : memref<10240x16xf32, #tpu.memory_space<vmem_shared>>)
        } else {
        }
        %add3A_370 = arith.constant 2 : i32
        %add3A_371 = arith.addi %add3A_330, %add3A_370 : i32
        %lt3A_372 = arith.constant 125 : i32
        %lt3A_373 = arith.cmpi slt, %add3A_371, %lt3A_372 : i32
        %convert_element_type3A_374 = arith.extui %lt3A_373 : i1 to i32
        %cond3A_375 = arith.constant 0 : i32
        %cond3A_376 = arith.cmpi ne, %convert_element_type3A_374, %cond3A_375 : i32
        scf.if %cond3A_376 {
          %dma_wait3A_384 = arith.constant 0 : i32
          %dma_wait3A_385 = tpu.memref_slice %arg2[%dma_wait3A_384] : memref<320000xi32, #tpu.memory_space<hbm>> -> memref<80xi32, #tpu.memory_space<hbm>>
          %dma_wait3A_386 = arith.constant 0 : i32
          %dma_wait3A_387 = tpu.memref_slice %arg2[%dma_wait3A_386] : memref<320000xi32, #tpu.memory_space<hbm>> -> memref<80xi32, #tpu.memory_space<hbm>>
          tpu.wait_dma2 semaphore(%arg28 : memref<!tpu.dma_semaphore, #tpu.memory_space<semaphore_mem>>) src(%dma_wait3A_387 : memref<80xi32, #tpu.memory_space<hbm>>) dst(%arg15 : memref<80xi32, #tpu.memory_space<vmem>>)
          %add3A_388 = arith.constant 2 : i32
          %add3A_389 = arith.addi %add3A_330, %add3A_388 : i32
          %mul3A_390 = arith.constant 80 : i32
          %mul3A_391 = arith.muli %add3A_389, %mul3A_390 : i32
          %add3A_392 = arith.addi %mul3A_208, %mul3A_391 : i32
          %dma_start3A_393 = arith.constant 0 : i32
          %dma_start3A_394 = tpu.memref_slice %arg3[%add3A_392, %dma_start3A_393] : memref<320000x16xf32, #tpu.memory_space<hbm>> -> memref<80x16xf32, #tpu.memory_space<hbm>>
          %dma_start3A_395 = arith.constant 0 : i32
          %dma_start3A_396 = tpu.memref_slice %arg3[%add3A_392, %dma_start3A_395] : memref<320000x16xf32, #tpu.memory_space<hbm>> -> memref<80x16xf32, #tpu.memory_space<hbm>>
          tpu.enqueue_dma source(%dma_start3A_396 : memref<80x16xf32, #tpu.memory_space<hbm>>) target(%arg19 : memref<80x16xf32, #tpu.memory_space<vmem>>) target_semaphore(%arg32 : memref<!tpu.dma_semaphore, #tpu.memory_space<semaphore_mem>>)
        } else {
        }
        %add3A_377 = arith.constant 4 : i32
        %add3A_378 = arith.addi %add3A_330, %add3A_377 : i32
        %lt3A_379 = arith.constant 125 : i32
        %lt3A_380 = arith.cmpi slt, %add3A_378, %lt3A_379 : i32
        %convert_element_type3A_381 = arith.extui %lt3A_380 : i1 to i32
        %cond3A_382 = arith.constant 0 : i32
        %cond3A_383 = arith.cmpi ne, %convert_element_type3A_381, %cond3A_382 : i32
        scf.if %cond3A_383 {
          %add3A_384 = arith.constant 4 : i32
          %add3A_385 = arith.addi %add3A_330, %add3A_384 : i32
          %mul3A_386 = arith.constant 80 : i32
          %mul3A_387 = arith.muli %add3A_385, %mul3A_386 : i32
          %add3A_388 = arith.addi %mul3A_208, %mul3A_387 : i32
          %dma_start3A_389 = tpu.memref_slice %arg2[%add3A_388] : memref<320000xi32, #tpu.memory_space<hbm>> -> memref<80xi32, #tpu.memory_space<hbm>>
          %dma_start3A_390 = tpu.memref_slice %arg2[%add3A_388] : memref<320000xi32, #tpu.memory_space<hbm>> -> memref<80xi32, #tpu.memory_space<hbm>>
          tpu.enqueue_dma source(%dma_start3A_390 : memref<80xi32, #tpu.memory_space<hbm>>) target(%arg9 : memref<80xi32, #tpu.memory_space<vmem>>) target_semaphore(%arg22 : memref<!tpu.dma_semaphore, #tpu.memory_space<semaphore_mem>>)
        } else {
        }
      } else {
      }
      %mul3A_336 = arith.constant 8 : i32
      %mul3A_337 = arith.muli %scan3A_284, %mul3A_336 : i32
      %add3A_338 = arith.constant 6 : i32
      %add3A_339 = arith.addi %mul3A_337, %add3A_338 : i32
      %lt3A_340 = arith.constant 125 : i32
      %lt3A_341 = arith.cmpi slt, %add3A_339, %lt3A_340 : i32
      %convert_element_type3A_342 = arith.extui %lt3A_341 : i1 to i32
      %cond3A_343 = arith.constant 0 : i32
      %cond3A_344 = arith.cmpi ne, %convert_element_type3A_342, %cond3A_343 : i32
      scf.if %cond3A_344 {
        %dma_wait3A_354 = arith.constant 0 : i32
        %dma_wait3A_355 = arith.constant 0 : i32
        %dma_wait3A_356 = tpu.memref_slice %arg3[%dma_wait3A_354, %dma_wait3A_355] : memref<320000x16xf32, #tpu.memory_space<hbm>> -> memref<80x16xf32, #tpu.memory_space<hbm>>
        %dma_wait3A_357 = arith.constant 0 : i32
        %dma_wait3A_358 = arith.constant 0 : i32
        %dma_wait3A_359 = tpu.memref_slice %arg3[%dma_wait3A_357, %dma_wait3A_358] : memref<320000x16xf32, #tpu.memory_space<hbm>> -> memref<80x16xf32, #tpu.memory_space<hbm>>
        tpu.wait_dma2 semaphore(%arg31 : memref<!tpu.dma_semaphore, #tpu.memory_space<semaphore_mem>>) src(%dma_wait3A_359 : memref<80x16xf32, #tpu.memory_space<hbm>>) dst(%arg18 : memref<80x16xf32, #tpu.memory_space<vmem>>)
        %dma_start3A_360 = arith.constant 0 : i32
        %dma_start3A_361 = arith.constant 0 : i32
        %dma_start3A_362 = tpu.memref_slice %arg6[%dma_start3A_360, %dma_start3A_361] : memref<10240x16xf32, #tpu.memory_space<vmem_shared>> -> memref<10240x16xf32, #tpu.memory_space<vmem_shared>>
        tpu.enqueue_indirect_dma source(%arg18 : memref<80x16xf32, #tpu.memory_space<vmem>>) target(%dma_start3A_362 : memref<10240x16xf32, #tpu.memory_space<vmem_shared>>) offsets(%arg14 : memref<80xi32, #tpu.memory_space<vmem>>) semaphore(%arg35 : memref<!tpu.dma_semaphore, #tpu.memory_space<semaphore_mem>>) {add = true}
        %dma_start3A_363 = arith.constant 0 : i32
        %dma_start3A_364 = arith.constant 0 : i32
        %dma_start3A_365 = tpu.memref_slice %arg7[%dma_start3A_363, %dma_start3A_364] : memref<10240x16xf32, #tpu.memory_space<vmem_shared>> -> memref<10240x16xf32, #tpu.memory_space<vmem_shared>>
        tpu.enqueue_indirect_dma source(%arg20 : memref<80x16xf32, #tpu.memory_space<vmem>>) target(%dma_start3A_365 : memref<10240x16xf32, #tpu.memory_space<vmem_shared>>) offsets(%arg14 : memref<80xi32, #tpu.memory_space<vmem>>) semaphore(%arg35 : memref<!tpu.dma_semaphore, #tpu.memory_space<semaphore_mem>>) {add = true}
        %ge3A = arith.constant 2 : i32
        %ge3A_366 = arith.cmpi sge, %add3A_339, %ge3A : i32
        %convert_element_type3A_367 = arith.extui %ge3A_366 : i1 to i32
        %cond3A_368 = arith.constant 0 : i32
        %cond3A_369 = arith.cmpi ne, %convert_element_type3A_367, %cond3A_368 : i32
        scf.if %cond3A_369 {
          %dma_wait3A_384 = arith.constant 0 : i32
          %dma_wait3A_385 = arith.constant 0 : i32
          %dma_wait3A_386 = tpu.memref_slice %arg6[%dma_wait3A_384, %dma_wait3A_385] : memref<10240x16xf32, #tpu.memory_space<vmem_shared>> -> memref<10240x16xf32, #tpu.memory_space<vmem_shared>>
          tpu.wait_indirect_dma semaphore(%arg33 : memref<!tpu.dma_semaphore, #tpu.memory_space<semaphore_mem>>) src(%arg16 : memref<80x16xf32, #tpu.memory_space<vmem>>) dst(%dma_wait3A_386 : memref<10240x16xf32, #tpu.memory_space<vmem_shared>>)
          %dma_wait3A_387 = arith.constant 0 : i32
          %dma_wait3A_388 = arith.constant 0 : i32
          %dma_wait3A_389 = tpu.memref_slice %arg7[%dma_wait3A_387, %dma_wait3A_388] : memref<10240x16xf32, #tpu.memory_space<vmem_shared>> -> memref<10240x16xf32, #tpu.memory_space<vmem_shared>>
          tpu.wait_indirect_dma semaphore(%arg33 : memref<!tpu.dma_semaphore, #tpu.memory_space<semaphore_mem>>) src(%arg20 : memref<80x16xf32, #tpu.memory_space<vmem>>) dst(%dma_wait3A_389 : memref<10240x16xf32, #tpu.memory_space<vmem_shared>>)
        } else {
        }
        %add3A_370 = arith.constant 2 : i32
        %add3A_371 = arith.addi %add3A_339, %add3A_370 : i32
        %lt3A_372 = arith.constant 125 : i32
        %lt3A_373 = arith.cmpi slt, %add3A_371, %lt3A_372 : i32
        %convert_element_type3A_374 = arith.extui %lt3A_373 : i1 to i32
        %cond3A_375 = arith.constant 0 : i32
        %cond3A_376 = arith.cmpi ne, %convert_element_type3A_374, %cond3A_375 : i32
        scf.if %cond3A_376 {
          %dma_wait3A_384 = arith.constant 0 : i32
          %dma_wait3A_385 = tpu.memref_slice %arg2[%dma_wait3A_384] : memref<320000xi32, #tpu.memory_space<hbm>> -> memref<80xi32, #tpu.memory_space<hbm>>
          %dma_wait3A_386 = arith.constant 0 : i32
          %dma_wait3A_387 = tpu.memref_slice %arg2[%dma_wait3A_386] : memref<320000xi32, #tpu.memory_space<hbm>> -> memref<80xi32, #tpu.memory_space<hbm>>
          tpu.wait_dma2 semaphore(%arg21 : memref<!tpu.dma_semaphore, #tpu.memory_space<semaphore_mem>>) src(%dma_wait3A_387 : memref<80xi32, #tpu.memory_space<hbm>>) dst(%arg8 : memref<80xi32, #tpu.memory_space<vmem>>)
          %add3A_388 = arith.constant 2 : i32
          %add3A_389 = arith.addi %add3A_339, %add3A_388 : i32
          %mul3A_390 = arith.constant 80 : i32
          %mul3A_391 = arith.muli %add3A_389, %mul3A_390 : i32
          %add3A_392 = arith.addi %mul3A_208, %mul3A_391 : i32
          %dma_start3A_393 = arith.constant 0 : i32
          %dma_start3A_394 = tpu.memref_slice %arg3[%add3A_392, %dma_start3A_393] : memref<320000x16xf32, #tpu.memory_space<hbm>> -> memref<80x16xf32, #tpu.memory_space<hbm>>
          %dma_start3A_395 = arith.constant 0 : i32
          %dma_start3A_396 = tpu.memref_slice %arg3[%add3A_392, %dma_start3A_395] : memref<320000x16xf32, #tpu.memory_space<hbm>> -> memref<80x16xf32, #tpu.memory_space<hbm>>
          tpu.enqueue_dma source(%dma_start3A_396 : memref<80x16xf32, #tpu.memory_space<hbm>>) target(%arg16 : memref<80x16xf32, #tpu.memory_space<vmem>>) target_semaphore(%arg29 : memref<!tpu.dma_semaphore, #tpu.memory_space<semaphore_mem>>)
        } else {
        }
        %add3A_377 = arith.constant 4 : i32
        %add3A_378 = arith.addi %add3A_339, %add3A_377 : i32
        %lt3A_379 = arith.constant 125 : i32
        %lt3A_380 = arith.cmpi slt, %add3A_378, %lt3A_379 : i32
        %convert_element_type3A_381 = arith.extui %lt3A_380 : i1 to i32
        %cond3A_382 = arith.constant 0 : i32
        %cond3A_383 = arith.cmpi ne, %convert_element_type3A_381, %cond3A_382 : i32
        scf.if %cond3A_383 {
          %add3A_384 = arith.constant 4 : i32
          %add3A_385 = arith.addi %add3A_339, %add3A_384 : i32
          %mul3A_386 = arith.constant 80 : i32
          %mul3A_387 = arith.muli %add3A_385, %mul3A_386 : i32
          %add3A_388 = arith.addi %mul3A_208, %mul3A_387 : i32
          %dma_start3A_389 = tpu.memref_slice %arg2[%add3A_388] : memref<320000xi32, #tpu.memory_space<hbm>> -> memref<80xi32, #tpu.memory_space<hbm>>
          %dma_start3A_390 = tpu.memref_slice %arg2[%add3A_388] : memref<320000xi32, #tpu.memory_space<hbm>> -> memref<80xi32, #tpu.memory_space<hbm>>
          tpu.enqueue_dma source(%dma_start3A_390 : memref<80xi32, #tpu.memory_space<hbm>>) target(%arg10 : memref<80xi32, #tpu.memory_space<vmem>>) target_semaphore(%arg23 : memref<!tpu.dma_semaphore, #tpu.memory_space<semaphore_mem>>)
        } else {
        }
      } else {
      }
      %mul3A_345 = arith.constant 8 : i32
      %mul3A_346 = arith.muli %scan3A_284, %mul3A_345 : i32
      %add3A_347 = arith.constant 7 : i32
      %add3A_348 = arith.addi %mul3A_346, %add3A_347 : i32
      %lt3A_349 = arith.constant 125 : i32
      %lt3A_350 = arith.cmpi slt, %add3A_348, %lt3A_349 : i32
      %convert_element_type3A_351 = arith.extui %lt3A_350 : i1 to i32
      %cond3A_352 = arith.constant 0 : i32
      %cond3A_353 = arith.cmpi ne, %convert_element_type3A_351, %cond3A_352 : i32
      scf.if %cond3A_353 {
        %dma_wait3A_354 = arith.constant 0 : i32
        %dma_wait3A_355 = arith.constant 0 : i32
        %dma_wait3A_356 = tpu.memref_slice %arg3[%dma_wait3A_354, %dma_wait3A_355] : memref<320000x16xf32, #tpu.memory_space<hbm>> -> memref<80x16xf32, #tpu.memory_space<hbm>>
        %dma_wait3A_357 = arith.constant 0 : i32
        %dma_wait3A_358 = arith.constant 0 : i32
        %dma_wait3A_359 = tpu.memref_slice %arg3[%dma_wait3A_357, %dma_wait3A_358] : memref<320000x16xf32, #tpu.memory_space<hbm>> -> memref<80x16xf32, #tpu.memory_space<hbm>>
        tpu.wait_dma2 semaphore(%arg32 : memref<!tpu.dma_semaphore, #tpu.memory_space<semaphore_mem>>) src(%dma_wait3A_359 : memref<80x16xf32, #tpu.memory_space<hbm>>) dst(%arg19 : memref<80x16xf32, #tpu.memory_space<vmem>>)
        %dma_start3A_360 = arith.constant 0 : i32
        %dma_start3A_361 = arith.constant 0 : i32
        %dma_start3A_362 = tpu.memref_slice %arg6[%dma_start3A_360, %dma_start3A_361] : memref<10240x16xf32, #tpu.memory_space<vmem_shared>> -> memref<10240x16xf32, #tpu.memory_space<vmem_shared>>
        tpu.enqueue_indirect_dma source(%arg19 : memref<80x16xf32, #tpu.memory_space<vmem>>) target(%dma_start3A_362 : memref<10240x16xf32, #tpu.memory_space<vmem_shared>>) offsets(%arg15 : memref<80xi32, #tpu.memory_space<vmem>>) semaphore(%arg36 : memref<!tpu.dma_semaphore, #tpu.memory_space<semaphore_mem>>) {add = true}
        %dma_start3A_363 = arith.constant 0 : i32
        %dma_start3A_364 = arith.constant 0 : i32
        %dma_start3A_365 = tpu.memref_slice %arg7[%dma_start3A_363, %dma_start3A_364] : memref<10240x16xf32, #tpu.memory_space<vmem_shared>> -> memref<10240x16xf32, #tpu.memory_space<vmem_shared>>
        tpu.enqueue_indirect_dma source(%arg20 : memref<80x16xf32, #tpu.memory_space<vmem>>) target(%dma_start3A_365 : memref<10240x16xf32, #tpu.memory_space<vmem_shared>>) offsets(%arg15 : memref<80xi32, #tpu.memory_space<vmem>>) semaphore(%arg36 : memref<!tpu.dma_semaphore, #tpu.memory_space<semaphore_mem>>) {add = true}
        %ge3A = arith.constant 2 : i32
        %ge3A_366 = arith.cmpi sge, %add3A_348, %ge3A : i32
        %convert_element_type3A_367 = arith.extui %ge3A_366 : i1 to i32
        %cond3A_368 = arith.constant 0 : i32
        %cond3A_369 = arith.cmpi ne, %convert_element_type3A_367, %cond3A_368 : i32
        scf.if %cond3A_369 {
          %dma_wait3A_384 = arith.constant 0 : i32
          %dma_wait3A_385 = arith.constant 0 : i32
          %dma_wait3A_386 = tpu.memref_slice %arg6[%dma_wait3A_384, %dma_wait3A_385] : memref<10240x16xf32, #tpu.memory_space<vmem_shared>> -> memref<10240x16xf32, #tpu.memory_space<vmem_shared>>
          tpu.wait_indirect_dma semaphore(%arg34 : memref<!tpu.dma_semaphore, #tpu.memory_space<semaphore_mem>>) src(%arg17 : memref<80x16xf32, #tpu.memory_space<vmem>>) dst(%dma_wait3A_386 : memref<10240x16xf32, #tpu.memory_space<vmem_shared>>)
          %dma_wait3A_387 = arith.constant 0 : i32
          %dma_wait3A_388 = arith.constant 0 : i32
          %dma_wait3A_389 = tpu.memref_slice %arg7[%dma_wait3A_387, %dma_wait3A_388] : memref<10240x16xf32, #tpu.memory_space<vmem_shared>> -> memref<10240x16xf32, #tpu.memory_space<vmem_shared>>
          tpu.wait_indirect_dma semaphore(%arg34 : memref<!tpu.dma_semaphore, #tpu.memory_space<semaphore_mem>>) src(%arg20 : memref<80x16xf32, #tpu.memory_space<vmem>>) dst(%dma_wait3A_389 : memref<10240x16xf32, #tpu.memory_space<vmem_shared>>)
        } else {
        }
        %add3A_370 = arith.constant 2 : i32
        %add3A_371 = arith.addi %add3A_348, %add3A_370 : i32
        %lt3A_372 = arith.constant 125 : i32
        %lt3A_373 = arith.cmpi slt, %add3A_371, %lt3A_372 : i32
        %convert_element_type3A_374 = arith.extui %lt3A_373 : i1 to i32
        %cond3A_375 = arith.constant 0 : i32
        %cond3A_376 = arith.cmpi ne, %convert_element_type3A_374, %cond3A_375 : i32
        scf.if %cond3A_376 {
          %dma_wait3A_384 = arith.constant 0 : i32
          %dma_wait3A_385 = tpu.memref_slice %arg2[%dma_wait3A_384] : memref<320000xi32, #tpu.memory_space<hbm>> -> memref<80xi32, #tpu.memory_space<hbm>>
          %dma_wait3A_386 = arith.constant 0 : i32
          %dma_wait3A_387 = tpu.memref_slice %arg2[%dma_wait3A_386] : memref<320000xi32, #tpu.memory_space<hbm>> -> memref<80xi32, #tpu.memory_space<hbm>>
          tpu.wait_dma2 semaphore(%arg22 : memref<!tpu.dma_semaphore, #tpu.memory_space<semaphore_mem>>) src(%dma_wait3A_387 : memref<80xi32, #tpu.memory_space<hbm>>) dst(%arg9 : memref<80xi32, #tpu.memory_space<vmem>>)
          %add3A_388 = arith.constant 2 : i32
          %add3A_389 = arith.addi %add3A_348, %add3A_388 : i32
          %mul3A_390 = arith.constant 80 : i32
          %mul3A_391 = arith.muli %add3A_389, %mul3A_390 : i32
          %add3A_392 = arith.addi %mul3A_208, %mul3A_391 : i32
          %dma_start3A_393 = arith.constant 0 : i32
          %dma_start3A_394 = tpu.memref_slice %arg3[%add3A_392, %dma_start3A_393] : memref<320000x16xf32, #tpu.memory_space<hbm>> -> memref<80x16xf32, #tpu.memory_space<hbm>>
          %dma_start3A_395 = arith.constant 0 : i32
          %dma_start3A_396 = tpu.memref_slice %arg3[%add3A_392, %dma_start3A_395] : memref<320000x16xf32, #tpu.memory_space<hbm>> -> memref<80x16xf32, #tpu.memory_space<hbm>>
          tpu.enqueue_dma source(%dma_start3A_396 : memref<80x16xf32, #tpu.memory_space<hbm>>) target(%arg17 : memref<80x16xf32, #tpu.memory_space<vmem>>) target_semaphore(%arg30 : memref<!tpu.dma_semaphore, #tpu.memory_space<semaphore_mem>>)
        } else {
        }
        %add3A_377 = arith.constant 4 : i32
        %add3A_378 = arith.addi %add3A_348, %add3A_377 : i32
        %lt3A_379 = arith.constant 125 : i32
        %lt3A_380 = arith.cmpi slt, %add3A_378, %lt3A_379 : i32
        %convert_element_type3A_381 = arith.extui %lt3A_380 : i1 to i32
        %cond3A_382 = arith.constant 0 : i32
        %cond3A_383 = arith.cmpi ne, %convert_element_type3A_381, %cond3A_382 : i32
        scf.if %cond3A_383 {
          %add3A_384 = arith.constant 4 : i32
          %add3A_385 = arith.addi %add3A_348, %add3A_384 : i32
          %mul3A_386 = arith.constant 80 : i32
          %mul3A_387 = arith.muli %add3A_385, %mul3A_386 : i32
          %add3A_388 = arith.addi %mul3A_208, %mul3A_387 : i32
          %dma_start3A_389 = tpu.memref_slice %arg2[%add3A_388] : memref<320000xi32, #tpu.memory_space<hbm>> -> memref<80xi32, #tpu.memory_space<hbm>>
          %dma_start3A_390 = tpu.memref_slice %arg2[%add3A_388] : memref<320000xi32, #tpu.memory_space<hbm>> -> memref<80xi32, #tpu.memory_space<hbm>>
          tpu.enqueue_dma source(%dma_start3A_390 : memref<80xi32, #tpu.memory_space<hbm>>) target(%arg11 : memref<80xi32, #tpu.memory_space<vmem>>) target_semaphore(%arg24 : memref<!tpu.dma_semaphore, #tpu.memory_space<semaphore_mem>>)
        } else {
        }
      } else {
      }
    }
    %scan3A_250 = arith.constant 16 : i32
    %dma_wait3A_251 = arith.constant 0 : i32
    %dma_wait3A_252 = arith.constant 0 : i32
    %dma_wait3A_253 = tpu.memref_slice %arg6[%dma_wait3A_251, %dma_wait3A_252] : memref<10240x16xf32, #tpu.memory_space<vmem_shared>> -> memref<10240x16xf32, #tpu.memory_space<vmem_shared>>
    tpu.wait_indirect_dma semaphore(%arg36 : memref<!tpu.dma_semaphore, #tpu.memory_space<semaphore_mem>>) src(%arg19 : memref<80x16xf32, #tpu.memory_space<vmem>>) dst(%dma_wait3A_253 : memref<10240x16xf32, #tpu.memory_space<vmem_shared>>)
    %dma_wait3A_254 = arith.constant 0 : i32
    %dma_wait3A_255 = arith.constant 0 : i32
    %dma_wait3A_256 = tpu.memref_slice %arg7[%dma_wait3A_254, %dma_wait3A_255] : memref<10240x16xf32, #tpu.memory_space<vmem_shared>> -> memref<10240x16xf32, #tpu.memory_space<vmem_shared>>
    tpu.wait_indirect_dma semaphore(%arg36 : memref<!tpu.dma_semaphore, #tpu.memory_space<semaphore_mem>>) src(%arg20 : memref<80x16xf32, #tpu.memory_space<vmem>>) dst(%dma_wait3A_256 : memref<10240x16xf32, #tpu.memory_space<vmem_shared>>)
    %dma_wait3A_257 = arith.constant 0 : i32
    %dma_wait3A_258 = arith.constant 0 : i32
    %dma_wait3A_259 = tpu.memref_slice %arg6[%dma_wait3A_257, %dma_wait3A_258] : memref<10240x16xf32, #tpu.memory_space<vmem_shared>> -> memref<10240x16xf32, #tpu.memory_space<vmem_shared>>
    tpu.wait_indirect_dma semaphore(%arg33 : memref<!tpu.dma_semaphore, #tpu.memory_space<semaphore_mem>>) src(%arg16 : memref<80x16xf32, #tpu.memory_space<vmem>>) dst(%dma_wait3A_259 : memref<10240x16xf32, #tpu.memory_space<vmem_shared>>)
    %dma_wait3A_260 = arith.constant 0 : i32
    %dma_wait3A_261 = arith.constant 0 : i32
    %dma_wait3A_262 = tpu.memref_slice %arg7[%dma_wait3A_260, %dma_wait3A_261] : memref<10240x16xf32, #tpu.memory_space<vmem_shared>> -> memref<10240x16xf32, #tpu.memory_space<vmem_shared>>
    tpu.wait_indirect_dma semaphore(%arg33 : memref<!tpu.dma_semaphore, #tpu.memory_space<semaphore_mem>>) src(%arg20 : memref<80x16xf32, #tpu.memory_space<vmem>>) dst(%dma_wait3A_262 : memref<10240x16xf32, #tpu.memory_space<vmem_shared>>)
    %barrier3A_263 = arith.constant 0 : index
    tpu.barrier barrier_id(%barrier3A_263)
    %dma_start3A_264 = arith.constant 0 : i32
    %dma_start3A_265 = tpu.memref_slice %arg4[%arg0, %mul3A_16, %dma_start3A_264] : memref<2x10240x16xf32, #tpu.memory_space<hbm>> -> memref<1x640x16xf32, #tpu.memory_space<hbm>>
    %dma_start3A_266 = tpu.memref_squeeze %dma_start3A_265 : memref<1x640x16xf32, #tpu.memory_space<hbm>> -> memref<640x16xf32, #tpu.memory_space<hbm>>
    %dma_start3A_267 = arith.constant 0 : i32
    %dma_start3A_268 = tpu.memref_slice %arg6[%mul3A_16, %dma_start3A_267] : memref<10240x16xf32, #tpu.memory_space<vmem_shared>> -> memref<640x16xf32, #tpu.memory_space<vmem_shared>>
    tpu.enqueue_dma source(%dma_start3A_268 : memref<640x16xf32, #tpu.memory_space<vmem_shared>>) target(%dma_start3A_266 : memref<640x16xf32, #tpu.memory_space<hbm>>) target_semaphore(%arg37 : memref<!tpu.dma_semaphore, #tpu.memory_space<semaphore_mem>>)
    %dma_start3A_269 = arith.constant 0 : i32
    %dma_start3A_270 = tpu.memref_slice %arg5[%arg0, %mul3A_16, %dma_start3A_269] : memref<2x10240x16xf32, #tpu.memory_space<hbm>> -> memref<1x640x16xf32, #tpu.memory_space<hbm>>
    %dma_start3A_271 = tpu.memref_squeeze %dma_start3A_270 : memref<1x640x16xf32, #tpu.memory_space<hbm>> -> memref<640x16xf32, #tpu.memory_space<hbm>>
    %dma_start3A_272 = arith.constant 0 : i32
    %dma_start3A_273 = tpu.memref_slice %arg7[%mul3A_16, %dma_start3A_272] : memref<10240x16xf32, #tpu.memory_space<vmem_shared>> -> memref<640x16xf32, #tpu.memory_space<vmem_shared>>
    tpu.enqueue_dma source(%dma_start3A_273 : memref<640x16xf32, #tpu.memory_space<vmem_shared>>) target(%dma_start3A_271 : memref<640x16xf32, #tpu.memory_space<hbm>>) target_semaphore(%arg37 : memref<!tpu.dma_semaphore, #tpu.memory_space<semaphore_mem>>)
    %dma_wait3A_274 = arith.constant 0 : i32
    %dma_wait3A_275 = tpu.memref_slice %arg4[%arg0, %mul3A_16, %dma_wait3A_274] : memref<2x10240x16xf32, #tpu.memory_space<hbm>> -> memref<1x640x16xf32, #tpu.memory_space<hbm>>
    %dma_wait3A_276 = tpu.memref_squeeze %dma_wait3A_275 : memref<1x640x16xf32, #tpu.memory_space<hbm>> -> memref<640x16xf32, #tpu.memory_space<hbm>>
    %dma_wait3A_277 = arith.constant 0 : i32
    %dma_wait3A_278 = tpu.memref_slice %arg6[%mul3A_16, %dma_wait3A_277] : memref<10240x16xf32, #tpu.memory_space<vmem_shared>> -> memref<640x16xf32, #tpu.memory_space<vmem_shared>>
    tpu.wait_dma2 semaphore(%arg37 : memref<!tpu.dma_semaphore, #tpu.memory_space<semaphore_mem>>) src(%dma_wait3A_278 : memref<640x16xf32, #tpu.memory_space<vmem_shared>>) dst(%dma_wait3A_276 : memref<640x16xf32, #tpu.memory_space<hbm>>)
    %dma_wait3A_279 = arith.constant 0 : i32
    %dma_wait3A_280 = tpu.memref_slice %arg5[%arg0, %mul3A_16, %dma_wait3A_279] : memref<2x10240x16xf32, #tpu.memory_space<hbm>> -> memref<1x640x16xf32, #tpu.memory_space<hbm>>
    %dma_wait3A_281 = tpu.memref_squeeze %dma_wait3A_280 : memref<1x640x16xf32, #tpu.memory_space<hbm>> -> memref<640x16xf32, #tpu.memory_space<hbm>>
    %dma_wait3A_282 = arith.constant 0 : i32
    %dma_wait3A_283 = tpu.memref_slice %arg7[%mul3A_16, %dma_wait3A_282] : memref<10240x16xf32, #tpu.memory_space<vmem_shared>> -> memref<640x16xf32, #tpu.memory_space<vmem_shared>>
    tpu.wait_dma2 semaphore(%arg37 : memref<!tpu.dma_semaphore, #tpu.memory_space<semaphore_mem>>) src(%dma_wait3A_283 : memref<640x16xf32, #tpu.memory_space<vmem_shared>>) dst(%dma_wait3A_281 : memref<640x16xf32, #tpu.memory_space<hbm>>)
    return
  }
}

#map = affine_map<(d0, d1) -> (0, 0)>
#map1 = affine_map<(d0, d1) -> (0)>
#map2 = affine_map<(d0, d1) -> (0, 0, 0)>
module attributes {stable_mosaic.version = 14 : i64} {
  func.func @sc_fn(%arg0: i32, %arg1: i32, %arg2: memref<10000x128xf32, #tpu.memory_space<hbm>>, %arg3: memref<320000xi32, #tpu.memory_space<hbm>>, %arg4: memref<320000xi32, #tpu.memory_space<hbm>>, %arg5: memref<2x10240x128xf32, #tpu.memory_space<hbm>>, %arg6: memref<10240x128xf32, #tpu.memory_space<vmem_shared>>, %arg7: memref<80xi32, #tpu.memory_space<vmem>>, %arg8: memref<80xi32, #tpu.memory_space<vmem>>, %arg9: memref<80xi32, #tpu.memory_space<vmem>>, %arg10: memref<80xi32, #tpu.memory_space<vmem>>, %arg11: memref<80xi32, #tpu.memory_space<vmem>>, %arg12: memref<80xi32, #tpu.memory_space<vmem>>, %arg13: memref<80xi32, #tpu.memory_space<vmem>>, %arg14: memref<80xi32, #tpu.memory_space<vmem>>, %arg15: memref<80xi32, #tpu.memory_space<vmem>>, %arg16: memref<80xi32, #tpu.memory_space<vmem>>, %arg17: memref<80xi32, #tpu.memory_space<vmem>>, %arg18: memref<80xi32, #tpu.memory_space<vmem>>, %arg19: memref<80xi32, #tpu.memory_space<vmem>>, %arg20: memref<80xi32, #tpu.memory_space<vmem>>, %arg21: memref<80xi32, #tpu.memory_space<vmem>>, %arg22: memref<80xi32, #tpu.memory_space<vmem>>, %arg23: memref<80x128xf32, #tpu.memory_space<vmem>>, %arg24: memref<80x128xf32, #tpu.memory_space<vmem>>, %arg25: memref<80x128xf32, #tpu.memory_space<vmem>>, %arg26: memref<80x128xf32, #tpu.memory_space<vmem>>, %arg27: memref<!tpu.dma_semaphore, #tpu.memory_space<semaphore_mem>>, %arg28: memref<!tpu.dma_semaphore, #tpu.memory_space<semaphore_mem>>, %arg29: memref<!tpu.dma_semaphore, #tpu.memory_space<semaphore_mem>>, %arg30: memref<!tpu.dma_semaphore, #tpu.memory_space<semaphore_mem>>, %arg31: memref<!tpu.dma_semaphore, #tpu.memory_space<semaphore_mem>>, %arg32: memref<!tpu.dma_semaphore, #tpu.memory_space<semaphore_mem>>, %arg33: memref<!tpu.dma_semaphore, #tpu.memory_space<semaphore_mem>>, %arg34: memref<!tpu.dma_semaphore, #tpu.memory_space<semaphore_mem>>, %arg35: memref<!tpu.dma_semaphore, #tpu.memory_space<semaphore_mem>>, %arg36: memref<!tpu.dma_semaphore, #tpu.memory_space<semaphore_mem>>, %arg37: memref<!tpu.dma_semaphore, #tpu.memory_space<semaphore_mem>>, %arg38: memref<!tpu.dma_semaphore, #tpu.memory_space<semaphore_mem>>, %arg39: memref<!tpu.dma_semaphore, #tpu.memory_space<semaphore_mem>>, %arg40: memref<!tpu.dma_semaphore, #tpu.memory_space<semaphore_mem>>, %arg41: memref<!tpu.dma_semaphore, #tpu.memory_space<semaphore_mem>>, %arg42: memref<!tpu.dma_semaphore, #tpu.memory_space<semaphore_mem>>, %arg43: memref<!tpu.dma_semaphore, #tpu.memory_space<semaphore_mem>>) attributes {dimension_semantics = [#tpu.dimension_semantics<core_parallel>, #tpu.dimension_semantics<subcore_parallel>], iteration_bounds = array<i64: 2, 16>, scalar_prefetch = 0 : i64, scratch_operands = 38 : i64, tpu.core_type = #tpu.core_type<sc_vector_subcore>, window_params = [{transform_indices = #map}, {transform_indices = #map1}, {transform_indices = #map1}, {transform_indices = #map2}]} {
    %mul3A = arith.constant 16 : i32
    %mul3A_0 = arith.muli %arg0, %mul3A : i32
    %add3A = arith.addi %mul3A_0, %arg1 : i32
    %broadcast_in_dim3A = arith.constant 0.000000e+00 : f32
    %broadcast_in_dim3A_1 = vector.broadcast %broadcast_in_dim3A : f32 to vector<16xf32>
    %scan3A = arith.constant 0 : i32
    %scan3A_2 = arith.constant 0 : i32
    %scan3A_3 = arith.constant 640 : i32
    %scan3A_4 = arith.addi %scan3A_2, %scan3A_3 : i32
    %scan3A_5 = arith.constant 1 : i32
    scf.for %scan3A_182 = %scan3A_2 to %scan3A_4 step %scan3A_5  : i32 {
      %jit3A = arith.constant 8 : i32
      %div3A = arith.divsi %scan3A_182, %jit3A : i32
      %sign3A = arith.constant 0 : i32
      %sign3A_183 = arith.cmpi sgt, %scan3A_182, %sign3A : i32
      %sign3A_184 = arith.extui %sign3A_183 : i1 to i32
      %sign3A_185 = arith.constant 0 : i32
      %sign3A_186 = arith.cmpi slt, %scan3A_182, %sign3A_185 : i32
      %sign3A_187 = arith.extui %sign3A_186 : i1 to i32
      %sign3A_188 = arith.subi %sign3A_184, %sign3A_187 : i32
      %sign3A_189 = arith.constant 0 : i32
      %sign3A_190 = arith.cmpi sgt, %jit3A, %sign3A_189 : i32
      %sign3A_191 = arith.extui %sign3A_190 : i1 to i32
      %sign3A_192 = arith.constant 0 : i32
      %sign3A_193 = arith.cmpi slt, %jit3A, %sign3A_192 : i32
      %sign3A_194 = arith.extui %sign3A_193 : i1 to i32
      %sign3A_195 = arith.subi %sign3A_191, %sign3A_194 : i32
      %ne3A = arith.cmpi ne, %sign3A_188, %sign3A_195 : i32
      %rem3A = arith.remsi %scan3A_182, %jit3A : i32
      %ne3A_196 = arith.constant 0 : i32
      %ne3A_197 = arith.cmpi ne, %rem3A, %ne3A_196 : i32
      %and3A = arith.andi %ne3A, %ne3A_197 : i1
      %sub3A = arith.constant 1 : i32
      %sub3A_198 = arith.subi %div3A, %sub3A : i32
      %select_n3A = arith.select %and3A, %sub3A_198, %div3A : i32
      %jit3A_199 = arith.constant 8 : i32
      %eq3A = arith.constant 0 : i32
      %eq3A_200 = arith.cmpi eq, %jit3A_199, %eq3A : i32
      %jit3A_201 = arith.constant 1 : i32
      %select_n3A_202 = arith.select %eq3A_200, %jit3A_201, %jit3A_199 : i32
      %rem3A_203 = arith.remsi %scan3A_182, %select_n3A_202 : i32
      %ne3A_204 = arith.constant 0 : i32
      %ne3A_205 = arith.cmpi ne, %rem3A_203, %ne3A_204 : i32
      %lt3A = arith.constant 0 : i32
      %lt3A_206 = arith.cmpi slt, %rem3A_203, %lt3A : i32
      %lt3A_207 = arith.constant 0 : i32
      %lt3A_208 = arith.cmpi slt, %select_n3A_202, %lt3A_207 : i32
      %ne3A_209 = arith.xori %lt3A_206, %lt3A_208 : i1
      %and3A_210 = arith.andi %ne3A_209, %ne3A_205 : i1
      %add3A_211 = arith.addi %rem3A_203, %select_n3A_202 : i32
      %select_n3A_212 = arith.select %and3A_210, %add3A_211, %rem3A_203 : i32
      %mul3A_213 = arith.constant 16 : i32
      %mul3A_214 = arith.muli %select_n3A_212, %mul3A_213 : i32
      %swap3A = arith.index_cast %select_n3A : i32 to index
      %swap3A_215 = arith.index_cast %mul3A_214 : i32 to index
      %swap3A_216 = tpu.vector_load %arg23[%swap3A, %swap3A_215] {strides = array<i32>} : memref<80x128xf32, #tpu.memory_space<vmem>>, vector<1x16xf32>,
      %swap3A_217 = vector.shape_cast %swap3A_216 : vector<1x16xf32> to vector<16xf32>
      %swap3A_218 = vector.shape_cast %broadcast_in_dim3A_1 : vector<16xf32> to vector<1x16xf32>
      tpu.vector_store %arg23[%swap3A, %swap3A_215], %swap3A_218 {strides = array<i32>} : memref<80x128xf32, #tpu.memory_space<vmem>>, vector<1x16xf32>,
    }
    %scan3A_6 = arith.constant 640 : i32
    %mul3A_7 = arith.constant 640 : i32
    %mul3A_8 = arith.muli %arg1, %mul3A_7 : i32
    %add3A_9 = arith.constant 0 : i32
    %add3A_10 = arith.addi %mul3A_8, %add3A_9 : i32
    %dma_start3A = arith.constant 0 : i32
    %dma_start3A_11 = tpu.memref_slice %arg6[%add3A_10, %dma_start3A] : memref<10240x128xf32, #tpu.memory_space<vmem_shared>> -> memref<80x128xf32, #tpu.memory_space<vmem_shared>>
    %dma_start3A_12 = arith.constant 0 : i32
    %dma_start3A_13 = tpu.memref_slice %arg6[%add3A_10, %dma_start3A_12] : memref<10240x128xf32, #tpu.memory_space<vmem_shared>> -> memref<80x128xf32, #tpu.memory_space<vmem_shared>>
    tpu.enqueue_dma source(%arg23 : memref<80x128xf32, #tpu.memory_space<vmem>>) target(%dma_start3A_13 : memref<80x128xf32, #tpu.memory_space<vmem_shared>>) target_semaphore(%arg43 : memref<!tpu.dma_semaphore, #tpu.memory_space<semaphore_mem>>)
    %add3A_14 = arith.constant 80 : i32
    %add3A_15 = arith.addi %mul3A_8, %add3A_14 : i32
    %dma_start3A_16 = arith.constant 0 : i32
    %dma_start3A_17 = tpu.memref_slice %arg6[%add3A_15, %dma_start3A_16] : memref<10240x128xf32, #tpu.memory_space<vmem_shared>> -> memref<80x128xf32, #tpu.memory_space<vmem_shared>>
    %dma_start3A_18 = arith.constant 0 : i32
    %dma_start3A_19 = tpu.memref_slice %arg6[%add3A_15, %dma_start3A_18] : memref<10240x128xf32, #tpu.memory_space<vmem_shared>> -> memref<80x128xf32, #tpu.memory_space<vmem_shared>>
    tpu.enqueue_dma source(%arg23 : memref<80x128xf32, #tpu.memory_space<vmem>>) target(%dma_start3A_19 : memref<80x128xf32, #tpu.memory_space<vmem_shared>>) target_semaphore(%arg43 : memref<!tpu.dma_semaphore, #tpu.memory_space<semaphore_mem>>)
    %add3A_20 = arith.constant 160 : i32
    %add3A_21 = arith.addi %mul3A_8, %add3A_20 : i32
    %dma_start3A_22 = arith.constant 0 : i32
    %dma_start3A_23 = tpu.memref_slice %arg6[%add3A_21, %dma_start3A_22] : memref<10240x128xf32, #tpu.memory_space<vmem_shared>> -> memref<80x128xf32, #tpu.memory_space<vmem_shared>>
    %dma_start3A_24 = arith.constant 0 : i32
    %dma_start3A_25 = tpu.memref_slice %arg6[%add3A_21, %dma_start3A_24] : memref<10240x128xf32, #tpu.memory_space<vmem_shared>> -> memref<80x128xf32, #tpu.memory_space<vmem_shared>>
    tpu.enqueue_dma source(%arg23 : memref<80x128xf32, #tpu.memory_space<vmem>>) target(%dma_start3A_25 : memref<80x128xf32, #tpu.memory_space<vmem_shared>>) target_semaphore(%arg43 : memref<!tpu.dma_semaphore, #tpu.memory_space<semaphore_mem>>)
    %add3A_26 = arith.constant 240 : i32
    %add3A_27 = arith.addi %mul3A_8, %add3A_26 : i32
    %dma_start3A_28 = arith.constant 0 : i32
    %dma_start3A_29 = tpu.memref_slice %arg6[%add3A_27, %dma_start3A_28] : memref<10240x128xf32, #tpu.memory_space<vmem_shared>> -> memref<80x128xf32, #tpu.memory_space<vmem_shared>>
    %dma_start3A_30 = arith.constant 0 : i32
    %dma_start3A_31 = tpu.memref_slice %arg6[%add3A_27, %dma_start3A_30] : memref<10240x128xf32, #tpu.memory_space<vmem_shared>> -> memref<80x128xf32, #tpu.memory_space<vmem_shared>>
    tpu.enqueue_dma source(%arg23 : memref<80x128xf32, #tpu.memory_space<vmem>>) target(%dma_start3A_31 : memref<80x128xf32, #tpu.memory_space<vmem_shared>>) target_semaphore(%arg43 : memref<!tpu.dma_semaphore, #tpu.memory_space<semaphore_mem>>)
    %add3A_32 = arith.constant 320 : i32
    %add3A_33 = arith.addi %mul3A_8, %add3A_32 : i32
    %dma_start3A_34 = arith.constant 0 : i32
    %dma_start3A_35 = tpu.memref_slice %arg6[%add3A_33, %dma_start3A_34] : memref<10240x128xf32, #tpu.memory_space<vmem_shared>> -> memref<80x128xf32, #tpu.memory_space<vmem_shared>>
    %dma_start3A_36 = arith.constant 0 : i32
    %dma_start3A_37 = tpu.memref_slice %arg6[%add3A_33, %dma_start3A_36] : memref<10240x128xf32, #tpu.memory_space<vmem_shared>> -> memref<80x128xf32, #tpu.memory_space<vmem_shared>>
    tpu.enqueue_dma source(%arg23 : memref<80x128xf32, #tpu.memory_space<vmem>>) target(%dma_start3A_37 : memref<80x128xf32, #tpu.memory_space<vmem_shared>>) target_semaphore(%arg43 : memref<!tpu.dma_semaphore, #tpu.memory_space<semaphore_mem>>)
    %add3A_38 = arith.constant 400 : i32
    %add3A_39 = arith.addi %mul3A_8, %add3A_38 : i32
    %dma_start3A_40 = arith.constant 0 : i32
    %dma_start3A_41 = tpu.memref_slice %arg6[%add3A_39, %dma_start3A_40] : memref<10240x128xf32, #tpu.memory_space<vmem_shared>> -> memref<80x128xf32, #tpu.memory_space<vmem_shared>>
    %dma_start3A_42 = arith.constant 0 : i32
    %dma_start3A_43 = tpu.memref_slice %arg6[%add3A_39, %dma_start3A_42] : memref<10240x128xf32, #tpu.memory_space<vmem_shared>> -> memref<80x128xf32, #tpu.memory_space<vmem_shared>>
    tpu.enqueue_dma source(%arg23 : memref<80x128xf32, #tpu.memory_space<vmem>>) target(%dma_start3A_43 : memref<80x128xf32, #tpu.memory_space<vmem_shared>>) target_semaphore(%arg43 : memref<!tpu.dma_semaphore, #tpu.memory_space<semaphore_mem>>)
    %add3A_44 = arith.constant 480 : i32
    %add3A_45 = arith.addi %mul3A_8, %add3A_44 : i32
    %dma_start3A_46 = arith.constant 0 : i32
    %dma_start3A_47 = tpu.memref_slice %arg6[%add3A_45, %dma_start3A_46] : memref<10240x128xf32, #tpu.memory_space<vmem_shared>> -> memref<80x128xf32, #tpu.memory_space<vmem_shared>>
    %dma_start3A_48 = arith.constant 0 : i32
    %dma_start3A_49 = tpu.memref_slice %arg6[%add3A_45, %dma_start3A_48] : memref<10240x128xf32, #tpu.memory_space<vmem_shared>> -> memref<80x128xf32, #tpu.memory_space<vmem_shared>>
    tpu.enqueue_dma source(%arg23 : memref<80x128xf32, #tpu.memory_space<vmem>>) target(%dma_start3A_49 : memref<80x128xf32, #tpu.memory_space<vmem_shared>>) target_semaphore(%arg43 : memref<!tpu.dma_semaphore, #tpu.memory_space<semaphore_mem>>)
    %add3A_50 = arith.constant 560 : i32
    %add3A_51 = arith.addi %mul3A_8, %add3A_50 : i32
    %dma_start3A_52 = arith.constant 0 : i32
    %dma_start3A_53 = tpu.memref_slice %arg6[%add3A_51, %dma_start3A_52] : memref<10240x128xf32, #tpu.memory_space<vmem_shared>> -> memref<80x128xf32, #tpu.memory_space<vmem_shared>>
    %dma_start3A_54 = arith.constant 0 : i32
    %dma_start3A_55 = tpu.memref_slice %arg6[%add3A_51, %dma_start3A_54] : memref<10240x128xf32, #tpu.memory_space<vmem_shared>> -> memref<80x128xf32, #tpu.memory_space<vmem_shared>>
    tpu.enqueue_dma source(%arg23 : memref<80x128xf32, #tpu.memory_space<vmem>>) target(%dma_start3A_55 : memref<80x128xf32, #tpu.memory_space<vmem_shared>>) target_semaphore(%arg43 : memref<!tpu.dma_semaphore, #tpu.memory_space<semaphore_mem>>)
    %add3A_56 = arith.constant 0 : i32
    %add3A_57 = arith.addi %mul3A_8, %add3A_56 : i32
    %dma_wait3A = arith.constant 0 : i32
    %dma_wait3A_58 = tpu.memref_slice %arg6[%add3A_57, %dma_wait3A] : memref<10240x128xf32, #tpu.memory_space<vmem_shared>> -> memref<80x128xf32, #tpu.memory_space<vmem_shared>>
    %dma_wait3A_59 = arith.constant 0 : i32
    %dma_wait3A_60 = tpu.memref_slice %arg6[%add3A_57, %dma_wait3A_59] : memref<10240x128xf32, #tpu.memory_space<vmem_shared>> -> memref<80x128xf32, #tpu.memory_space<vmem_shared>>
    tpu.wait_dma2 semaphore(%arg43 : memref<!tpu.dma_semaphore, #tpu.memory_space<semaphore_mem>>) src(%arg23 : memref<80x128xf32, #tpu.memory_space<vmem>>) dst(%dma_wait3A_60 : memref<80x128xf32, #tpu.memory_space<vmem_shared>>)
    %add3A_61 = arith.constant 80 : i32
    %add3A_62 = arith.addi %mul3A_8, %add3A_61 : i32
    %dma_wait3A_63 = arith.constant 0 : i32
    %dma_wait3A_64 = tpu.memref_slice %arg6[%add3A_62, %dma_wait3A_63] : memref<10240x128xf32, #tpu.memory_space<vmem_shared>> -> memref<80x128xf32, #tpu.memory_space<vmem_shared>>
    %dma_wait3A_65 = arith.constant 0 : i32
    %dma_wait3A_66 = tpu.memref_slice %arg6[%add3A_62, %dma_wait3A_65] : memref<10240x128xf32, #tpu.memory_space<vmem_shared>> -> memref<80x128xf32, #tpu.memory_space<vmem_shared>>
    tpu.wait_dma2 semaphore(%arg43 : memref<!tpu.dma_semaphore, #tpu.memory_space<semaphore_mem>>) src(%arg23 : memref<80x128xf32, #tpu.memory_space<vmem>>) dst(%dma_wait3A_66 : memref<80x128xf32, #tpu.memory_space<vmem_shared>>)
    %add3A_67 = arith.constant 160 : i32
    %add3A_68 = arith.addi %mul3A_8, %add3A_67 : i32
    %dma_wait3A_69 = arith.constant 0 : i32
    %dma_wait3A_70 = tpu.memref_slice %arg6[%add3A_68, %dma_wait3A_69] : memref<10240x128xf32, #tpu.memory_space<vmem_shared>> -> memref<80x128xf32, #tpu.memory_space<vmem_shared>>
    %dma_wait3A_71 = arith.constant 0 : i32
    %dma_wait3A_72 = tpu.memref_slice %arg6[%add3A_68, %dma_wait3A_71] : memref<10240x128xf32, #tpu.memory_space<vmem_shared>> -> memref<80x128xf32, #tpu.memory_space<vmem_shared>>
    tpu.wait_dma2 semaphore(%arg43 : memref<!tpu.dma_semaphore, #tpu.memory_space<semaphore_mem>>) src(%arg23 : memref<80x128xf32, #tpu.memory_space<vmem>>) dst(%dma_wait3A_72 : memref<80x128xf32, #tpu.memory_space<vmem_shared>>)
    %add3A_73 = arith.constant 240 : i32
    %add3A_74 = arith.addi %mul3A_8, %add3A_73 : i32
    %dma_wait3A_75 = arith.constant 0 : i32
    %dma_wait3A_76 = tpu.memref_slice %arg6[%add3A_74, %dma_wait3A_75] : memref<10240x128xf32, #tpu.memory_space<vmem_shared>> -> memref<80x128xf32, #tpu.memory_space<vmem_shared>>
    %dma_wait3A_77 = arith.constant 0 : i32
    %dma_wait3A_78 = tpu.memref_slice %arg6[%add3A_74, %dma_wait3A_77] : memref<10240x128xf32, #tpu.memory_space<vmem_shared>> -> memref<80x128xf32, #tpu.memory_space<vmem_shared>>
    tpu.wait_dma2 semaphore(%arg43 : memref<!tpu.dma_semaphore, #tpu.memory_space<semaphore_mem>>) src(%arg23 : memref<80x128xf32, #tpu.memory_space<vmem>>) dst(%dma_wait3A_78 : memref<80x128xf32, #tpu.memory_space<vmem_shared>>)
    %add3A_79 = arith.constant 320 : i32
    %add3A_80 = arith.addi %mul3A_8, %add3A_79 : i32
    %dma_wait3A_81 = arith.constant 0 : i32
    %dma_wait3A_82 = tpu.memref_slice %arg6[%add3A_80, %dma_wait3A_81] : memref<10240x128xf32, #tpu.memory_space<vmem_shared>> -> memref<80x128xf32, #tpu.memory_space<vmem_shared>>
    %dma_wait3A_83 = arith.constant 0 : i32
    %dma_wait3A_84 = tpu.memref_slice %arg6[%add3A_80, %dma_wait3A_83] : memref<10240x128xf32, #tpu.memory_space<vmem_shared>> -> memref<80x128xf32, #tpu.memory_space<vmem_shared>>
    tpu.wait_dma2 semaphore(%arg43 : memref<!tpu.dma_semaphore, #tpu.memory_space<semaphore_mem>>) src(%arg23 : memref<80x128xf32, #tpu.memory_space<vmem>>) dst(%dma_wait3A_84 : memref<80x128xf32, #tpu.memory_space<vmem_shared>>)
    %add3A_85 = arith.constant 400 : i32
    %add3A_86 = arith.addi %mul3A_8, %add3A_85 : i32
    %dma_wait3A_87 = arith.constant 0 : i32
    %dma_wait3A_88 = tpu.memref_slice %arg6[%add3A_86, %dma_wait3A_87] : memref<10240x128xf32, #tpu.memory_space<vmem_shared>> -> memref<80x128xf32, #tpu.memory_space<vmem_shared>>
    %dma_wait3A_89 = arith.constant 0 : i32
    %dma_wait3A_90 = tpu.memref_slice %arg6[%add3A_86, %dma_wait3A_89] : memref<10240x128xf32, #tpu.memory_space<vmem_shared>> -> memref<80x128xf32, #tpu.memory_space<vmem_shared>>
    tpu.wait_dma2 semaphore(%arg43 : memref<!tpu.dma_semaphore, #tpu.memory_space<semaphore_mem>>) src(%arg23 : memref<80x128xf32, #tpu.memory_space<vmem>>) dst(%dma_wait3A_90 : memref<80x128xf32, #tpu.memory_space<vmem_shared>>)
    %add3A_91 = arith.constant 480 : i32
    %add3A_92 = arith.addi %mul3A_8, %add3A_91 : i32
    %dma_wait3A_93 = arith.constant 0 : i32
    %dma_wait3A_94 = tpu.memref_slice %arg6[%add3A_92, %dma_wait3A_93] : memref<10240x128xf32, #tpu.memory_space<vmem_shared>> -> memref<80x128xf32, #tpu.memory_space<vmem_shared>>
    %dma_wait3A_95 = arith.constant 0 : i32
    %dma_wait3A_96 = tpu.memref_slice %arg6[%add3A_92, %dma_wait3A_95] : memref<10240x128xf32, #tpu.memory_space<vmem_shared>> -> memref<80x128xf32, #tpu.memory_space<vmem_shared>>
    tpu.wait_dma2 semaphore(%arg43 : memref<!tpu.dma_semaphore, #tpu.memory_space<semaphore_mem>>) src(%arg23 : memref<80x128xf32, #tpu.memory_space<vmem>>) dst(%dma_wait3A_96 : memref<80x128xf32, #tpu.memory_space<vmem_shared>>)
    %add3A_97 = arith.constant 560 : i32
    %add3A_98 = arith.addi %mul3A_8, %add3A_97 : i32
    %dma_wait3A_99 = arith.constant 0 : i32
    %dma_wait3A_100 = tpu.memref_slice %arg6[%add3A_98, %dma_wait3A_99] : memref<10240x128xf32, #tpu.memory_space<vmem_shared>> -> memref<80x128xf32, #tpu.memory_space<vmem_shared>>
    %dma_wait3A_101 = arith.constant 0 : i32
    %dma_wait3A_102 = tpu.memref_slice %arg6[%add3A_98, %dma_wait3A_101] : memref<10240x128xf32, #tpu.memory_space<vmem_shared>> -> memref<80x128xf32, #tpu.memory_space<vmem_shared>>
    tpu.wait_dma2 semaphore(%arg43 : memref<!tpu.dma_semaphore, #tpu.memory_space<semaphore_mem>>) src(%arg23 : memref<80x128xf32, #tpu.memory_space<vmem>>) dst(%dma_wait3A_102 : memref<80x128xf32, #tpu.memory_space<vmem_shared>>)
    %barrier3A = arith.constant 0 : index
    tpu.barrier barrier_id(%barrier3A)
    %mul3A_103 = arith.constant 10000 : i32
    %mul3A_104 = arith.muli %add3A, %mul3A_103 : i32
    %add3A_105 = arith.constant 0 : i32
    %add3A_106 = arith.addi %mul3A_104, %add3A_105 : i32
    %dma_start3A_107 = tpu.memref_slice %arg3[%add3A_106] : memref<320000xi32, #tpu.memory_space<hbm>> -> memref<80xi32, #tpu.memory_space<hbm>>
    %dma_start3A_108 = tpu.memref_slice %arg3[%add3A_106] : memref<320000xi32, #tpu.memory_space<hbm>> -> memref<80xi32, #tpu.memory_space<hbm>>
    tpu.enqueue_dma source(%dma_start3A_108 : memref<80xi32, #tpu.memory_space<hbm>>) target(%arg7 : memref<80xi32, #tpu.memory_space<vmem>>) target_semaphore(%arg27 : memref<!tpu.dma_semaphore, #tpu.memory_space<semaphore_mem>>)
    %add3A_109 = arith.constant 0 : i32
    %add3A_110 = arith.addi %mul3A_104, %add3A_109 : i32
    %dma_start3A_111 = tpu.memref_slice %arg4[%add3A_110] : memref<320000xi32, #tpu.memory_space<hbm>> -> memref<80xi32, #tpu.memory_space<hbm>>
    %dma_start3A_112 = tpu.memref_slice %arg4[%add3A_110] : memref<320000xi32, #tpu.memory_space<hbm>> -> memref<80xi32, #tpu.memory_space<hbm>>
    tpu.enqueue_dma source(%dma_start3A_112 : memref<80xi32, #tpu.memory_space<hbm>>) target(%arg15 : memref<80xi32, #tpu.memory_space<vmem>>) target_semaphore(%arg27 : memref<!tpu.dma_semaphore, #tpu.memory_space<semaphore_mem>>)
    %add3A_113 = arith.constant 80 : i32
    %add3A_114 = arith.addi %mul3A_104, %add3A_113 : i32
    %dma_start3A_115 = tpu.memref_slice %arg3[%add3A_114] : memref<320000xi32, #tpu.memory_space<hbm>> -> memref<80xi32, #tpu.memory_space<hbm>>
    %dma_start3A_116 = tpu.memref_slice %arg3[%add3A_114] : memref<320000xi32, #tpu.memory_space<hbm>> -> memref<80xi32, #tpu.memory_space<hbm>>
    tpu.enqueue_dma source(%dma_start3A_116 : memref<80xi32, #tpu.memory_space<hbm>>) target(%arg8 : memref<80xi32, #tpu.memory_space<vmem>>) target_semaphore(%arg28 : memref<!tpu.dma_semaphore, #tpu.memory_space<semaphore_mem>>)
    %add3A_117 = arith.constant 80 : i32
    %add3A_118 = arith.addi %mul3A_104, %add3A_117 : i32
    %dma_start3A_119 = tpu.memref_slice %arg4[%add3A_118] : memref<320000xi32, #tpu.memory_space<hbm>> -> memref<80xi32, #tpu.memory_space<hbm>>
    %dma_start3A_120 = tpu.memref_slice %arg4[%add3A_118] : memref<320000xi32, #tpu.memory_space<hbm>> -> memref<80xi32, #tpu.memory_space<hbm>>
    tpu.enqueue_dma source(%dma_start3A_120 : memref<80xi32, #tpu.memory_space<hbm>>) target(%arg16 : memref<80xi32, #tpu.memory_space<vmem>>) target_semaphore(%arg28 : memref<!tpu.dma_semaphore, #tpu.memory_space<semaphore_mem>>)
    %add3A_121 = arith.constant 160 : i32
    %add3A_122 = arith.addi %mul3A_104, %add3A_121 : i32
    %dma_start3A_123 = tpu.memref_slice %arg3[%add3A_122] : memref<320000xi32, #tpu.memory_space<hbm>> -> memref<80xi32, #tpu.memory_space<hbm>>
    %dma_start3A_124 = tpu.memref_slice %arg3[%add3A_122] : memref<320000xi32, #tpu.memory_space<hbm>> -> memref<80xi32, #tpu.memory_space<hbm>>
    tpu.enqueue_dma source(%dma_start3A_124 : memref<80xi32, #tpu.memory_space<hbm>>) target(%arg9 : memref<80xi32, #tpu.memory_space<vmem>>) target_semaphore(%arg29 : memref<!tpu.dma_semaphore, #tpu.memory_space<semaphore_mem>>)
    %add3A_125 = arith.constant 160 : i32
    %add3A_126 = arith.addi %mul3A_104, %add3A_125 : i32
    %dma_start3A_127 = tpu.memref_slice %arg4[%add3A_126] : memref<320000xi32, #tpu.memory_space<hbm>> -> memref<80xi32, #tpu.memory_space<hbm>>
    %dma_start3A_128 = tpu.memref_slice %arg4[%add3A_126] : memref<320000xi32, #tpu.memory_space<hbm>> -> memref<80xi32, #tpu.memory_space<hbm>>
    tpu.enqueue_dma source(%dma_start3A_128 : memref<80xi32, #tpu.memory_space<hbm>>) target(%arg17 : memref<80xi32, #tpu.memory_space<vmem>>) target_semaphore(%arg29 : memref<!tpu.dma_semaphore, #tpu.memory_space<semaphore_mem>>)
    %add3A_129 = arith.constant 240 : i32
    %add3A_130 = arith.addi %mul3A_104, %add3A_129 : i32
    %dma_start3A_131 = tpu.memref_slice %arg3[%add3A_130] : memref<320000xi32, #tpu.memory_space<hbm>> -> memref<80xi32, #tpu.memory_space<hbm>>
    %dma_start3A_132 = tpu.memref_slice %arg3[%add3A_130] : memref<320000xi32, #tpu.memory_space<hbm>> -> memref<80xi32, #tpu.memory_space<hbm>>
    tpu.enqueue_dma source(%dma_start3A_132 : memref<80xi32, #tpu.memory_space<hbm>>) target(%arg10 : memref<80xi32, #tpu.memory_space<vmem>>) target_semaphore(%arg30 : memref<!tpu.dma_semaphore, #tpu.memory_space<semaphore_mem>>)
    %add3A_133 = arith.constant 240 : i32
    %add3A_134 = arith.addi %mul3A_104, %add3A_133 : i32
    %dma_start3A_135 = tpu.memref_slice %arg4[%add3A_134] : memref<320000xi32, #tpu.memory_space<hbm>> -> memref<80xi32, #tpu.memory_space<hbm>>
    %dma_start3A_136 = tpu.memref_slice %arg4[%add3A_134] : memref<320000xi32, #tpu.memory_space<hbm>> -> memref<80xi32, #tpu.memory_space<hbm>>
    tpu.enqueue_dma source(%dma_start3A_136 : memref<80xi32, #tpu.memory_space<hbm>>) target(%arg18 : memref<80xi32, #tpu.memory_space<vmem>>) target_semaphore(%arg30 : memref<!tpu.dma_semaphore, #tpu.memory_space<semaphore_mem>>)
    %dma_wait3A_137 = arith.constant 0 : i32
    %dma_wait3A_138 = tpu.memref_slice %arg3[%dma_wait3A_137] : memref<320000xi32, #tpu.memory_space<hbm>> -> memref<80xi32, #tpu.memory_space<hbm>>
    %dma_wait3A_139 = arith.constant 0 : i32
    %dma_wait3A_140 = tpu.memref_slice %arg3[%dma_wait3A_139] : memref<320000xi32, #tpu.memory_space<hbm>> -> memref<80xi32, #tpu.memory_space<hbm>>
    tpu.wait_dma2 semaphore(%arg27 : memref<!tpu.dma_semaphore, #tpu.memory_space<semaphore_mem>>) src(%dma_wait3A_140 : memref<80xi32, #tpu.memory_space<hbm>>) dst(%arg7 : memref<80xi32, #tpu.memory_space<vmem>>)
    %dma_wait3A_141 = arith.constant 0 : i32
    %dma_wait3A_142 = tpu.memref_slice %arg4[%dma_wait3A_141] : memref<320000xi32, #tpu.memory_space<hbm>> -> memref<80xi32, #tpu.memory_space<hbm>>
    %dma_wait3A_143 = arith.constant 0 : i32
    %dma_wait3A_144 = tpu.memref_slice %arg4[%dma_wait3A_143] : memref<320000xi32, #tpu.memory_space<hbm>> -> memref<80xi32, #tpu.memory_space<hbm>>
    tpu.wait_dma2 semaphore(%arg27 : memref<!tpu.dma_semaphore, #tpu.memory_space<semaphore_mem>>) src(%dma_wait3A_144 : memref<80xi32, #tpu.memory_space<hbm>>) dst(%arg15 : memref<80xi32, #tpu.memory_space<vmem>>)
    %dma_start3A_145 = arith.constant 0 : i32
    %dma_start3A_146 = arith.constant 0 : i32
    %dma_start3A_147 = tpu.memref_slice %arg2[%dma_start3A_145, %dma_start3A_146] : memref<10000x128xf32, #tpu.memory_space<hbm>> -> memref<10000x128xf32, #tpu.memory_space<hbm>>
    tpu.enqueue_indirect_dma source(%dma_start3A_147 : memref<10000x128xf32, #tpu.memory_space<hbm>>) target(%arg23 : memref<80x128xf32, #tpu.memory_space<vmem>>) offsets(%arg15 : memref<80xi32, #tpu.memory_space<vmem>>) semaphore(%arg35 : memref<!tpu.dma_semaphore, #tpu.memory_space<semaphore_mem>>)
    %dma_wait3A_148 = arith.constant 0 : i32
    %dma_wait3A_149 = tpu.memref_slice %arg3[%dma_wait3A_148] : memref<320000xi32, #tpu.memory_space<hbm>> -> memref<80xi32, #tpu.memory_space<hbm>>
    %dma_wait3A_150 = arith.constant 0 : i32
    %dma_wait3A_151 = tpu.memref_slice %arg3[%dma_wait3A_150] : memref<320000xi32, #tpu.memory_space<hbm>> -> memref<80xi32, #tpu.memory_space<hbm>>
    tpu.wait_dma2 semaphore(%arg28 : memref<!tpu.dma_semaphore, #tpu.memory_space<semaphore_mem>>) src(%dma_wait3A_151 : memref<80xi32, #tpu.memory_space<hbm>>) dst(%arg8 : memref<80xi32, #tpu.memory_space<vmem>>)
    %dma_wait3A_152 = arith.constant 0 : i32
    %dma_wait3A_153 = tpu.memref_slice %arg4[%dma_wait3A_152] : memref<320000xi32, #tpu.memory_space<hbm>> -> memref<80xi32, #tpu.memory_space<hbm>>
    %dma_wait3A_154 = arith.constant 0 : i32
    %dma_wait3A_155 = tpu.memref_slice %arg4[%dma_wait3A_154] : memref<320000xi32, #tpu.memory_space<hbm>> -> memref<80xi32, #tpu.memory_space<hbm>>
    tpu.wait_dma2 semaphore(%arg28 : memref<!tpu.dma_semaphore, #tpu.memory_space<semaphore_mem>>) src(%dma_wait3A_155 : memref<80xi32, #tpu.memory_space<hbm>>) dst(%arg16 : memref<80xi32, #tpu.memory_space<vmem>>)
    %dma_start3A_156 = arith.constant 0 : i32
    %dma_start3A_157 = arith.constant 0 : i32
    %dma_start3A_158 = tpu.memref_slice %arg2[%dma_start3A_156, %dma_start3A_157] : memref<10000x128xf32, #tpu.memory_space<hbm>> -> memref<10000x128xf32, #tpu.memory_space<hbm>>
    tpu.enqueue_indirect_dma source(%dma_start3A_158 : memref<10000x128xf32, #tpu.memory_space<hbm>>) target(%arg24 : memref<80x128xf32, #tpu.memory_space<vmem>>) offsets(%arg16 : memref<80xi32, #tpu.memory_space<vmem>>) semaphore(%arg36 : memref<!tpu.dma_semaphore, #tpu.memory_space<semaphore_mem>>)
    %scan3A_159 = arith.constant 0 : i32
    %scan3A_160 = arith.constant 0 : i32
    %scan3A_161 = arith.constant 16 : i32
    %scan3A_162 = arith.addi %scan3A_160, %scan3A_161 : i32
    %scan3A_163 = arith.constant 1 : i32
    scf.for %scan3A_182 = %scan3A_160 to %scan3A_162 step %scan3A_163  : i32 {
      %mul3A_183 = arith.constant 8 : i32
      %mul3A_184 = arith.muli %scan3A_182, %mul3A_183 : i32
      %add3A_185 = arith.constant 0 : i32
      %add3A_186 = arith.addi %mul3A_184, %add3A_185 : i32
      %lt3A = arith.constant 125 : i32
      %lt3A_187 = arith.cmpi slt, %add3A_186, %lt3A : i32
      %convert_element_type3A = arith.extui %lt3A_187 : i1 to i32
      %cond3A = arith.constant 0 : i32
      %cond3A_188 = arith.cmpi ne, %convert_element_type3A, %cond3A : i32
      scf.if %cond3A_188 {
        %dma_wait3A_252 = arith.constant 0 : i32
        %dma_wait3A_253 = arith.constant 0 : i32
        %dma_wait3A_254 = tpu.memref_slice %arg2[%dma_wait3A_252, %dma_wait3A_253] : memref<10000x128xf32, #tpu.memory_space<hbm>> -> memref<10000x128xf32, #tpu.memory_space<hbm>>
        tpu.wait_indirect_dma semaphore(%arg35 : memref<!tpu.dma_semaphore, #tpu.memory_space<semaphore_mem>>) src(%dma_wait3A_254 : memref<10000x128xf32, #tpu.memory_space<hbm>>) dst(%arg23 : memref<80x128xf32, #tpu.memory_space<vmem>>)
        %dma_start3A_255 = arith.constant 0 : i32
        %dma_start3A_256 = arith.constant 0 : i32
        %dma_start3A_257 = tpu.memref_slice %arg6[%dma_start3A_255, %dma_start3A_256] : memref<10240x128xf32, #tpu.memory_space<vmem_shared>> -> memref<10240x128xf32, #tpu.memory_space<vmem_shared>>
        tpu.enqueue_indirect_dma source(%arg23 : memref<80x128xf32, #tpu.memory_space<vmem>>) target(%dma_start3A_257 : memref<10240x128xf32, #tpu.memory_space<vmem_shared>>) offsets(%arg7 : memref<80xi32, #tpu.memory_space<vmem>>) semaphore(%arg39 : memref<!tpu.dma_semaphore, #tpu.memory_space<semaphore_mem>>) {add = true}
        %ge3A = arith.constant 2 : i32
        %ge3A_258 = arith.cmpi sge, %add3A_186, %ge3A : i32
        %convert_element_type3A_259 = arith.extui %ge3A_258 : i1 to i32
        %cond3A_260 = arith.constant 0 : i32
        %cond3A_261 = arith.cmpi ne, %convert_element_type3A_259, %cond3A_260 : i32
        scf.if %cond3A_261 {
          %dma_wait3A_276 = arith.constant 0 : i32
          %dma_wait3A_277 = arith.constant 0 : i32
          %dma_wait3A_278 = tpu.memref_slice %arg6[%dma_wait3A_276, %dma_wait3A_277] : memref<10240x128xf32, #tpu.memory_space<vmem_shared>> -> memref<10240x128xf32, #tpu.memory_space<vmem_shared>>
          tpu.wait_indirect_dma semaphore(%arg41 : memref<!tpu.dma_semaphore, #tpu.memory_space<semaphore_mem>>) src(%arg25 : memref<80x128xf32, #tpu.memory_space<vmem>>) dst(%dma_wait3A_278 : memref<10240x128xf32, #tpu.memory_space<vmem_shared>>)
        } else {
        }
        %add3A_262 = arith.constant 2 : i32
        %add3A_263 = arith.addi %add3A_186, %add3A_262 : i32
        %lt3A_264 = arith.constant 125 : i32
        %lt3A_265 = arith.cmpi slt, %add3A_263, %lt3A_264 : i32
        %convert_element_type3A_266 = arith.extui %lt3A_265 : i1 to i32
        %cond3A_267 = arith.constant 0 : i32
        %cond3A_268 = arith.cmpi ne, %convert_element_type3A_266, %cond3A_267 : i32
        scf.if %cond3A_268 {
          %dma_wait3A_276 = arith.constant 0 : i32
          %dma_wait3A_277 = tpu.memref_slice %arg3[%dma_wait3A_276] : memref<320000xi32, #tpu.memory_space<hbm>> -> memref<80xi32, #tpu.memory_space<hbm>>
          %dma_wait3A_278 = arith.constant 0 : i32
          %dma_wait3A_279 = tpu.memref_slice %arg3[%dma_wait3A_278] : memref<320000xi32, #tpu.memory_space<hbm>> -> memref<80xi32, #tpu.memory_space<hbm>>
          tpu.wait_dma2 semaphore(%arg29 : memref<!tpu.dma_semaphore, #tpu.memory_space<semaphore_mem>>) src(%dma_wait3A_279 : memref<80xi32, #tpu.memory_space<hbm>>) dst(%arg9 : memref<80xi32, #tpu.memory_space<vmem>>)
          %dma_wait3A_280 = arith.constant 0 : i32
          %dma_wait3A_281 = tpu.memref_slice %arg4[%dma_wait3A_280] : memref<320000xi32, #tpu.memory_space<hbm>> -> memref<80xi32, #tpu.memory_space<hbm>>
          %dma_wait3A_282 = arith.constant 0 : i32
          %dma_wait3A_283 = tpu.memref_slice %arg4[%dma_wait3A_282] : memref<320000xi32, #tpu.memory_space<hbm>> -> memref<80xi32, #tpu.memory_space<hbm>>
          tpu.wait_dma2 semaphore(%arg29 : memref<!tpu.dma_semaphore, #tpu.memory_space<semaphore_mem>>) src(%dma_wait3A_283 : memref<80xi32, #tpu.memory_space<hbm>>) dst(%arg17 : memref<80xi32, #tpu.memory_space<vmem>>)
          %dma_start3A_284 = arith.constant 0 : i32
          %dma_start3A_285 = arith.constant 0 : i32
          %dma_start3A_286 = tpu.memref_slice %arg2[%dma_start3A_284, %dma_start3A_285] : memref<10000x128xf32, #tpu.memory_space<hbm>> -> memref<10000x128xf32, #tpu.memory_space<hbm>>
          tpu.enqueue_indirect_dma source(%dma_start3A_286 : memref<10000x128xf32, #tpu.memory_space<hbm>>) target(%arg25 : memref<80x128xf32, #tpu.memory_space<vmem>>) offsets(%arg17 : memref<80xi32, #tpu.memory_space<vmem>>) semaphore(%arg37 : memref<!tpu.dma_semaphore, #tpu.memory_space<semaphore_mem>>)
        } else {
        }
        %add3A_269 = arith.constant 4 : i32
        %add3A_270 = arith.addi %add3A_186, %add3A_269 : i32
        %lt3A_271 = arith.constant 125 : i32
        %lt3A_272 = arith.cmpi slt, %add3A_270, %lt3A_271 : i32
        %convert_element_type3A_273 = arith.extui %lt3A_272 : i1 to i32
        %cond3A_274 = arith.constant 0 : i32
        %cond3A_275 = arith.cmpi ne, %convert_element_type3A_273, %cond3A_274 : i32
        scf.if %cond3A_275 {
          %add3A_276 = arith.constant 4 : i32
          %add3A_277 = arith.addi %add3A_186, %add3A_276 : i32
          %mul3A_278 = arith.constant 80 : i32
          %mul3A_279 = arith.muli %add3A_277, %mul3A_278 : i32
          %add3A_280 = arith.addi %mul3A_104, %mul3A_279 : i32
          %dma_start3A_281 = tpu.memref_slice %arg3[%add3A_280] : memref<320000xi32, #tpu.memory_space<hbm>> -> memref<80xi32, #tpu.memory_space<hbm>>
          %dma_start3A_282 = tpu.memref_slice %arg3[%add3A_280] : memref<320000xi32, #tpu.memory_space<hbm>> -> memref<80xi32, #tpu.memory_space<hbm>>
          tpu.enqueue_dma source(%dma_start3A_282 : memref<80xi32, #tpu.memory_space<hbm>>) target(%arg11 : memref<80xi32, #tpu.memory_space<vmem>>) target_semaphore(%arg31 : memref<!tpu.dma_semaphore, #tpu.memory_space<semaphore_mem>>)
          %mul3A_283 = arith.constant 80 : i32
          %mul3A_284 = arith.muli %add3A_277, %mul3A_283 : i32
          %add3A_285 = arith.addi %mul3A_104, %mul3A_284 : i32
          %dma_start3A_286 = tpu.memref_slice %arg4[%add3A_285] : memref<320000xi32, #tpu.memory_space<hbm>> -> memref<80xi32, #tpu.memory_space<hbm>>
          %dma_start3A_287 = tpu.memref_slice %arg4[%add3A_285] : memref<320000xi32, #tpu.memory_space<hbm>> -> memref<80xi32, #tpu.memory_space<hbm>>
          tpu.enqueue_dma source(%dma_start3A_287 : memref<80xi32, #tpu.memory_space<hbm>>) target(%arg19 : memref<80xi32, #tpu.memory_space<vmem>>) target_semaphore(%arg31 : memref<!tpu.dma_semaphore, #tpu.memory_space<semaphore_mem>>)
        } else {
        }
      } else {
      }
      %mul3A_189 = arith.constant 8 : i32
      %mul3A_190 = arith.muli %scan3A_182, %mul3A_189 : i32
      %add3A_191 = arith.constant 1 : i32
      %add3A_192 = arith.addi %mul3A_190, %add3A_191 : i32
      %lt3A_193 = arith.constant 125 : i32
      %lt3A_194 = arith.cmpi slt, %add3A_192, %lt3A_193 : i32
      %convert_element_type3A_195 = arith.extui %lt3A_194 : i1 to i32
      %cond3A_196 = arith.constant 0 : i32
      %cond3A_197 = arith.cmpi ne, %convert_element_type3A_195, %cond3A_196 : i32
      scf.if %cond3A_197 {
        %dma_wait3A_252 = arith.constant 0 : i32
        %dma_wait3A_253 = arith.constant 0 : i32
        %dma_wait3A_254 = tpu.memref_slice %arg2[%dma_wait3A_252, %dma_wait3A_253] : memref<10000x128xf32, #tpu.memory_space<hbm>> -> memref<10000x128xf32, #tpu.memory_space<hbm>>
        tpu.wait_indirect_dma semaphore(%arg36 : memref<!tpu.dma_semaphore, #tpu.memory_space<semaphore_mem>>) src(%dma_wait3A_254 : memref<10000x128xf32, #tpu.memory_space<hbm>>) dst(%arg24 : memref<80x128xf32, #tpu.memory_space<vmem>>)
        %dma_start3A_255 = arith.constant 0 : i32
        %dma_start3A_256 = arith.constant 0 : i32
        %dma_start3A_257 = tpu.memref_slice %arg6[%dma_start3A_255, %dma_start3A_256] : memref<10240x128xf32, #tpu.memory_space<vmem_shared>> -> memref<10240x128xf32, #tpu.memory_space<vmem_shared>>
        tpu.enqueue_indirect_dma source(%arg24 : memref<80x128xf32, #tpu.memory_space<vmem>>) target(%dma_start3A_257 : memref<10240x128xf32, #tpu.memory_space<vmem_shared>>) offsets(%arg8 : memref<80xi32, #tpu.memory_space<vmem>>) semaphore(%arg40 : memref<!tpu.dma_semaphore, #tpu.memory_space<semaphore_mem>>) {add = true}
        %ge3A = arith.constant 2 : i32
        %ge3A_258 = arith.cmpi sge, %add3A_192, %ge3A : i32
        %convert_element_type3A_259 = arith.extui %ge3A_258 : i1 to i32
        %cond3A_260 = arith.constant 0 : i32
        %cond3A_261 = arith.cmpi ne, %convert_element_type3A_259, %cond3A_260 : i32
        scf.if %cond3A_261 {
          %dma_wait3A_276 = arith.constant 0 : i32
          %dma_wait3A_277 = arith.constant 0 : i32
          %dma_wait3A_278 = tpu.memref_slice %arg6[%dma_wait3A_276, %dma_wait3A_277] : memref<10240x128xf32, #tpu.memory_space<vmem_shared>> -> memref<10240x128xf32, #tpu.memory_space<vmem_shared>>
          tpu.wait_indirect_dma semaphore(%arg42 : memref<!tpu.dma_semaphore, #tpu.memory_space<semaphore_mem>>) src(%arg26 : memref<80x128xf32, #tpu.memory_space<vmem>>) dst(%dma_wait3A_278 : memref<10240x128xf32, #tpu.memory_space<vmem_shared>>)
        } else {
        }
        %add3A_262 = arith.constant 2 : i32
        %add3A_263 = arith.addi %add3A_192, %add3A_262 : i32
        %lt3A_264 = arith.constant 125 : i32
        %lt3A_265 = arith.cmpi slt, %add3A_263, %lt3A_264 : i32
        %convert_element_type3A_266 = arith.extui %lt3A_265 : i1 to i32
        %cond3A_267 = arith.constant 0 : i32
        %cond3A_268 = arith.cmpi ne, %convert_element_type3A_266, %cond3A_267 : i32
        scf.if %cond3A_268 {
          %dma_wait3A_276 = arith.constant 0 : i32
          %dma_wait3A_277 = tpu.memref_slice %arg3[%dma_wait3A_276] : memref<320000xi32, #tpu.memory_space<hbm>> -> memref<80xi32, #tpu.memory_space<hbm>>
          %dma_wait3A_278 = arith.constant 0 : i32
          %dma_wait3A_279 = tpu.memref_slice %arg3[%dma_wait3A_278] : memref<320000xi32, #tpu.memory_space<hbm>> -> memref<80xi32, #tpu.memory_space<hbm>>
          tpu.wait_dma2 semaphore(%arg30 : memref<!tpu.dma_semaphore, #tpu.memory_space<semaphore_mem>>) src(%dma_wait3A_279 : memref<80xi32, #tpu.memory_space<hbm>>) dst(%arg10 : memref<80xi32, #tpu.memory_space<vmem>>)
          %dma_wait3A_280 = arith.constant 0 : i32
          %dma_wait3A_281 = tpu.memref_slice %arg4[%dma_wait3A_280] : memref<320000xi32, #tpu.memory_space<hbm>> -> memref<80xi32, #tpu.memory_space<hbm>>
          %dma_wait3A_282 = arith.constant 0 : i32
          %dma_wait3A_283 = tpu.memref_slice %arg4[%dma_wait3A_282] : memref<320000xi32, #tpu.memory_space<hbm>> -> memref<80xi32, #tpu.memory_space<hbm>>
          tpu.wait_dma2 semaphore(%arg30 : memref<!tpu.dma_semaphore, #tpu.memory_space<semaphore_mem>>) src(%dma_wait3A_283 : memref<80xi32, #tpu.memory_space<hbm>>) dst(%arg18 : memref<80xi32, #tpu.memory_space<vmem>>)
          %dma_start3A_284 = arith.constant 0 : i32
          %dma_start3A_285 = arith.constant 0 : i32
          %dma_start3A_286 = tpu.memref_slice %arg2[%dma_start3A_284, %dma_start3A_285] : memref<10000x128xf32, #tpu.memory_space<hbm>> -> memref<10000x128xf32, #tpu.memory_space<hbm>>
          tpu.enqueue_indirect_dma source(%dma_start3A_286 : memref<10000x128xf32, #tpu.memory_space<hbm>>) target(%arg26 : memref<80x128xf32, #tpu.memory_space<vmem>>) offsets(%arg18 : memref<80xi32, #tpu.memory_space<vmem>>) semaphore(%arg38 : memref<!tpu.dma_semaphore, #tpu.memory_space<semaphore_mem>>)
        } else {
        }
        %add3A_269 = arith.constant 4 : i32
        %add3A_270 = arith.addi %add3A_192, %add3A_269 : i32
        %lt3A_271 = arith.constant 125 : i32
        %lt3A_272 = arith.cmpi slt, %add3A_270, %lt3A_271 : i32
        %convert_element_type3A_273 = arith.extui %lt3A_272 : i1 to i32
        %cond3A_274 = arith.constant 0 : i32
        %cond3A_275 = arith.cmpi ne, %convert_element_type3A_273, %cond3A_274 : i32
        scf.if %cond3A_275 {
          %add3A_276 = arith.constant 4 : i32
          %add3A_277 = arith.addi %add3A_192, %add3A_276 : i32
          %mul3A_278 = arith.constant 80 : i32
          %mul3A_279 = arith.muli %add3A_277, %mul3A_278 : i32
          %add3A_280 = arith.addi %mul3A_104, %mul3A_279 : i32
          %dma_start3A_281 = tpu.memref_slice %arg3[%add3A_280] : memref<320000xi32, #tpu.memory_space<hbm>> -> memref<80xi32, #tpu.memory_space<hbm>>
          %dma_start3A_282 = tpu.memref_slice %arg3[%add3A_280] : memref<320000xi32, #tpu.memory_space<hbm>> -> memref<80xi32, #tpu.memory_space<hbm>>
          tpu.enqueue_dma source(%dma_start3A_282 : memref<80xi32, #tpu.memory_space<hbm>>) target(%arg12 : memref<80xi32, #tpu.memory_space<vmem>>) target_semaphore(%arg32 : memref<!tpu.dma_semaphore, #tpu.memory_space<semaphore_mem>>)
          %mul3A_283 = arith.constant 80 : i32
          %mul3A_284 = arith.muli %add3A_277, %mul3A_283 : i32
          %add3A_285 = arith.addi %mul3A_104, %mul3A_284 : i32
          %dma_start3A_286 = tpu.memref_slice %arg4[%add3A_285] : memref<320000xi32, #tpu.memory_space<hbm>> -> memref<80xi32, #tpu.memory_space<hbm>>
          %dma_start3A_287 = tpu.memref_slice %arg4[%add3A_285] : memref<320000xi32, #tpu.memory_space<hbm>> -> memref<80xi32, #tpu.memory_space<hbm>>
          tpu.enqueue_dma source(%dma_start3A_287 : memref<80xi32, #tpu.memory_space<hbm>>) target(%arg20 : memref<80xi32, #tpu.memory_space<vmem>>) target_semaphore(%arg32 : memref<!tpu.dma_semaphore, #tpu.memory_space<semaphore_mem>>)
        } else {
        }
      } else {
      }
      %mul3A_198 = arith.constant 8 : i32
      %mul3A_199 = arith.muli %scan3A_182, %mul3A_198 : i32
      %add3A_200 = arith.constant 2 : i32
      %add3A_201 = arith.addi %mul3A_199, %add3A_200 : i32
      %lt3A_202 = arith.constant 125 : i32
      %lt3A_203 = arith.cmpi slt, %add3A_201, %lt3A_202 : i32
      %convert_element_type3A_204 = arith.extui %lt3A_203 : i1 to i32
      %cond3A_205 = arith.constant 0 : i32
      %cond3A_206 = arith.cmpi ne, %convert_element_type3A_204, %cond3A_205 : i32
      scf.if %cond3A_206 {
        %dma_wait3A_252 = arith.constant 0 : i32
        %dma_wait3A_253 = arith.constant 0 : i32
        %dma_wait3A_254 = tpu.memref_slice %arg2[%dma_wait3A_252, %dma_wait3A_253] : memref<10000x128xf32, #tpu.memory_space<hbm>> -> memref<10000x128xf32, #tpu.memory_space<hbm>>
        tpu.wait_indirect_dma semaphore(%arg37 : memref<!tpu.dma_semaphore, #tpu.memory_space<semaphore_mem>>) src(%dma_wait3A_254 : memref<10000x128xf32, #tpu.memory_space<hbm>>) dst(%arg25 : memref<80x128xf32, #tpu.memory_space<vmem>>)
        %dma_start3A_255 = arith.constant 0 : i32
        %dma_start3A_256 = arith.constant 0 : i32
        %dma_start3A_257 = tpu.memref_slice %arg6[%dma_start3A_255, %dma_start3A_256] : memref<10240x128xf32, #tpu.memory_space<vmem_shared>> -> memref<10240x128xf32, #tpu.memory_space<vmem_shared>>
        tpu.enqueue_indirect_dma source(%arg25 : memref<80x128xf32, #tpu.memory_space<vmem>>) target(%dma_start3A_257 : memref<10240x128xf32, #tpu.memory_space<vmem_shared>>) offsets(%arg9 : memref<80xi32, #tpu.memory_space<vmem>>) semaphore(%arg41 : memref<!tpu.dma_semaphore, #tpu.memory_space<semaphore_mem>>) {add = true}
        %ge3A = arith.constant 2 : i32
        %ge3A_258 = arith.cmpi sge, %add3A_201, %ge3A : i32
        %convert_element_type3A_259 = arith.extui %ge3A_258 : i1 to i32
        %cond3A_260 = arith.constant 0 : i32
        %cond3A_261 = arith.cmpi ne, %convert_element_type3A_259, %cond3A_260 : i32
        scf.if %cond3A_261 {
          %dma_wait3A_276 = arith.constant 0 : i32
          %dma_wait3A_277 = arith.constant 0 : i32
          %dma_wait3A_278 = tpu.memref_slice %arg6[%dma_wait3A_276, %dma_wait3A_277] : memref<10240x128xf32, #tpu.memory_space<vmem_shared>> -> memref<10240x128xf32, #tpu.memory_space<vmem_shared>>
          tpu.wait_indirect_dma semaphore(%arg39 : memref<!tpu.dma_semaphore, #tpu.memory_space<semaphore_mem>>) src(%arg23 : memref<80x128xf32, #tpu.memory_space<vmem>>) dst(%dma_wait3A_278 : memref<10240x128xf32, #tpu.memory_space<vmem_shared>>)
        } else {
        }
        %add3A_262 = arith.constant 2 : i32
        %add3A_263 = arith.addi %add3A_201, %add3A_262 : i32
        %lt3A_264 = arith.constant 125 : i32
        %lt3A_265 = arith.cmpi slt, %add3A_263, %lt3A_264 : i32
        %convert_element_type3A_266 = arith.extui %lt3A_265 : i1 to i32
        %cond3A_267 = arith.constant 0 : i32
        %cond3A_268 = arith.cmpi ne, %convert_element_type3A_266, %cond3A_267 : i32
        scf.if %cond3A_268 {
          %dma_wait3A_276 = arith.constant 0 : i32
          %dma_wait3A_277 = tpu.memref_slice %arg3[%dma_wait3A_276] : memref<320000xi32, #tpu.memory_space<hbm>> -> memref<80xi32, #tpu.memory_space<hbm>>
          %dma_wait3A_278 = arith.constant 0 : i32
          %dma_wait3A_279 = tpu.memref_slice %arg3[%dma_wait3A_278] : memref<320000xi32, #tpu.memory_space<hbm>> -> memref<80xi32, #tpu.memory_space<hbm>>
          tpu.wait_dma2 semaphore(%arg31 : memref<!tpu.dma_semaphore, #tpu.memory_space<semaphore_mem>>) src(%dma_wait3A_279 : memref<80xi32, #tpu.memory_space<hbm>>) dst(%arg11 : memref<80xi32, #tpu.memory_space<vmem>>)
          %dma_wait3A_280 = arith.constant 0 : i32
          %dma_wait3A_281 = tpu.memref_slice %arg4[%dma_wait3A_280] : memref<320000xi32, #tpu.memory_space<hbm>> -> memref<80xi32, #tpu.memory_space<hbm>>
          %dma_wait3A_282 = arith.constant 0 : i32
          %dma_wait3A_283 = tpu.memref_slice %arg4[%dma_wait3A_282] : memref<320000xi32, #tpu.memory_space<hbm>> -> memref<80xi32, #tpu.memory_space<hbm>>
          tpu.wait_dma2 semaphore(%arg31 : memref<!tpu.dma_semaphore, #tpu.memory_space<semaphore_mem>>) src(%dma_wait3A_283 : memref<80xi32, #tpu.memory_space<hbm>>) dst(%arg19 : memref<80xi32, #tpu.memory_space<vmem>>)
          %dma_start3A_284 = arith.constant 0 : i32
          %dma_start3A_285 = arith.constant 0 : i32
          %dma_start3A_286 = tpu.memref_slice %arg2[%dma_start3A_284, %dma_start3A_285] : memref<10000x128xf32, #tpu.memory_space<hbm>> -> memref<10000x128xf32, #tpu.memory_space<hbm>>
          tpu.enqueue_indirect_dma source(%dma_start3A_286 : memref<10000x128xf32, #tpu.memory_space<hbm>>) target(%arg23 : memref<80x128xf32, #tpu.memory_space<vmem>>) offsets(%arg19 : memref<80xi32, #tpu.memory_space<vmem>>) semaphore(%arg35 : memref<!tpu.dma_semaphore, #tpu.memory_space<semaphore_mem>>)
        } else {
        }
        %add3A_269 = arith.constant 4 : i32
        %add3A_270 = arith.addi %add3A_201, %add3A_269 : i32
        %lt3A_271 = arith.constant 125 : i32
        %lt3A_272 = arith.cmpi slt, %add3A_270, %lt3A_271 : i32
        %convert_element_type3A_273 = arith.extui %lt3A_272 : i1 to i32
        %cond3A_274 = arith.constant 0 : i32
        %cond3A_275 = arith.cmpi ne, %convert_element_type3A_273, %cond3A_274 : i32
        scf.if %cond3A_275 {
          %add3A_276 = arith.constant 4 : i32
          %add3A_277 = arith.addi %add3A_201, %add3A_276 : i32
          %mul3A_278 = arith.constant 80 : i32
          %mul3A_279 = arith.muli %add3A_277, %mul3A_278 : i32
          %add3A_280 = arith.addi %mul3A_104, %mul3A_279 : i32
          %dma_start3A_281 = tpu.memref_slice %arg3[%add3A_280] : memref<320000xi32, #tpu.memory_space<hbm>> -> memref<80xi32, #tpu.memory_space<hbm>>
          %dma_start3A_282 = tpu.memref_slice %arg3[%add3A_280] : memref<320000xi32, #tpu.memory_space<hbm>> -> memref<80xi32, #tpu.memory_space<hbm>>
          tpu.enqueue_dma source(%dma_start3A_282 : memref<80xi32, #tpu.memory_space<hbm>>) target(%arg13 : memref<80xi32, #tpu.memory_space<vmem>>) target_semaphore(%arg33 : memref<!tpu.dma_semaphore, #tpu.memory_space<semaphore_mem>>)
          %mul3A_283 = arith.constant 80 : i32
          %mul3A_284 = arith.muli %add3A_277, %mul3A_283 : i32
          %add3A_285 = arith.addi %mul3A_104, %mul3A_284 : i32
          %dma_start3A_286 = tpu.memref_slice %arg4[%add3A_285] : memref<320000xi32, #tpu.memory_space<hbm>> -> memref<80xi32, #tpu.memory_space<hbm>>
          %dma_start3A_287 = tpu.memref_slice %arg4[%add3A_285] : memref<320000xi32, #tpu.memory_space<hbm>> -> memref<80xi32, #tpu.memory_space<hbm>>
          tpu.enqueue_dma source(%dma_start3A_287 : memref<80xi32, #tpu.memory_space<hbm>>) target(%arg21 : memref<80xi32, #tpu.memory_space<vmem>>) target_semaphore(%arg33 : memref<!tpu.dma_semaphore, #tpu.memory_space<semaphore_mem>>)
        } else {
        }
      } else {
      }
      %mul3A_207 = arith.constant 8 : i32
      %mul3A_208 = arith.muli %scan3A_182, %mul3A_207 : i32
      %add3A_209 = arith.constant 3 : i32
      %add3A_210 = arith.addi %mul3A_208, %add3A_209 : i32
      %lt3A_211 = arith.constant 125 : i32
      %lt3A_212 = arith.cmpi slt, %add3A_210, %lt3A_211 : i32
      %convert_element_type3A_213 = arith.extui %lt3A_212 : i1 to i32
      %cond3A_214 = arith.constant 0 : i32
      %cond3A_215 = arith.cmpi ne, %convert_element_type3A_213, %cond3A_214 : i32
      scf.if %cond3A_215 {
        %dma_wait3A_252 = arith.constant 0 : i32
        %dma_wait3A_253 = arith.constant 0 : i32
        %dma_wait3A_254 = tpu.memref_slice %arg2[%dma_wait3A_252, %dma_wait3A_253] : memref<10000x128xf32, #tpu.memory_space<hbm>> -> memref<10000x128xf32, #tpu.memory_space<hbm>>
        tpu.wait_indirect_dma semaphore(%arg38 : memref<!tpu.dma_semaphore, #tpu.memory_space<semaphore_mem>>) src(%dma_wait3A_254 : memref<10000x128xf32, #tpu.memory_space<hbm>>) dst(%arg26 : memref<80x128xf32, #tpu.memory_space<vmem>>)
        %dma_start3A_255 = arith.constant 0 : i32
        %dma_start3A_256 = arith.constant 0 : i32
        %dma_start3A_257 = tpu.memref_slice %arg6[%dma_start3A_255, %dma_start3A_256] : memref<10240x128xf32, #tpu.memory_space<vmem_shared>> -> memref<10240x128xf32, #tpu.memory_space<vmem_shared>>
        tpu.enqueue_indirect_dma source(%arg26 : memref<80x128xf32, #tpu.memory_space<vmem>>) target(%dma_start3A_257 : memref<10240x128xf32, #tpu.memory_space<vmem_shared>>) offsets(%arg10 : memref<80xi32, #tpu.memory_space<vmem>>) semaphore(%arg42 : memref<!tpu.dma_semaphore, #tpu.memory_space<semaphore_mem>>) {add = true}
        %ge3A = arith.constant 2 : i32
        %ge3A_258 = arith.cmpi sge, %add3A_210, %ge3A : i32
        %convert_element_type3A_259 = arith.extui %ge3A_258 : i1 to i32
        %cond3A_260 = arith.constant 0 : i32
        %cond3A_261 = arith.cmpi ne, %convert_element_type3A_259, %cond3A_260 : i32
        scf.if %cond3A_261 {
          %dma_wait3A_276 = arith.constant 0 : i32
          %dma_wait3A_277 = arith.constant 0 : i32
          %dma_wait3A_278 = tpu.memref_slice %arg6[%dma_wait3A_276, %dma_wait3A_277] : memref<10240x128xf32, #tpu.memory_space<vmem_shared>> -> memref<10240x128xf32, #tpu.memory_space<vmem_shared>>
          tpu.wait_indirect_dma semaphore(%arg40 : memref<!tpu.dma_semaphore, #tpu.memory_space<semaphore_mem>>) src(%arg24 : memref<80x128xf32, #tpu.memory_space<vmem>>) dst(%dma_wait3A_278 : memref<10240x128xf32, #tpu.memory_space<vmem_shared>>)
        } else {
        }
        %add3A_262 = arith.constant 2 : i32
        %add3A_263 = arith.addi %add3A_210, %add3A_262 : i32
        %lt3A_264 = arith.constant 125 : i32
        %lt3A_265 = arith.cmpi slt, %add3A_263, %lt3A_264 : i32
        %convert_element_type3A_266 = arith.extui %lt3A_265 : i1 to i32
        %cond3A_267 = arith.constant 0 : i32
        %cond3A_268 = arith.cmpi ne, %convert_element_type3A_266, %cond3A_267 : i32
        scf.if %cond3A_268 {
          %dma_wait3A_276 = arith.constant 0 : i32
          %dma_wait3A_277 = tpu.memref_slice %arg3[%dma_wait3A_276] : memref<320000xi32, #tpu.memory_space<hbm>> -> memref<80xi32, #tpu.memory_space<hbm>>
          %dma_wait3A_278 = arith.constant 0 : i32
          %dma_wait3A_279 = tpu.memref_slice %arg3[%dma_wait3A_278] : memref<320000xi32, #tpu.memory_space<hbm>> -> memref<80xi32, #tpu.memory_space<hbm>>
          tpu.wait_dma2 semaphore(%arg32 : memref<!tpu.dma_semaphore, #tpu.memory_space<semaphore_mem>>) src(%dma_wait3A_279 : memref<80xi32, #tpu.memory_space<hbm>>) dst(%arg12 : memref<80xi32, #tpu.memory_space<vmem>>)
          %dma_wait3A_280 = arith.constant 0 : i32
          %dma_wait3A_281 = tpu.memref_slice %arg4[%dma_wait3A_280] : memref<320000xi32, #tpu.memory_space<hbm>> -> memref<80xi32, #tpu.memory_space<hbm>>
          %dma_wait3A_282 = arith.constant 0 : i32
          %dma_wait3A_283 = tpu.memref_slice %arg4[%dma_wait3A_282] : memref<320000xi32, #tpu.memory_space<hbm>> -> memref<80xi32, #tpu.memory_space<hbm>>
          tpu.wait_dma2 semaphore(%arg32 : memref<!tpu.dma_semaphore, #tpu.memory_space<semaphore_mem>>) src(%dma_wait3A_283 : memref<80xi32, #tpu.memory_space<hbm>>) dst(%arg20 : memref<80xi32, #tpu.memory_space<vmem>>)
          %dma_start3A_284 = arith.constant 0 : i32
          %dma_start3A_285 = arith.constant 0 : i32
          %dma_start3A_286 = tpu.memref_slice %arg2[%dma_start3A_284, %dma_start3A_285] : memref<10000x128xf32, #tpu.memory_space<hbm>> -> memref<10000x128xf32, #tpu.memory_space<hbm>>
          tpu.enqueue_indirect_dma source(%dma_start3A_286 : memref<10000x128xf32, #tpu.memory_space<hbm>>) target(%arg24 : memref<80x128xf32, #tpu.memory_space<vmem>>) offsets(%arg20 : memref<80xi32, #tpu.memory_space<vmem>>) semaphore(%arg36 : memref<!tpu.dma_semaphore, #tpu.memory_space<semaphore_mem>>)
        } else {
        }
        %add3A_269 = arith.constant 4 : i32
        %add3A_270 = arith.addi %add3A_210, %add3A_269 : i32
        %lt3A_271 = arith.constant 125 : i32
        %lt3A_272 = arith.cmpi slt, %add3A_270, %lt3A_271 : i32
        %convert_element_type3A_273 = arith.extui %lt3A_272 : i1 to i32
        %cond3A_274 = arith.constant 0 : i32
        %cond3A_275 = arith.cmpi ne, %convert_element_type3A_273, %cond3A_274 : i32
        scf.if %cond3A_275 {
          %add3A_276 = arith.constant 4 : i32
          %add3A_277 = arith.addi %add3A_210, %add3A_276 : i32
          %mul3A_278 = arith.constant 80 : i32
          %mul3A_279 = arith.muli %add3A_277, %mul3A_278 : i32
          %add3A_280 = arith.addi %mul3A_104, %mul3A_279 : i32
          %dma_start3A_281 = tpu.memref_slice %arg3[%add3A_280] : memref<320000xi32, #tpu.memory_space<hbm>> -> memref<80xi32, #tpu.memory_space<hbm>>
          %dma_start3A_282 = tpu.memref_slice %arg3[%add3A_280] : memref<320000xi32, #tpu.memory_space<hbm>> -> memref<80xi32, #tpu.memory_space<hbm>>
          tpu.enqueue_dma source(%dma_start3A_282 : memref<80xi32, #tpu.memory_space<hbm>>) target(%arg14 : memref<80xi32, #tpu.memory_space<vmem>>) target_semaphore(%arg34 : memref<!tpu.dma_semaphore, #tpu.memory_space<semaphore_mem>>)
          %mul3A_283 = arith.constant 80 : i32
          %mul3A_284 = arith.muli %add3A_277, %mul3A_283 : i32
          %add3A_285 = arith.addi %mul3A_104, %mul3A_284 : i32
          %dma_start3A_286 = tpu.memref_slice %arg4[%add3A_285] : memref<320000xi32, #tpu.memory_space<hbm>> -> memref<80xi32, #tpu.memory_space<hbm>>
          %dma_start3A_287 = tpu.memref_slice %arg4[%add3A_285] : memref<320000xi32, #tpu.memory_space<hbm>> -> memref<80xi32, #tpu.memory_space<hbm>>
          tpu.enqueue_dma source(%dma_start3A_287 : memref<80xi32, #tpu.memory_space<hbm>>) target(%arg22 : memref<80xi32, #tpu.memory_space<vmem>>) target_semaphore(%arg34 : memref<!tpu.dma_semaphore, #tpu.memory_space<semaphore_mem>>)
        } else {
        }
      } else {
      }
      %mul3A_216 = arith.constant 8 : i32
      %mul3A_217 = arith.muli %scan3A_182, %mul3A_216 : i32
      %add3A_218 = arith.constant 4 : i32
      %add3A_219 = arith.addi %mul3A_217, %add3A_218 : i32
      %lt3A_220 = arith.constant 125 : i32
      %lt3A_221 = arith.cmpi slt, %add3A_219, %lt3A_220 : i32
      %convert_element_type3A_222 = arith.extui %lt3A_221 : i1 to i32
      %cond3A_223 = arith.constant 0 : i32
      %cond3A_224 = arith.cmpi ne, %convert_element_type3A_222, %cond3A_223 : i32
      scf.if %cond3A_224 {
        %dma_wait3A_252 = arith.constant 0 : i32
        %dma_wait3A_253 = arith.constant 0 : i32
        %dma_wait3A_254 = tpu.memref_slice %arg2[%dma_wait3A_252, %dma_wait3A_253] : memref<10000x128xf32, #tpu.memory_space<hbm>> -> memref<10000x128xf32, #tpu.memory_space<hbm>>
        tpu.wait_indirect_dma semaphore(%arg35 : memref<!tpu.dma_semaphore, #tpu.memory_space<semaphore_mem>>) src(%dma_wait3A_254 : memref<10000x128xf32, #tpu.memory_space<hbm>>) dst(%arg23 : memref<80x128xf32, #tpu.memory_space<vmem>>)
        %dma_start3A_255 = arith.constant 0 : i32
        %dma_start3A_256 = arith.constant 0 : i32
        %dma_start3A_257 = tpu.memref_slice %arg6[%dma_start3A_255, %dma_start3A_256] : memref<10240x128xf32, #tpu.memory_space<vmem_shared>> -> memref<10240x128xf32, #tpu.memory_space<vmem_shared>>
        tpu.enqueue_indirect_dma source(%arg23 : memref<80x128xf32, #tpu.memory_space<vmem>>) target(%dma_start3A_257 : memref<10240x128xf32, #tpu.memory_space<vmem_shared>>) offsets(%arg11 : memref<80xi32, #tpu.memory_space<vmem>>) semaphore(%arg39 : memref<!tpu.dma_semaphore, #tpu.memory_space<semaphore_mem>>) {add = true}
        %ge3A = arith.constant 2 : i32
        %ge3A_258 = arith.cmpi sge, %add3A_219, %ge3A : i32
        %convert_element_type3A_259 = arith.extui %ge3A_258 : i1 to i32
        %cond3A_260 = arith.constant 0 : i32
        %cond3A_261 = arith.cmpi ne, %convert_element_type3A_259, %cond3A_260 : i32
        scf.if %cond3A_261 {
          %dma_wait3A_276 = arith.constant 0 : i32
          %dma_wait3A_277 = arith.constant 0 : i32
          %dma_wait3A_278 = tpu.memref_slice %arg6[%dma_wait3A_276, %dma_wait3A_277] : memref<10240x128xf32, #tpu.memory_space<vmem_shared>> -> memref<10240x128xf32, #tpu.memory_space<vmem_shared>>
          tpu.wait_indirect_dma semaphore(%arg41 : memref<!tpu.dma_semaphore, #tpu.memory_space<semaphore_mem>>) src(%arg25 : memref<80x128xf32, #tpu.memory_space<vmem>>) dst(%dma_wait3A_278 : memref<10240x128xf32, #tpu.memory_space<vmem_shared>>)
        } else {
        }
        %add3A_262 = arith.constant 2 : i32
        %add3A_263 = arith.addi %add3A_219, %add3A_262 : i32
        %lt3A_264 = arith.constant 125 : i32
        %lt3A_265 = arith.cmpi slt, %add3A_263, %lt3A_264 : i32
        %convert_element_type3A_266 = arith.extui %lt3A_265 : i1 to i32
        %cond3A_267 = arith.constant 0 : i32
        %cond3A_268 = arith.cmpi ne, %convert_element_type3A_266, %cond3A_267 : i32
        scf.if %cond3A_268 {
          %dma_wait3A_276 = arith.constant 0 : i32
          %dma_wait3A_277 = tpu.memref_slice %arg3[%dma_wait3A_276] : memref<320000xi32, #tpu.memory_space<hbm>> -> memref<80xi32, #tpu.memory_space<hbm>>
          %dma_wait3A_278 = arith.constant 0 : i32
          %dma_wait3A_279 = tpu.memref_slice %arg3[%dma_wait3A_278] : memref<320000xi32, #tpu.memory_space<hbm>> -> memref<80xi32, #tpu.memory_space<hbm>>
          tpu.wait_dma2 semaphore(%arg33 : memref<!tpu.dma_semaphore, #tpu.memory_space<semaphore_mem>>) src(%dma_wait3A_279 : memref<80xi32, #tpu.memory_space<hbm>>) dst(%arg13 : memref<80xi32, #tpu.memory_space<vmem>>)
          %dma_wait3A_280 = arith.constant 0 : i32
          %dma_wait3A_281 = tpu.memref_slice %arg4[%dma_wait3A_280] : memref<320000xi32, #tpu.memory_space<hbm>> -> memref<80xi32, #tpu.memory_space<hbm>>
          %dma_wait3A_282 = arith.constant 0 : i32
          %dma_wait3A_283 = tpu.memref_slice %arg4[%dma_wait3A_282] : memref<320000xi32, #tpu.memory_space<hbm>> -> memref<80xi32, #tpu.memory_space<hbm>>
          tpu.wait_dma2 semaphore(%arg33 : memref<!tpu.dma_semaphore, #tpu.memory_space<semaphore_mem>>) src(%dma_wait3A_283 : memref<80xi32, #tpu.memory_space<hbm>>) dst(%arg21 : memref<80xi32, #tpu.memory_space<vmem>>)
          %dma_start3A_284 = arith.constant 0 : i32
          %dma_start3A_285 = arith.constant 0 : i32
          %dma_start3A_286 = tpu.memref_slice %arg2[%dma_start3A_284, %dma_start3A_285] : memref<10000x128xf32, #tpu.memory_space<hbm>> -> memref<10000x128xf32, #tpu.memory_space<hbm>>
          tpu.enqueue_indirect_dma source(%dma_start3A_286 : memref<10000x128xf32, #tpu.memory_space<hbm>>) target(%arg25 : memref<80x128xf32, #tpu.memory_space<vmem>>) offsets(%arg21 : memref<80xi32, #tpu.memory_space<vmem>>) semaphore(%arg37 : memref<!tpu.dma_semaphore, #tpu.memory_space<semaphore_mem>>)
        } else {
        }
        %add3A_269 = arith.constant 4 : i32
        %add3A_270 = arith.addi %add3A_219, %add3A_269 : i32
        %lt3A_271 = arith.constant 125 : i32
        %lt3A_272 = arith.cmpi slt, %add3A_270, %lt3A_271 : i32
        %convert_element_type3A_273 = arith.extui %lt3A_272 : i1 to i32
        %cond3A_274 = arith.constant 0 : i32
        %cond3A_275 = arith.cmpi ne, %convert_element_type3A_273, %cond3A_274 : i32
        scf.if %cond3A_275 {
          %add3A_276 = arith.constant 4 : i32
          %add3A_277 = arith.addi %add3A_219, %add3A_276 : i32
          %mul3A_278 = arith.constant 80 : i32
          %mul3A_279 = arith.muli %add3A_277, %mul3A_278 : i32
          %add3A_280 = arith.addi %mul3A_104, %mul3A_279 : i32
          %dma_start3A_281 = tpu.memref_slice %arg3[%add3A_280] : memref<320000xi32, #tpu.memory_space<hbm>> -> memref<80xi32, #tpu.memory_space<hbm>>
          %dma_start3A_282 = tpu.memref_slice %arg3[%add3A_280] : memref<320000xi32, #tpu.memory_space<hbm>> -> memref<80xi32, #tpu.memory_space<hbm>>
          tpu.enqueue_dma source(%dma_start3A_282 : memref<80xi32, #tpu.memory_space<hbm>>) target(%arg7 : memref<80xi32, #tpu.memory_space<vmem>>) target_semaphore(%arg27 : memref<!tpu.dma_semaphore, #tpu.memory_space<semaphore_mem>>)
          %mul3A_283 = arith.constant 80 : i32
          %mul3A_284 = arith.muli %add3A_277, %mul3A_283 : i32
          %add3A_285 = arith.addi %mul3A_104, %mul3A_284 : i32
          %dma_start3A_286 = tpu.memref_slice %arg4[%add3A_285] : memref<320000xi32, #tpu.memory_space<hbm>> -> memref<80xi32, #tpu.memory_space<hbm>>
          %dma_start3A_287 = tpu.memref_slice %arg4[%add3A_285] : memref<320000xi32, #tpu.memory_space<hbm>> -> memref<80xi32, #tpu.memory_space<hbm>>
          tpu.enqueue_dma source(%dma_start3A_287 : memref<80xi32, #tpu.memory_space<hbm>>) target(%arg15 : memref<80xi32, #tpu.memory_space<vmem>>) target_semaphore(%arg27 : memref<!tpu.dma_semaphore, #tpu.memory_space<semaphore_mem>>)
        } else {
        }
      } else {
      }
      %mul3A_225 = arith.constant 8 : i32
      %mul3A_226 = arith.muli %scan3A_182, %mul3A_225 : i32
      %add3A_227 = arith.constant 5 : i32
      %add3A_228 = arith.addi %mul3A_226, %add3A_227 : i32
      %lt3A_229 = arith.constant 125 : i32
      %lt3A_230 = arith.cmpi slt, %add3A_228, %lt3A_229 : i32
      %convert_element_type3A_231 = arith.extui %lt3A_230 : i1 to i32
      %cond3A_232 = arith.constant 0 : i32
      %cond3A_233 = arith.cmpi ne, %convert_element_type3A_231, %cond3A_232 : i32
      scf.if %cond3A_233 {
        %dma_wait3A_252 = arith.constant 0 : i32
        %dma_wait3A_253 = arith.constant 0 : i32
        %dma_wait3A_254 = tpu.memref_slice %arg2[%dma_wait3A_252, %dma_wait3A_253] : memref<10000x128xf32, #tpu.memory_space<hbm>> -> memref<10000x128xf32, #tpu.memory_space<hbm>>
        tpu.wait_indirect_dma semaphore(%arg36 : memref<!tpu.dma_semaphore, #tpu.memory_space<semaphore_mem>>) src(%dma_wait3A_254 : memref<10000x128xf32, #tpu.memory_space<hbm>>) dst(%arg24 : memref<80x128xf32, #tpu.memory_space<vmem>>)
        %dma_start3A_255 = arith.constant 0 : i32
        %dma_start3A_256 = arith.constant 0 : i32
        %dma_start3A_257 = tpu.memref_slice %arg6[%dma_start3A_255, %dma_start3A_256] : memref<10240x128xf32, #tpu.memory_space<vmem_shared>> -> memref<10240x128xf32, #tpu.memory_space<vmem_shared>>
        tpu.enqueue_indirect_dma source(%arg24 : memref<80x128xf32, #tpu.memory_space<vmem>>) target(%dma_start3A_257 : memref<10240x128xf32, #tpu.memory_space<vmem_shared>>) offsets(%arg12 : memref<80xi32, #tpu.memory_space<vmem>>) semaphore(%arg40 : memref<!tpu.dma_semaphore, #tpu.memory_space<semaphore_mem>>) {add = true}
        %ge3A = arith.constant 2 : i32
        %ge3A_258 = arith.cmpi sge, %add3A_228, %ge3A : i32
        %convert_element_type3A_259 = arith.extui %ge3A_258 : i1 to i32
        %cond3A_260 = arith.constant 0 : i32
        %cond3A_261 = arith.cmpi ne, %convert_element_type3A_259, %cond3A_260 : i32
        scf.if %cond3A_261 {
          %dma_wait3A_276 = arith.constant 0 : i32
          %dma_wait3A_277 = arith.constant 0 : i32
          %dma_wait3A_278 = tpu.memref_slice %arg6[%dma_wait3A_276, %dma_wait3A_277] : memref<10240x128xf32, #tpu.memory_space<vmem_shared>> -> memref<10240x128xf32, #tpu.memory_space<vmem_shared>>
          tpu.wait_indirect_dma semaphore(%arg42 : memref<!tpu.dma_semaphore, #tpu.memory_space<semaphore_mem>>) src(%arg26 : memref<80x128xf32, #tpu.memory_space<vmem>>) dst(%dma_wait3A_278 : memref<10240x128xf32, #tpu.memory_space<vmem_shared>>)
        } else {
        }
        %add3A_262 = arith.constant 2 : i32
        %add3A_263 = arith.addi %add3A_228, %add3A_262 : i32
        %lt3A_264 = arith.constant 125 : i32
        %lt3A_265 = arith.cmpi slt, %add3A_263, %lt3A_264 : i32
        %convert_element_type3A_266 = arith.extui %lt3A_265 : i1 to i32
        %cond3A_267 = arith.constant 0 : i32
        %cond3A_268 = arith.cmpi ne, %convert_element_type3A_266, %cond3A_267 : i32
        scf.if %cond3A_268 {
          %dma_wait3A_276 = arith.constant 0 : i32
          %dma_wait3A_277 = tpu.memref_slice %arg3[%dma_wait3A_276] : memref<320000xi32, #tpu.memory_space<hbm>> -> memref<80xi32, #tpu.memory_space<hbm>>
          %dma_wait3A_278 = arith.constant 0 : i32
          %dma_wait3A_279 = tpu.memref_slice %arg3[%dma_wait3A_278] : memref<320000xi32, #tpu.memory_space<hbm>> -> memref<80xi32, #tpu.memory_space<hbm>>
          tpu.wait_dma2 semaphore(%arg34 : memref<!tpu.dma_semaphore, #tpu.memory_space<semaphore_mem>>) src(%dma_wait3A_279 : memref<80xi32, #tpu.memory_space<hbm>>) dst(%arg14 : memref<80xi32, #tpu.memory_space<vmem>>)
          %dma_wait3A_280 = arith.constant 0 : i32
          %dma_wait3A_281 = tpu.memref_slice %arg4[%dma_wait3A_280] : memref<320000xi32, #tpu.memory_space<hbm>> -> memref<80xi32, #tpu.memory_space<hbm>>
          %dma_wait3A_282 = arith.constant 0 : i32
          %dma_wait3A_283 = tpu.memref_slice %arg4[%dma_wait3A_282] : memref<320000xi32, #tpu.memory_space<hbm>> -> memref<80xi32, #tpu.memory_space<hbm>>
          tpu.wait_dma2 semaphore(%arg34 : memref<!tpu.dma_semaphore, #tpu.memory_space<semaphore_mem>>) src(%dma_wait3A_283 : memref<80xi32, #tpu.memory_space<hbm>>) dst(%arg22 : memref<80xi32, #tpu.memory_space<vmem>>)
          %dma_start3A_284 = arith.constant 0 : i32
          %dma_start3A_285 = arith.constant 0 : i32
          %dma_start3A_286 = tpu.memref_slice %arg2[%dma_start3A_284, %dma_start3A_285] : memref<10000x128xf32, #tpu.memory_space<hbm>> -> memref<10000x128xf32, #tpu.memory_space<hbm>>
          tpu.enqueue_indirect_dma source(%dma_start3A_286 : memref<10000x128xf32, #tpu.memory_space<hbm>>) target(%arg26 : memref<80x128xf32, #tpu.memory_space<vmem>>) offsets(%arg22 : memref<80xi32, #tpu.memory_space<vmem>>) semaphore(%arg38 : memref<!tpu.dma_semaphore, #tpu.memory_space<semaphore_mem>>)
        } else {
        }
        %add3A_269 = arith.constant 4 : i32
        %add3A_270 = arith.addi %add3A_228, %add3A_269 : i32
        %lt3A_271 = arith.constant 125 : i32
        %lt3A_272 = arith.cmpi slt, %add3A_270, %lt3A_271 : i32
        %convert_element_type3A_273 = arith.extui %lt3A_272 : i1 to i32
        %cond3A_274 = arith.constant 0 : i32
        %cond3A_275 = arith.cmpi ne, %convert_element_type3A_273, %cond3A_274 : i32
        scf.if %cond3A_275 {
          %add3A_276 = arith.constant 4 : i32
          %add3A_277 = arith.addi %add3A_228, %add3A_276 : i32
          %mul3A_278 = arith.constant 80 : i32
          %mul3A_279 = arith.muli %add3A_277, %mul3A_278 : i32
          %add3A_280 = arith.addi %mul3A_104, %mul3A_279 : i32
          %dma_start3A_281 = tpu.memref_slice %arg3[%add3A_280] : memref<320000xi32, #tpu.memory_space<hbm>> -> memref<80xi32, #tpu.memory_space<hbm>>
          %dma_start3A_282 = tpu.memref_slice %arg3[%add3A_280] : memref<320000xi32, #tpu.memory_space<hbm>> -> memref<80xi32, #tpu.memory_space<hbm>>
          tpu.enqueue_dma source(%dma_start3A_282 : memref<80xi32, #tpu.memory_space<hbm>>) target(%arg8 : memref<80xi32, #tpu.memory_space<vmem>>) target_semaphore(%arg28 : memref<!tpu.dma_semaphore, #tpu.memory_space<semaphore_mem>>)
          %mul3A_283 = arith.constant 80 : i32
          %mul3A_284 = arith.muli %add3A_277, %mul3A_283 : i32
          %add3A_285 = arith.addi %mul3A_104, %mul3A_284 : i32
          %dma_start3A_286 = tpu.memref_slice %arg4[%add3A_285] : memref<320000xi32, #tpu.memory_space<hbm>> -> memref<80xi32, #tpu.memory_space<hbm>>
          %dma_start3A_287 = tpu.memref_slice %arg4[%add3A_285] : memref<320000xi32, #tpu.memory_space<hbm>> -> memref<80xi32, #tpu.memory_space<hbm>>
          tpu.enqueue_dma source(%dma_start3A_287 : memref<80xi32, #tpu.memory_space<hbm>>) target(%arg16 : memref<80xi32, #tpu.memory_space<vmem>>) target_semaphore(%arg28 : memref<!tpu.dma_semaphore, #tpu.memory_space<semaphore_mem>>)
        } else {
        }
      } else {
      }
      %mul3A_234 = arith.constant 8 : i32
      %mul3A_235 = arith.muli %scan3A_182, %mul3A_234 : i32
      %add3A_236 = arith.constant 6 : i32
      %add3A_237 = arith.addi %mul3A_235, %add3A_236 : i32
      %lt3A_238 = arith.constant 125 : i32
      %lt3A_239 = arith.cmpi slt, %add3A_237, %lt3A_238 : i32
      %convert_element_type3A_240 = arith.extui %lt3A_239 : i1 to i32
      %cond3A_241 = arith.constant 0 : i32
      %cond3A_242 = arith.cmpi ne, %convert_element_type3A_240, %cond3A_241 : i32
      scf.if %cond3A_242 {
        %dma_wait3A_252 = arith.constant 0 : i32
        %dma_wait3A_253 = arith.constant 0 : i32
        %dma_wait3A_254 = tpu.memref_slice %arg2[%dma_wait3A_252, %dma_wait3A_253] : memref<10000x128xf32, #tpu.memory_space<hbm>> -> memref<10000x128xf32, #tpu.memory_space<hbm>>
        tpu.wait_indirect_dma semaphore(%arg37 : memref<!tpu.dma_semaphore, #tpu.memory_space<semaphore_mem>>) src(%dma_wait3A_254 : memref<10000x128xf32, #tpu.memory_space<hbm>>) dst(%arg25 : memref<80x128xf32, #tpu.memory_space<vmem>>)
        %dma_start3A_255 = arith.constant 0 : i32
        %dma_start3A_256 = arith.constant 0 : i32
        %dma_start3A_257 = tpu.memref_slice %arg6[%dma_start3A_255, %dma_start3A_256] : memref<10240x128xf32, #tpu.memory_space<vmem_shared>> -> memref<10240x128xf32, #tpu.memory_space<vmem_shared>>
        tpu.enqueue_indirect_dma source(%arg25 : memref<80x128xf32, #tpu.memory_space<vmem>>) target(%dma_start3A_257 : memref<10240x128xf32, #tpu.memory_space<vmem_shared>>) offsets(%arg13 : memref<80xi32, #tpu.memory_space<vmem>>) semaphore(%arg41 : memref<!tpu.dma_semaphore, #tpu.memory_space<semaphore_mem>>) {add = true}
        %ge3A = arith.constant 2 : i32
        %ge3A_258 = arith.cmpi sge, %add3A_237, %ge3A : i32
        %convert_element_type3A_259 = arith.extui %ge3A_258 : i1 to i32
        %cond3A_260 = arith.constant 0 : i32
        %cond3A_261 = arith.cmpi ne, %convert_element_type3A_259, %cond3A_260 : i32
        scf.if %cond3A_261 {
          %dma_wait3A_276 = arith.constant 0 : i32
          %dma_wait3A_277 = arith.constant 0 : i32
          %dma_wait3A_278 = tpu.memref_slice %arg6[%dma_wait3A_276, %dma_wait3A_277] : memref<10240x128xf32, #tpu.memory_space<vmem_shared>> -> memref<10240x128xf32, #tpu.memory_space<vmem_shared>>
          tpu.wait_indirect_dma semaphore(%arg39 : memref<!tpu.dma_semaphore, #tpu.memory_space<semaphore_mem>>) src(%arg23 : memref<80x128xf32, #tpu.memory_space<vmem>>) dst(%dma_wait3A_278 : memref<10240x128xf32, #tpu.memory_space<vmem_shared>>)
        } else {
        }
        %add3A_262 = arith.constant 2 : i32
        %add3A_263 = arith.addi %add3A_237, %add3A_262 : i32
        %lt3A_264 = arith.constant 125 : i32
        %lt3A_265 = arith.cmpi slt, %add3A_263, %lt3A_264 : i32
        %convert_element_type3A_266 = arith.extui %lt3A_265 : i1 to i32
        %cond3A_267 = arith.constant 0 : i32
        %cond3A_268 = arith.cmpi ne, %convert_element_type3A_266, %cond3A_267 : i32
        scf.if %cond3A_268 {
          %dma_wait3A_276 = arith.constant 0 : i32
          %dma_wait3A_277 = tpu.memref_slice %arg3[%dma_wait3A_276] : memref<320000xi32, #tpu.memory_space<hbm>> -> memref<80xi32, #tpu.memory_space<hbm>>
          %dma_wait3A_278 = arith.constant 0 : i32
          %dma_wait3A_279 = tpu.memref_slice %arg3[%dma_wait3A_278] : memref<320000xi32, #tpu.memory_space<hbm>> -> memref<80xi32, #tpu.memory_space<hbm>>
          tpu.wait_dma2 semaphore(%arg27 : memref<!tpu.dma_semaphore, #tpu.memory_space<semaphore_mem>>) src(%dma_wait3A_279 : memref<80xi32, #tpu.memory_space<hbm>>) dst(%arg7 : memref<80xi32, #tpu.memory_space<vmem>>)
          %dma_wait3A_280 = arith.constant 0 : i32
          %dma_wait3A_281 = tpu.memref_slice %arg4[%dma_wait3A_280] : memref<320000xi32, #tpu.memory_space<hbm>> -> memref<80xi32, #tpu.memory_space<hbm>>
          %dma_wait3A_282 = arith.constant 0 : i32
          %dma_wait3A_283 = tpu.memref_slice %arg4[%dma_wait3A_282] : memref<320000xi32, #tpu.memory_space<hbm>> -> memref<80xi32, #tpu.memory_space<hbm>>
          tpu.wait_dma2 semaphore(%arg27 : memref<!tpu.dma_semaphore, #tpu.memory_space<semaphore_mem>>) src(%dma_wait3A_283 : memref<80xi32, #tpu.memory_space<hbm>>) dst(%arg15 : memref<80xi32, #tpu.memory_space<vmem>>)
          %dma_start3A_284 = arith.constant 0 : i32
          %dma_start3A_285 = arith.constant 0 : i32
          %dma_start3A_286 = tpu.memref_slice %arg2[%dma_start3A_284, %dma_start3A_285] : memref<10000x128xf32, #tpu.memory_space<hbm>> -> memref<10000x128xf32, #tpu.memory_space<hbm>>
          tpu.enqueue_indirect_dma source(%dma_start3A_286 : memref<10000x128xf32, #tpu.memory_space<hbm>>) target(%arg23 : memref<80x128xf32, #tpu.memory_space<vmem>>) offsets(%arg15 : memref<80xi32, #tpu.memory_space<vmem>>) semaphore(%arg35 : memref<!tpu.dma_semaphore, #tpu.memory_space<semaphore_mem>>)
        } else {
        }
        %add3A_269 = arith.constant 4 : i32
        %add3A_270 = arith.addi %add3A_237, %add3A_269 : i32
        %lt3A_271 = arith.constant 125 : i32
        %lt3A_272 = arith.cmpi slt, %add3A_270, %lt3A_271 : i32
        %convert_element_type3A_273 = arith.extui %lt3A_272 : i1 to i32
        %cond3A_274 = arith.constant 0 : i32
        %cond3A_275 = arith.cmpi ne, %convert_element_type3A_273, %cond3A_274 : i32
        scf.if %cond3A_275 {
          %add3A_276 = arith.constant 4 : i32
          %add3A_277 = arith.addi %add3A_237, %add3A_276 : i32
          %mul3A_278 = arith.constant 80 : i32
          %mul3A_279 = arith.muli %add3A_277, %mul3A_278 : i32
          %add3A_280 = arith.addi %mul3A_104, %mul3A_279 : i32
          %dma_start3A_281 = tpu.memref_slice %arg3[%add3A_280] : memref<320000xi32, #tpu.memory_space<hbm>> -> memref<80xi32, #tpu.memory_space<hbm>>
          %dma_start3A_282 = tpu.memref_slice %arg3[%add3A_280] : memref<320000xi32, #tpu.memory_space<hbm>> -> memref<80xi32, #tpu.memory_space<hbm>>
          tpu.enqueue_dma source(%dma_start3A_282 : memref<80xi32, #tpu.memory_space<hbm>>) target(%arg9 : memref<80xi32, #tpu.memory_space<vmem>>) target_semaphore(%arg29 : memref<!tpu.dma_semaphore, #tpu.memory_space<semaphore_mem>>)
          %mul3A_283 = arith.constant 80 : i32
          %mul3A_284 = arith.muli %add3A_277, %mul3A_283 : i32
          %add3A_285 = arith.addi %mul3A_104, %mul3A_284 : i32
          %dma_start3A_286 = tpu.memref_slice %arg4[%add3A_285] : memref<320000xi32, #tpu.memory_space<hbm>> -> memref<80xi32, #tpu.memory_space<hbm>>
          %dma_start3A_287 = tpu.memref_slice %arg4[%add3A_285] : memref<320000xi32, #tpu.memory_space<hbm>> -> memref<80xi32, #tpu.memory_space<hbm>>
          tpu.enqueue_dma source(%dma_start3A_287 : memref<80xi32, #tpu.memory_space<hbm>>) target(%arg17 : memref<80xi32, #tpu.memory_space<vmem>>) target_semaphore(%arg29 : memref<!tpu.dma_semaphore, #tpu.memory_space<semaphore_mem>>)
        } else {
        }
      } else {
      }
      %mul3A_243 = arith.constant 8 : i32
      %mul3A_244 = arith.muli %scan3A_182, %mul3A_243 : i32
      %add3A_245 = arith.constant 7 : i32
      %add3A_246 = arith.addi %mul3A_244, %add3A_245 : i32
      %lt3A_247 = arith.constant 125 : i32
      %lt3A_248 = arith.cmpi slt, %add3A_246, %lt3A_247 : i32
      %convert_element_type3A_249 = arith.extui %lt3A_248 : i1 to i32
      %cond3A_250 = arith.constant 0 : i32
      %cond3A_251 = arith.cmpi ne, %convert_element_type3A_249, %cond3A_250 : i32
      scf.if %cond3A_251 {
        %dma_wait3A_252 = arith.constant 0 : i32
        %dma_wait3A_253 = arith.constant 0 : i32
        %dma_wait3A_254 = tpu.memref_slice %arg2[%dma_wait3A_252, %dma_wait3A_253] : memref<10000x128xf32, #tpu.memory_space<hbm>> -> memref<10000x128xf32, #tpu.memory_space<hbm>>
        tpu.wait_indirect_dma semaphore(%arg38 : memref<!tpu.dma_semaphore, #tpu.memory_space<semaphore_mem>>) src(%dma_wait3A_254 : memref<10000x128xf32, #tpu.memory_space<hbm>>) dst(%arg26 : memref<80x128xf32, #tpu.memory_space<vmem>>)
        %dma_start3A_255 = arith.constant 0 : i32
        %dma_start3A_256 = arith.constant 0 : i32
        %dma_start3A_257 = tpu.memref_slice %arg6[%dma_start3A_255, %dma_start3A_256] : memref<10240x128xf32, #tpu.memory_space<vmem_shared>> -> memref<10240x128xf32, #tpu.memory_space<vmem_shared>>
        tpu.enqueue_indirect_dma source(%arg26 : memref<80x128xf32, #tpu.memory_space<vmem>>) target(%dma_start3A_257 : memref<10240x128xf32, #tpu.memory_space<vmem_shared>>) offsets(%arg14 : memref<80xi32, #tpu.memory_space<vmem>>) semaphore(%arg42 : memref<!tpu.dma_semaphore, #tpu.memory_space<semaphore_mem>>) {add = true}
        %ge3A = arith.constant 2 : i32
        %ge3A_258 = arith.cmpi sge, %add3A_246, %ge3A : i32
        %convert_element_type3A_259 = arith.extui %ge3A_258 : i1 to i32
        %cond3A_260 = arith.constant 0 : i32
        %cond3A_261 = arith.cmpi ne, %convert_element_type3A_259, %cond3A_260 : i32
        scf.if %cond3A_261 {
          %dma_wait3A_276 = arith.constant 0 : i32
          %dma_wait3A_277 = arith.constant 0 : i32
          %dma_wait3A_278 = tpu.memref_slice %arg6[%dma_wait3A_276, %dma_wait3A_277] : memref<10240x128xf32, #tpu.memory_space<vmem_shared>> -> memref<10240x128xf32, #tpu.memory_space<vmem_shared>>
          tpu.wait_indirect_dma semaphore(%arg40 : memref<!tpu.dma_semaphore, #tpu.memory_space<semaphore_mem>>) src(%arg24 : memref<80x128xf32, #tpu.memory_space<vmem>>) dst(%dma_wait3A_278 : memref<10240x128xf32, #tpu.memory_space<vmem_shared>>)
        } else {
        }
        %add3A_262 = arith.constant 2 : i32
        %add3A_263 = arith.addi %add3A_246, %add3A_262 : i32
        %lt3A_264 = arith.constant 125 : i32
        %lt3A_265 = arith.cmpi slt, %add3A_263, %lt3A_264 : i32
        %convert_element_type3A_266 = arith.extui %lt3A_265 : i1 to i32
        %cond3A_267 = arith.constant 0 : i32
        %cond3A_268 = arith.cmpi ne, %convert_element_type3A_266, %cond3A_267 : i32
        scf.if %cond3A_268 {
          %dma_wait3A_276 = arith.constant 0 : i32
          %dma_wait3A_277 = tpu.memref_slice %arg3[%dma_wait3A_276] : memref<320000xi32, #tpu.memory_space<hbm>> -> memref<80xi32, #tpu.memory_space<hbm>>
          %dma_wait3A_278 = arith.constant 0 : i32
          %dma_wait3A_279 = tpu.memref_slice %arg3[%dma_wait3A_278] : memref<320000xi32, #tpu.memory_space<hbm>> -> memref<80xi32, #tpu.memory_space<hbm>>
          tpu.wait_dma2 semaphore(%arg28 : memref<!tpu.dma_semaphore, #tpu.memory_space<semaphore_mem>>) src(%dma_wait3A_279 : memref<80xi32, #tpu.memory_space<hbm>>) dst(%arg8 : memref<80xi32, #tpu.memory_space<vmem>>)
          %dma_wait3A_280 = arith.constant 0 : i32
          %dma_wait3A_281 = tpu.memref_slice %arg4[%dma_wait3A_280] : memref<320000xi32, #tpu.memory_space<hbm>> -> memref<80xi32, #tpu.memory_space<hbm>>
          %dma_wait3A_282 = arith.constant 0 : i32
          %dma_wait3A_283 = tpu.memref_slice %arg4[%dma_wait3A_282] : memref<320000xi32, #tpu.memory_space<hbm>> -> memref<80xi32, #tpu.memory_space<hbm>>
          tpu.wait_dma2 semaphore(%arg28 : memref<!tpu.dma_semaphore, #tpu.memory_space<semaphore_mem>>) src(%dma_wait3A_283 : memref<80xi32, #tpu.memory_space<hbm>>) dst(%arg16 : memref<80xi32, #tpu.memory_space<vmem>>)
          %dma_start3A_284 = arith.constant 0 : i32
          %dma_start3A_285 = arith.constant 0 : i32
          %dma_start3A_286 = tpu.memref_slice %arg2[%dma_start3A_284, %dma_start3A_285] : memref<10000x128xf32, #tpu.memory_space<hbm>> -> memref<10000x128xf32, #tpu.memory_space<hbm>>
          tpu.enqueue_indirect_dma source(%dma_start3A_286 : memref<10000x128xf32, #tpu.memory_space<hbm>>) target(%arg24 : memref<80x128xf32, #tpu.memory_space<vmem>>) offsets(%arg16 : memref<80xi32, #tpu.memory_space<vmem>>) semaphore(%arg36 : memref<!tpu.dma_semaphore, #tpu.memory_space<semaphore_mem>>)
        } else {
        }
        %add3A_269 = arith.constant 4 : i32
        %add3A_270 = arith.addi %add3A_246, %add3A_269 : i32
        %lt3A_271 = arith.constant 125 : i32
        %lt3A_272 = arith.cmpi slt, %add3A_270, %lt3A_271 : i32
        %convert_element_type3A_273 = arith.extui %lt3A_272 : i1 to i32
        %cond3A_274 = arith.constant 0 : i32
        %cond3A_275 = arith.cmpi ne, %convert_element_type3A_273, %cond3A_274 : i32
        scf.if %cond3A_275 {
          %add3A_276 = arith.constant 4 : i32
          %add3A_277 = arith.addi %add3A_246, %add3A_276 : i32
          %mul3A_278 = arith.constant 80 : i32
          %mul3A_279 = arith.muli %add3A_277, %mul3A_278 : i32
          %add3A_280 = arith.addi %mul3A_104, %mul3A_279 : i32
          %dma_start3A_281 = tpu.memref_slice %arg3[%add3A_280] : memref<320000xi32, #tpu.memory_space<hbm>> -> memref<80xi32, #tpu.memory_space<hbm>>
          %dma_start3A_282 = tpu.memref_slice %arg3[%add3A_280] : memref<320000xi32, #tpu.memory_space<hbm>> -> memref<80xi32, #tpu.memory_space<hbm>>
          tpu.enqueue_dma source(%dma_start3A_282 : memref<80xi32, #tpu.memory_space<hbm>>) target(%arg10 : memref<80xi32, #tpu.memory_space<vmem>>) target_semaphore(%arg30 : memref<!tpu.dma_semaphore, #tpu.memory_space<semaphore_mem>>)
          %mul3A_283 = arith.constant 80 : i32
          %mul3A_284 = arith.muli %add3A_277, %mul3A_283 : i32
          %add3A_285 = arith.addi %mul3A_104, %mul3A_284 : i32
          %dma_start3A_286 = tpu.memref_slice %arg4[%add3A_285] : memref<320000xi32, #tpu.memory_space<hbm>> -> memref<80xi32, #tpu.memory_space<hbm>>
          %dma_start3A_287 = tpu.memref_slice %arg4[%add3A_285] : memref<320000xi32, #tpu.memory_space<hbm>> -> memref<80xi32, #tpu.memory_space<hbm>>
          tpu.enqueue_dma source(%dma_start3A_287 : memref<80xi32, #tpu.memory_space<hbm>>) target(%arg18 : memref<80xi32, #tpu.memory_space<vmem>>) target_semaphore(%arg30 : memref<!tpu.dma_semaphore, #tpu.memory_space<semaphore_mem>>)
        } else {
        }
      } else {
      }
    }
    %scan3A_164 = arith.constant 16 : i32
    %dma_wait3A_165 = arith.constant 0 : i32
    %dma_wait3A_166 = arith.constant 0 : i32
    %dma_wait3A_167 = tpu.memref_slice %arg6[%dma_wait3A_165, %dma_wait3A_166] : memref<10240x128xf32, #tpu.memory_space<vmem_shared>> -> memref<10240x128xf32, #tpu.memory_space<vmem_shared>>
    tpu.wait_indirect_dma semaphore(%arg42 : memref<!tpu.dma_semaphore, #tpu.memory_space<semaphore_mem>>) src(%arg26 : memref<80x128xf32, #tpu.memory_space<vmem>>) dst(%dma_wait3A_167 : memref<10240x128xf32, #tpu.memory_space<vmem_shared>>)
    %dma_wait3A_168 = arith.constant 0 : i32
    %dma_wait3A_169 = arith.constant 0 : i32
    %dma_wait3A_170 = tpu.memref_slice %arg6[%dma_wait3A_168, %dma_wait3A_169] : memref<10240x128xf32, #tpu.memory_space<vmem_shared>> -> memref<10240x128xf32, #tpu.memory_space<vmem_shared>>
    tpu.wait_indirect_dma semaphore(%arg39 : memref<!tpu.dma_semaphore, #tpu.memory_space<semaphore_mem>>) src(%arg23 : memref<80x128xf32, #tpu.memory_space<vmem>>) dst(%dma_wait3A_170 : memref<10240x128xf32, #tpu.memory_space<vmem_shared>>)
    %barrier3A_171 = arith.constant 0 : index
    tpu.barrier barrier_id(%barrier3A_171)
    %dma_start3A_172 = arith.constant 0 : i32
    %dma_start3A_173 = tpu.memref_slice %arg5[%arg0, %mul3A_8, %dma_start3A_172] : memref<2x10240x128xf32, #tpu.memory_space<hbm>> -> memref<1x640x128xf32, #tpu.memory_space<hbm>>
    %dma_start3A_174 = tpu.memref_squeeze %dma_start3A_173 : memref<1x640x128xf32, #tpu.memory_space<hbm>> -> memref<640x128xf32, #tpu.memory_space<hbm>>
    %dma_start3A_175 = arith.constant 0 : i32
    %dma_start3A_176 = tpu.memref_slice %arg6[%mul3A_8, %dma_start3A_175] : memref<10240x128xf32, #tpu.memory_space<vmem_shared>> -> memref<640x128xf32, #tpu.memory_space<vmem_shared>>
    tpu.enqueue_dma source(%dma_start3A_176 : memref<640x128xf32, #tpu.memory_space<vmem_shared>>) target(%dma_start3A_174 : memref<640x128xf32, #tpu.memory_space<hbm>>) target_semaphore(%arg43 : memref<!tpu.dma_semaphore, #tpu.memory_space<semaphore_mem>>)
    %dma_wait3A_177 = arith.constant 0 : i32
    %dma_wait3A_178 = tpu.memref_slice %arg5[%arg0, %mul3A_8, %dma_wait3A_177] : memref<2x10240x128xf32, #tpu.memory_space<hbm>> -> memref<1x640x128xf32, #tpu.memory_space<hbm>>
    %dma_wait3A_179 = tpu.memref_squeeze %dma_wait3A_178 : memref<1x640x128xf32, #tpu.memory_space<hbm>> -> memref<640x128xf32, #tpu.memory_space<hbm>>
    %dma_wait3A_180 = arith.constant 0 : i32
    %dma_wait3A_181 = tpu.memref_slice %arg6[%mul3A_8, %dma_wait3A_180] : memref<10240x128xf32, #tpu.memory_space<vmem_shared>> -> memref<640x128xf32, #tpu.memory_space<vmem_shared>>
    tpu.wait_dma2 semaphore(%arg43 : memref<!tpu.dma_semaphore, #tpu.memory_space<semaphore_mem>>) src(%dma_wait3A_181 : memref<640x128xf32, #tpu.memory_space<vmem_shared>>) dst(%dma_wait3A_179 : memref<640x128xf32, #tpu.memory_space<hbm>>)
    return
  }
}

module attributes {stable_mosaic.version = 14 : i64} {
  func.func @body(%arg0: i32, %arg1: memref<1x1xf32, #tpu.memory_space<vmem>>, %arg2: memref<1000x128xf32, #tpu.memory_space<vmem>>, %arg3: memref<2x1000x128xf32, #tpu.memory_space<vmem>>, %arg4: memref<2x1000x16xf32, #tpu.memory_space<vmem>>, %arg5: memref<2x1000x16xf32, #tpu.memory_space<vmem>>, %arg6: memref<16x128xf32, #tpu.memory_space<vmem>>, %arg7: memref<1x128xf32, #tpu.memory_space<vmem>>, %arg8: memref<128x128xf32, #tpu.memory_space<vmem>>, %arg9: memref<1x128xf32, #tpu.memory_space<vmem>>, %arg10: memref<128x128xf32, #tpu.memory_space<vmem>>, %arg11: memref<1x128xf32, #tpu.memory_space<vmem>>, %arg12: memref<1x128xf32, #tpu.memory_space<vmem>>, %arg13: memref<1x128xf32, #tpu.memory_space<vmem>>, %arg14: memref<1000x128xf32, #tpu.memory_space<vmem>>) attributes {dimension_semantics = [#tpu.dimension_semantics<arbitrary>], iteration_bounds = array<i64: 10>, scalar_prefetch = 0 : i64, scratch_operands = 0 : i64, tpu.core_type = #tpu.core_type<tc>, window_params = [{pipeline_mode = #tpu.pipeline_mode<synchronous>, transform_indices = @transform_0, window_bounds = array<i64: 1, 1>}, {transform_indices = @transform_1, window_bounds = array<i64: 1000, 128>}, {transform_indices = @transform_2, window_bounds = array<i64: 2, 1000, 128>}, {transform_indices = @transform_3, window_bounds = array<i64: 2, 1000, 16>}, {transform_indices = @transform_4, window_bounds = array<i64: 2, 1000, 16>}, {pipeline_mode = #tpu.pipeline_mode<synchronous>, transform_indices = @transform_5, window_bounds = array<i64: 16, 128>}, {pipeline_mode = #tpu.pipeline_mode<synchronous>, transform_indices = @transform_6, window_bounds = array<i64: 1, 128>}, {pipeline_mode = #tpu.pipeline_mode<synchronous>, transform_indices = @transform_7, window_bounds = array<i64: 128, 128>}, {pipeline_mode = #tpu.pipeline_mode<synchronous>, transform_indices = @transform_8, window_bounds = array<i64: 1, 128>}, {pipeline_mode = #tpu.pipeline_mode<synchronous>, transform_indices = @transform_9, window_bounds = array<i64: 128, 128>}, {pipeline_mode = #tpu.pipeline_mode<synchronous>, transform_indices = @transform_10, window_bounds = array<i64: 1, 128>}, {pipeline_mode = #tpu.pipeline_mode<synchronous>, transform_indices = @transform_11, window_bounds = array<i64: 1, 128>}, {pipeline_mode = #tpu.pipeline_mode<synchronous>, transform_indices = @transform_12, window_bounds = array<i64: 1, 128>}, {transform_indices = @transform_13, window_bounds = array<i64: 1000, 128>}]} {
    %get3A = arith.constant 0 : index
    %get3A_0 = arith.constant 0 : index
    %get3A_1 = arith.constant 0 : index
    %get3A_2 = vector.load %arg3[%get3A, %get3A_0, %get3A_1] : memref<2x1000x128xf32, #tpu.memory_space<vmem>>, vector<1x1000x128xf32>
    %get3A_3 = vector.shape_cast %get3A_2 : vector<1x1000x128xf32> to vector<1000x128xf32>
    %get3A_4 = arith.constant 1 : index
    %get3A_5 = arith.constant 0 : index
    %get3A_6 = arith.constant 0 : index
    %get3A_7 = vector.load %arg3[%get3A_4, %get3A_5, %get3A_6] : memref<2x1000x128xf32, #tpu.memory_space<vmem>>, vector<1x1000x128xf32>
    %get3A_8 = vector.shape_cast %get3A_7 : vector<1x1000x128xf32> to vector<1000x128xf32>
    %add3A = arith.addf %get3A_3, %get3A_8 : vector<1000x128xf32>
    %get3A_9 = arith.constant 0 : index
    %get3A_10 = arith.constant 0 : index
    %get3A_11 = arith.constant 0 : index
    %get3A_12 = vector.load %arg4[%get3A_9, %get3A_10, %get3A_11] : memref<2x1000x16xf32, #tpu.memory_space<vmem>>, vector<1x1000x16xf32>
    %get3A_13 = vector.shape_cast %get3A_12 : vector<1x1000x16xf32> to vector<1000x16xf32>
    %get3A_14 = arith.constant 1 : index
    %get3A_15 = arith.constant 0 : index
    %get3A_16 = arith.constant 0 : index
    %get3A_17 = vector.load %arg4[%get3A_14, %get3A_15, %get3A_16] : memref<2x1000x16xf32, #tpu.memory_space<vmem>>, vector<1x1000x16xf32>
    %get3A_18 = vector.shape_cast %get3A_17 : vector<1x1000x16xf32> to vector<1000x16xf32>
    %add3A_19 = arith.addf %get3A_13, %get3A_18 : vector<1000x16xf32>
    %get3A_20 = arith.constant 0 : index
    %get3A_21 = arith.constant 0 : index
    %get3A_22 = arith.constant 0 : index
    %get3A_23 = vector.load %arg5[%get3A_20, %get3A_21, %get3A_22] : memref<2x1000x16xf32, #tpu.memory_space<vmem>>, vector<1x1000x16xf32>
    %get3A_24 = vector.shape_cast %get3A_23 : vector<1x1000x16xf32> to vector<1000x16xf32>
    %get3A_25 = arith.constant 1 : index
    %get3A_26 = arith.constant 0 : index
    %get3A_27 = arith.constant 0 : index
    %get3A_28 = vector.load %arg5[%get3A_25, %get3A_26, %get3A_27] : memref<2x1000x16xf32, #tpu.memory_space<vmem>>, vector<1x1000x16xf32>
    %get3A_29 = vector.shape_cast %get3A_28 : vector<1x1000x16xf32> to vector<1000x16xf32>
    %add3A_30 = arith.addf %get3A_24, %get3A_29 : vector<1000x16xf32>
    %slice3A = vector.extract_strided_slice %add3A_30 {offsets = [0, 0], sizes = [1000, 1], strides = [1, 1]} : vector<1000x16xf32> to vector<1000x1xf32>
    %get3A_31 = arith.constant 0 : index
    %get3A_32 = arith.constant 0 : index
    %get3A_33 = vector.load %arg6[%get3A_31, %get3A_32] : memref<16x128xf32, #tpu.memory_space<vmem>>, vector<16x128xf32>
    %dot_general3A = arith.constant dense<0.000000e+00> : vector<1000x128xf32>
    %dot_general3A_34 = tpu.matmul %add3A_19, %get3A_33, %dot_general3A {dimension_numbers = #tpu.dot_dimension_numbers<[1], [0], [0], [1], [0, 0, 1, 1], [], []>, transpose_lhs_hint = false} : vector<1000x16xf32>, vector<16x128xf32>, vector<1000x128xf32> -> vector<1000x128xf32>
    %add3A_35 = arith.addf %add3A, %dot_general3A_34 : vector<1000x128xf32>
    %get3A_36 = arith.constant 0 : index
    %get3A_37 = arith.constant 0 : index
    %get3A_38 = vector.load %arg7[%get3A_36, %get3A_37] : memref<1x128xf32, #tpu.memory_space<vmem>>, vector<1x128xf32>
    %mul3A = vector.broadcast %slice3A : vector<1000x1xf32> to vector<1000x128xf32>
    %mul3A_39 = vector.broadcast %get3A_38 : vector<1x128xf32> to vector<1000x128xf32>
    %mul3A_40 = arith.mulf %mul3A, %mul3A_39 : vector<1000x128xf32>
    %add3A_41 = arith.addf %add3A_35, %mul3A_40 : vector<1000x128xf32>
    %get3A_42 = arith.constant 0 : index
    %get3A_43 = arith.constant 0 : index
    %get3A_44 = vector.load %arg2[%get3A_42, %get3A_43] : memref<1000x128xf32, #tpu.memory_space<vmem>>, vector<1000x128xf32>
    %get3A_45 = arith.constant 0 : index
    %get3A_46 = arith.constant 0 : index
    %get3A_47 = vector.load %arg1[%get3A_45, %get3A_46] : memref<1x1xf32, #tpu.memory_space<vmem>>, vector<1x1xf32>
    %add3A_48 = arith.constant 1.000000e+00 : f32
    %add3A_49 = vector.broadcast %add3A_48 : f32 to vector<1x1xf32>
    %add3A_50 = arith.addf %add3A_49, %get3A_47 : vector<1x1xf32>
    %mul3A_51 = vector.broadcast %add3A_50 : vector<1x1xf32> to vector<1000x128xf32>
    %mul3A_52 = arith.mulf %get3A_44, %mul3A_51 : vector<1000x128xf32>
    %add3A_53 = arith.addf %mul3A_52, %add3A_41 : vector<1000x128xf32>
    %get3A_54 = arith.constant 0 : index
    %get3A_55 = arith.constant 0 : index
    %get3A_56 = vector.load %arg8[%get3A_54, %get3A_55] : memref<128x128xf32, #tpu.memory_space<vmem>>, vector<128x128xf32>
    %dot_general3A_57 = arith.constant dense<0.000000e+00> : vector<1000x128xf32>
    %dot_general3A_58 = tpu.matmul %add3A_53, %get3A_56, %dot_general3A_57 {dimension_numbers = #tpu.dot_dimension_numbers<[1], [0], [0], [1], [0, 0, 1, 1], [], []>, transpose_lhs_hint = false} : vector<1000x128xf32>, vector<128x128xf32>, vector<1000x128xf32> -> vector<1000x128xf32>
    %get3A_59 = arith.constant 0 : index
    %get3A_60 = arith.constant 0 : index
    %get3A_61 = vector.load %arg9[%get3A_59, %get3A_60] : memref<1x128xf32, #tpu.memory_space<vmem>>, vector<1x128xf32>
    %add3A_62 = vector.broadcast %get3A_61 : vector<1x128xf32> to vector<1000x128xf32>
    %add3A_63 = arith.addf %dot_general3A_58, %add3A_62 : vector<1000x128xf32>
    %max3A = arith.constant 0.000000e+00 : f32
    %max3A_64 = vector.broadcast %max3A : f32 to vector<1000x128xf32>
    %max3A_65 = arith.maximumf %add3A_63, %max3A_64 : vector<1000x128xf32>
    %get3A_66 = arith.constant 0 : index
    %get3A_67 = arith.constant 0 : index
    %get3A_68 = vector.load %arg10[%get3A_66, %get3A_67] : memref<128x128xf32, #tpu.memory_space<vmem>>, vector<128x128xf32>
    %dot_general3A_69 = arith.constant dense<0.000000e+00> : vector<1000x128xf32>
    %dot_general3A_70 = tpu.matmul %max3A_65, %get3A_68, %dot_general3A_69 {dimension_numbers = #tpu.dot_dimension_numbers<[1], [0], [0], [1], [0, 0, 1, 1], [], []>, transpose_lhs_hint = false} : vector<1000x128xf32>, vector<128x128xf32>, vector<1000x128xf32> -> vector<1000x128xf32>
    %get3A_71 = arith.constant 0 : index
    %get3A_72 = arith.constant 0 : index
    %get3A_73 = vector.load %arg11[%get3A_71, %get3A_72] : memref<1x128xf32, #tpu.memory_space<vmem>>, vector<1x128xf32>
    %add3A_74 = vector.broadcast %get3A_73 : vector<1x128xf32> to vector<1000x128xf32>
    %add3A_75 = arith.addf %dot_general3A_70, %add3A_74 : vector<1000x128xf32>
    %reduce_sum3A = arith.constant dense<0.000000e+00> : vector<1000xf32>
    %reduce_sum3A_76 = vector.multi_reduction <add>, %add3A_75, %reduce_sum3A [1] : vector<1000x128xf32> to vector<1000xf32>
    %broadcast_in_dim3A = vector.shape_cast %reduce_sum3A_76 : vector<1000xf32> to vector<1000x1xf32>
    %div3A = arith.constant 1.280000e+02 : f32
    %div3A_77 = vector.broadcast %div3A : f32 to vector<1000x1xf32>
    %div3A_78 = arith.divf %broadcast_in_dim3A, %div3A_77 : vector<1000x1xf32>
    %sub3A = vector.broadcast %div3A_78 : vector<1000x1xf32> to vector<1000x128xf32>
    %sub3A_79 = arith.subf %add3A_75, %sub3A : vector<1000x128xf32>
    %mul3A_80 = arith.mulf %sub3A_79, %sub3A_79 : vector<1000x128xf32>
    %reduce_sum3A_81 = arith.constant dense<0.000000e+00> : vector<1000xf32>
    %reduce_sum3A_82 = vector.multi_reduction <add>, %mul3A_80, %reduce_sum3A_81 [1] : vector<1000x128xf32> to vector<1000xf32>
    %broadcast_in_dim3A_83 = vector.shape_cast %reduce_sum3A_82 : vector<1000xf32> to vector<1000x1xf32>
    %div3A_84 = arith.constant 1.280000e+02 : f32
    %div3A_85 = vector.broadcast %div3A_84 : f32 to vector<1000x1xf32>
    %div3A_86 = arith.divf %broadcast_in_dim3A_83, %div3A_85 : vector<1000x1xf32>
    %add3A_87 = arith.constant 9.99999974E-6 : f32
    %add3A_88 = vector.broadcast %add3A_87 : f32 to vector<1000x1xf32>
    %add3A_89 = arith.addf %div3A_86, %add3A_88 : vector<1000x1xf32>
    %rsqrt3A = math.rsqrt %add3A_89 : vector<1000x1xf32>
    %mul3A_90 = vector.broadcast %rsqrt3A : vector<1000x1xf32> to vector<1000x128xf32>
    %mul3A_91 = arith.mulf %sub3A_79, %mul3A_90 : vector<1000x128xf32>
    %get3A_92 = arith.constant 0 : index
    %get3A_93 = arith.constant 0 : index
    %get3A_94 = vector.load %arg12[%get3A_92, %get3A_93] : memref<1x128xf32, #tpu.memory_space<vmem>>, vector<1x128xf32>
    %mul3A_95 = vector.broadcast %get3A_94 : vector<1x128xf32> to vector<1000x128xf32>
    %mul3A_96 = arith.mulf %mul3A_91, %mul3A_95 : vector<1000x128xf32>
    %get3A_97 = arith.constant 0 : index
    %get3A_98 = arith.constant 0 : index
    %get3A_99 = vector.load %arg13[%get3A_97, %get3A_98] : memref<1x128xf32, #tpu.memory_space<vmem>>, vector<1x128xf32>
    %add3A_100 = vector.broadcast %get3A_99 : vector<1x128xf32> to vector<1000x128xf32>
    %add3A_101 = arith.addf %mul3A_96, %add3A_100 : vector<1000x128xf32>
    %swap3A = arith.constant 0 : index
    %swap3A_102 = arith.constant 0 : index
    %swap3A_103 = vector.load %arg14[%swap3A, %swap3A_102] : memref<1000x128xf32, #tpu.memory_space<vmem>>, vector<1000x128xf32>
    tpu.vector_store %arg14[%swap3A, %swap3A_102], %add3A_101 {strides = array<i32>} : memref<1000x128xf32, #tpu.memory_space<vmem>>, vector<1000x128xf32>,
    return
  }
  func.func @transform_0(%arg0: i32) -> (i32, i32) {
    %c0_i32 = arith.constant 0 : i32
    %c0_i32_0 = arith.constant 0 : i32
    %c0_i32_1 = arith.constant 0 : i32
    return %c0_i32, %c0_i32_0 : i32, i32
  }
  func.func @transform_1(%arg0: i32) -> (i32, i32) {
    %c0_i32 = arith.constant 0 : i32
    %c0_i32_0 = arith.constant 0 : i32
    return %arg0, %c0_i32 : i32, i32
  }
  func.func @transform_2(%arg0: i32) -> (i32, i32, i32) {
    %c0_i32 = arith.constant 0 : i32
    %c0_i32_0 = arith.constant 0 : i32
    %c0_i32_1 = arith.constant 0 : i32
    return %c0_i32, %arg0, %c0_i32_0 : i32, i32, i32
  }
  func.func @transform_3(%arg0: i32) -> (i32, i32, i32) {
    %c0_i32 = arith.constant 0 : i32
    %c0_i32_0 = arith.constant 0 : i32
    %c0_i32_1 = arith.constant 0 : i32
    return %c0_i32, %arg0, %c0_i32_0 : i32, i32, i32
  }
  func.func @transform_4(%arg0: i32) -> (i32, i32, i32) {
    %c0_i32 = arith.constant 0 : i32
    %c0_i32_0 = arith.constant 0 : i32
    %c0_i32_1 = arith.constant 0 : i32
    return %c0_i32, %arg0, %c0_i32_0 : i32, i32, i32
  }
  func.func @transform_5(%arg0: i32) -> (i32, i32) {
    %c0_i32 = arith.constant 0 : i32
    %c0_i32_0 = arith.constant 0 : i32
    %c0_i32_1 = arith.constant 0 : i32
    return %c0_i32, %c0_i32_0 : i32, i32
  }
  func.func @transform_6(%arg0: i32) -> (i32, i32) {
    %c0_i32 = arith.constant 0 : i32
    %c0_i32_0 = arith.constant 0 : i32
    %c0_i32_1 = arith.constant 0 : i32
    return %c0_i32, %c0_i32_0 : i32, i32
  }
  func.func @transform_7(%arg0: i32) -> (i32, i32) {
    %c0_i32 = arith.constant 0 : i32
    %c0_i32_0 = arith.constant 0 : i32
    %c0_i32_1 = arith.constant 0 : i32
    return %c0_i32, %c0_i32_0 : i32, i32
  }
  func.func @transform_8(%arg0: i32) -> (i32, i32) {
    %c0_i32 = arith.constant 0 : i32
    %c0_i32_0 = arith.constant 0 : i32
    %c0_i32_1 = arith.constant 0 : i32
    return %c0_i32, %c0_i32_0 : i32, i32
  }
  func.func @transform_9(%arg0: i32) -> (i32, i32) {
    %c0_i32 = arith.constant 0 : i32
    %c0_i32_0 = arith.constant 0 : i32
    %c0_i32_1 = arith.constant 0 : i32
    return %c0_i32, %c0_i32_0 : i32, i32
  }
  func.func @transform_10(%arg0: i32) -> (i32, i32) {
    %c0_i32 = arith.constant 0 : i32
    %c0_i32_0 = arith.constant 0 : i32
    %c0_i32_1 = arith.constant 0 : i32
    return %c0_i32, %c0_i32_0 : i32, i32
  }
  func.func @transform_11(%arg0: i32) -> (i32, i32) {
    %c0_i32 = arith.constant 0 : i32
    %c0_i32_0 = arith.constant 0 : i32
    %c0_i32_1 = arith.constant 0 : i32
    return %c0_i32, %c0_i32_0 : i32, i32
  }
  func.func @transform_12(%arg0: i32) -> (i32, i32) {
    %c0_i32 = arith.constant 0 : i32
    %c0_i32_0 = arith.constant 0 : i32
    %c0_i32_1 = arith.constant 0 : i32
    return %c0_i32, %c0_i32_0 : i32, i32
  }
  func.func @transform_13(%arg0: i32) -> (i32, i32) {
    %c0_i32 = arith.constant 0 : i32
    %c0_i32_0 = arith.constant 0 : i32
    return %arg0, %c0_i32 : i32, i32
  }
}

</mosaic_0001>

<sc_bundles>
// kernel: kernel.5.cloned.1.call-start
scs
__scs_entry_jumppad:
0x0: {  	(pc) =	sbr.rel $0x88, $3  }
0x1: {  	(tag) =	ssettag $0x0;
	lr =	simm.s32 $0x1  }
0x2: {  	[smem:$0x3F95] =	sst lr;
	_ =	strace $0xD0000000  }
0x3: {  	_ = 	snop  }
0x4: {  	_ = 	snop  }
0x5: {  	_ = 	snop  }
0x6: {  	_ = 	snop  }
0x7: {  	_ = 	snop  }
__scs_overlays_trampoline_lowered:
0x8: {  	[smem:$0x3FA4] =	sst s0  }
0x9: {  	[smem:$0x3FA5] =	sst s1  }
0xa: {  	[smem:$0x3FA6] =	sst s2  }
0xb: {  	[smem:$0x3FA7] =	sst s3  }
0xc: {  	[smem:$0x3FA8] =	sst s4  }
0xd: {  	[smem:$0x3FA9] =	sst s5  }
0xe: {  	[smem:$0x3FAA] =	sst s6  }
0xf: {  	[smem:$0x3FAB] =	sst s7  }
0x10: {  	[smem:$0x3FAC] =	sst s8  }
0x11: {  	[smem:$0x3FAD] =	sst s9;
	s0 =	simm.s32 @!p0 $0x0  }
0x12: {  	s1 =	sld [smem:$0x3F93];
	s0 =	simm.s32 @p0 $0x1  }
0x13: {  	[smem:$0x3FAE] =	sst s0;
	s0 =	simm.s32 @!p1 $0x0  }
0x14: {  	s2 =	sld [smem:$0x3F92];
	s0 =	simm.s32 @p1 $0x1  }
0x15: {  	[smem:$0x3FAF] =	sst s0;
	s0 =	simm.s32 @!p2 $0x0  }
0x16: {  	s3 =	sld [smem:$0x3FDB];
	s0 =	simm.s32 @p2 $0x1  }
0x17: {  	s4 =	simm.s32 $0x1BF5;
	[smem:$0x3FB1] =	sst s0  }
0x18: {  	s0 =	sld [smem:$0x3F94];
	_ =	swait.ge [sflag:s4], $0x0  }
0x19: {  	s7 =	sld [smem:$0x3F95]  }
0x1a: {  	s8 =	sadd.s32 $0xFFFFE003, lr  }
0x1b: {  	s9 =	sadd.s32 $0xFFFFFEF7, lr;
	s5 =	simm.s32 $0xFFFFFFFF;
	p2 =	slt.u32 s8, $0xFFFFF086  }
0x1c: {  	p1 =	slt.u32 s9, $0xF7A;
	s5 =	simm.s32 @!p2 $0x0  }
0x1d: {  	s5 =	simm.s32 @p1 $0x1;
	p0 =	seq.s32 s7, s2  }
0x1e: {  	s7 =	smul.u32 @!p0 $0xF7A, s2;
	p2 =	seq.s32 @!p0 s5, $0x0  }
0x1f: {  	s9 =	smul.u32 $0xF7A, s1;
	s8 =	simm.s32 @!p0 $0x1BF5;
	p2 =	por !p2, p0  }
0x20: {  	[sflag:s8] =	ssyncset.s32 @!p0 $0xFFFFF086;
	s6 =	sadd.s32 @!p0 s3, s7;
	s7 =	simm.s32 @!p0 $0x108  }
0x21: {  	s3 =	sadd.s32 s3, s9;
	s6 =	sadd.s32 @!p0 $0x88, s6;
	s7 =	simm.s32 @p2 $0x1082  }
0x22: {  	[simem:s7], [sflag:s8] =	dma.local @!p0 [hbm:s6], $0xF7A  }
0x23: {  	s9 =	sor.u32 $0xD0000000, s2;
	s6 =	simm.s32 $0x108;
	_ =	swait.ge @!p0 [sflag:s8], $0x0  }
0x24: {  	s3 =	sadd.s32 $0x88, s3;
	s6 =	simm.s32 @!p1 $0x1082;
	[sflag:s4] =	ssyncset.s32 $0xFFFFF086  }
0x25: {  	[simem:s6], [sflag:s4] =	dma.local [hbm:s3], $0xF7A  }
0x26: {  	[smem:$0x3F95] =	sst s1;
	(tag) =	ssettag s2;
	_ =	strace s9  }
0x27: {  	s1 =	sld [smem:$0x3FA5]  }
0x28: {  	s2 =	sld [smem:$0x3FA6]  }
0x29: {  	s4 =	sld [smem:$0x3FA8]  }
0x2a: {  	p0 =	seq.s32 s5, $0x0;
	s5 =	sld [smem:$0x3FA9]  }
0x2b: {  	s6 =	sld [smem:$0x3FAA]  }
0x2c: {  	s7 =	sld [smem:$0x3FAB]  }
0x2d: {  	s3 =	simm.s32 $0x108;
	s8 =	sld [smem:$0x3FAC]  }
0x2e: {  	s3 =	simm.s32 @!p0 $0x1082;
	s9 =	sld [smem:$0x3FAD]  }
0x2f: {  	lr =	sadd.s32 s0, s3;
	s0 =	sld [smem:$0x3FA4]  }
0x30: {  	s3 =	sld [smem:$0x3FA7]  }
0x31: {  	[smem:$0x3FB0] =	sst s10  }
0x32: {  	s10 =	sld [smem:$0x3FAE];
	_ =	sdelay $0x3  }
0x33: {  	p0 =	seq.s32 s10, $0x1;
	s10 =	sld [smem:$0x3FB0];
	_ =	sdelay $0x3  }
0x34: {  	[smem:$0x3FB0] =	sst s10  }
0x35: {  	s10 =	sld [smem:$0x3FAF];
	_ =	sdelay $0x3  }
0x36: {  	p1 =	seq.s32 s10, $0x1;
	s10 =	sld [smem:$0x3FB0];
	_ =	sdelay $0x3  }
0x37: {  	[smem:$0x3FB0] =	sst s10  }
0x38: {  	s10 =	sld [smem:$0x3FB1]  }
0x39: {  	_ = 	snop;
	(pc) =	sbr.ind lr, $3  }
0x3a: {  	_ = 	snop  }
0x3b: {  	_ = 	snop  }
0x3c: {  	p2 =	seq.s32 s10, $0x1;
	s10 =	sld [smem:$0x3FB0]  }
0x3d: {  	_ =	shalt  }
0x3e: {  	_ =	shalt  }
0x3f: {  	_ =	shalt  }
0x40: {  	_ =	shalt  }
0x41: {  	_ =	shalt  }
0x42: {  	_ =	shalt  }
0x43: {  	_ =	shalt  }
0x44: {  	_ =	shalt  }
0x45: {  	_ =	shalt  }
0x46: {  	_ =	shalt  }
0x47: {  	_ =	shalt  }
0x48: {  	_ =	shalt  }
0x49: {  	_ =	shalt  }
0x4a: {  	_ =	shalt  }
0x4b: {  	_ =	shalt  }
0x4c: {  	_ =	shalt  }
0x4d: {  	_ =	shalt  }
0x4e: {  	_ =	shalt  }
0x4f: {  	_ =	shalt  }
0x50: {  	_ =	shalt  }
0x51: {  	_ =	shalt  }
0x52: {  	_ =	shalt  }
0x53: {  	_ =	shalt  }
0x54: {  	_ =	shalt  }
0x55: {  	_ =	shalt  }
0x56: {  	_ =	shalt  }
0x57: {  	_ =	shalt  }
0x58: {  	_ =	shalt  }
0x59: {  	_ =	shalt  }
0x5a: {  	_ =	shalt  }
0x5b: {  	_ =	shalt  }
0x5c: {  	_ =	shalt  }
0x5d: {  	_ =	shalt  }
0x5e: {  	_ =	shalt  }
0x5f: {  	_ =	shalt  }
0x60: {  	_ =	shalt  }
0x61: {  	_ =	shalt  }
0x62: {  	_ =	shalt  }
0x63: {  	_ =	shalt  }
0x64: {  	_ =	shalt  }
0x65: {  	_ =	shalt  }
0x66: {  	_ =	shalt  }
0x67: {  	_ =	shalt  }
0x68: {  	_ =	shalt  }
0x69: {  	_ =	shalt  }
0x6a: {  	_ =	shalt  }
0x6b: {  	_ =	shalt  }
0x6c: {  	_ =	shalt  }
0x6d: {  	_ =	shalt  }
0x6e: {  	_ =	shalt  }
0x6f: {  	_ =	shalt  }
0x70: {  	_ =	shalt  }
0x71: {  	_ =	shalt  }
0x72: {  	_ =	shalt  }
0x73: {  	_ =	shalt  }
0x74: {  	_ =	shalt  }
0x75: {  	_ =	shalt  }
0x76: {  	_ =	shalt  }
0x77: {  	_ =	shalt  }
0x78: {  	_ =	shalt  }
0x79: {  	_ =	shalt  }
0x7a: {  	_ =	shalt  }
0x7b: {  	_ =	shalt  }
0x7c: {  	_ =	shalt  }
0x7d: {  	_ =	shalt  }
0x7e: {  	_ =	shalt  }
0x7f: {  	_ =	shalt  }
0x80: {  	_ =	shalt  }
0x81: {  	_ =	shalt  }
0x82: {  	_ =	shalt  }
0x83: {  	_ =	shalt  }
0x84: {  	_ =	shalt  }
0x85: {  	_ =	shalt  }
0x86: {  	_ =	shalt  }
0x87: {  	_ =	shalt  }
.Lfunc_end0:
.L_simem_size_0:
called_computation_lowered:
.L_overlay_start_0:
0x88: {  	s2 =	sld [smem:$0x3FD9]  }
0x89: {  	s3 =	sld [smem:$0x3FFE];
	_ =	sdelay $0x1  }
0x8a: {  	s1 =	srdreg.scid  }
0x8b: {  	s0 =	sand.u32 $0x1, s1  }
0x8c: {  	s17 =	sshll.u32 s0, $0xA;
	s2 =	sadd.s32 s3, s2  }
0x8d: {  	s2 =	sadd.s32 s2, s17  }
0x8e: {  	[smem:$0x3FBC] =	sst s2  }
0x8f: {  	_ = 	snop  }
0x90: {  	s18 =	sld [smem:$0x3FC9];
	(tm) =	ssettm $0x1  }
0x91: {  	s19 =	sld [smem:$0x3FFB];
	_ =	sdelay $0x3  }
0x92: {  	_ =	strace s19  }
0x93: {  	s2 =	sld [smem:$0x3FFC];
	_ =	sdelay $0x3  }
0x94: {  	_ =	strace s2  }
0x95: {  	s2 =	sld [smem:$0x3FFD];
	_ =	sdelay $0x3  }
0x96: {  	_ =	strace s2  }
0x97: {  	_ =	strace $0x8FFFFFFF  }
0x98: {  	s20 =	sld [smem:$0x3FDB];
	_ =	sdelay $0x1  }
0x99: {  	s4 =	simm.s32 $_scs_section_size  }
0x9a: {  	s5 =	simm.s32 $_size__tile_overlayer_lowered;
	s6 =	simm.s32 $_tile_overlayer_lowered  }
0x9b: {  	s7 =	simm.s32 $0x1BFF;
	s21 =	sshll.u32 s6, $0x1;
	s4 =	sadd.s32 s4, s20  }
0x9c: {  	s22 =	simm.s32 $0x0;
	s5 =	sshll.u32 s5, $0x1;
	s6 =	sadd.s32 s21, s4  }
0x9d: {  	[timem:s22], [sflag:s7] =	dma.local [hbm:s6], s5  }
0x9e: {  	_ =	swait.ge [sflag:s7], s5  }
0x9f: {  	s5 =	ssub.s32 $0x0, s5;
	[sflag:s7] =	ssyncset.done $0x0  }
0xa0: {  	[sflag:s7] =	ssyncadd.s32 s5;
	_ =	sdelay $0x1  }
0xa1: {  	s23 =	simm.s32 $0x1B8B  }
0xa2: {  	_ =	swait.ge [sflag:s23], $0x1  }
0xa3: {  	[sflag:s23] =	ssyncset.done $0x0  }
0xa4: {  	[sflag:s23] =	ssyncadd.s32 $0xFFFFFFFF  }
0xa5: {  	s5 =	sld [smem:$0x0]  }
0xa6: {  	s6 =	sand.u32 $0xFFFFFFFE, s1  }
0xa7: {  	p0 =	sne.s32 s1, s6  }
0xa8: {  	s6 =	sshll.u32 @p0 s6, $0xE  }
0xa9: {  	s6 =	sadd.s32 @p0 $0x11B8D, s6;
	s7 =	sshll.u32 @p0 s5, $0x11  }
0xaa: {  	s6 =	sor.u32 @p0 s7, s6  }
0xab: {  	[sflag:s6] =	ssyncadd.remote.s32 @p0 $0x1;
	_ =	sdelay $0x1  }
0xac: {  	s6 =	simm.s32 @p0 $0x1B8D  }
0xad: {  	_ =	swait.eq @p0 [sflag:s6], $0x1  }
0xae: {  	[sflag:s6] =	ssyncadd.s32 @p0 $0xFFFFFFFF  }
0xaf: {  	s7 =	sshll.u32 @!p0 s1, $0xE  }
0xb0: {  	s7 =	sor.u32 @!p0 $0x4000, s7;
	s6 =	simm.s32 @!p0 $0x1B8D  }
0xb1: {  	s5 =	sshll.u32 @!p0 s5, $0x11;
	s7 =	sadd.s32 @!p0 $0x11B8D, s7;
	_ =	swait.eq @!p0 [sflag:s6], $0x1  }
0xb2: {  	s5 =	sor.u32 @!p0 s5, s7;
	[sflag:s6] =	ssyncadd.s32 @!p0 $0xFFFFFFFF  }
0xb3: {  	s25 =	simm.s32 $0x1B8E;
	s24 =	sld [smem:$0x3FFE];
	[sflag:s5] =	ssyncadd.remote.s32 @!p0 $0x1  }
0xb4: {  	s26 =	simm.s32 $execute0_lowered;
	[smem:$0x3FD2] =	sst s25  }
0xb5: {  	s6 =	sshll.u32 s26, $0x1;
	_ =	strace $0x80000049;
	[dreg:$0x1] =	wrdreg $0xFFFFFFFF  }
0xb6: {  	s28 =	simm.s32 $_size_execute0_lowered;
	s4 =	sadd.s32 s4, s6;
	[dreg:$0x0] =	wrdreg $0x0  }
0xb7: {  	s6 =	sshll.u32 s28, $0x1;
	[dreg:$0x2] =	wrdreg s4  }
0xb8: {  	[dreg:$0x3] =	wrdreg s6  }
0xb9: {  	[dreg:$0x4] =	wrdreg $0xC0  }
0xba: {  	_ =	task [dreg:s22], $0x5FFFF  }
0xbb: {  	[dreg:$0x1] =	wrdreg $0xFFFFFFFF  }
0xbc: {  	[dreg:$0x0] =	wrdreg $0x60  }
0xbd: {  	[dreg:$0x2] =	wrdreg s18  }
0xbe: {  	[dreg:$0x3] =	wrdreg s24  }
0xbf: {  	[dreg:$0x4] =	wrdreg $0x0  }
0xc0: {  	[dreg:$0x5] =	wrdreg $0x9  }
0xc1: {  	_ =	task.clear_ibuf [dreg:s22], $0x6FFFF;
	_ =	strace $0x90000049  }
0xc2: {  	s29 =	simm.s32 $0x9;
	_ =	strace $0x8000004B  }
0xc3: {  	_ =	swait.ge [sflag:s29], $0x1  }
0xc4: {  	[sflag:s29] =	ssyncadd.s32 $0xFFFFFFFF  }
0xc5: {  	_ =	strace $0x9000004B  }
0xc6: {  	_ =	sfence  }
0xc7: {  	s30 =	sld [smem:$0x0];
	_ =	sdelay $0x2  }
0xc8: {  	s31 =	sshll.u32 s1, $0xD;
	s1 =	sshrl.u32 s1, $0x2  }
0xc9: {  	s4 =	sand.u32 $0x4000, s31;
	s1 =	sadd.s32 s1, s30  }
0xca: {  	s0 =	sor.u32 s4, s0;
	s1 =	sshll.u32 s1, $0x11  }
0xcb: {  	s0 =	sor.u32 s1, s0  }
0xcc: {  	s0 =	sadd.s32 $0x8F2B, s0  }
0xcd: {  	[sflag:s0] =	ssyncadd.remote.s32 $0x1  }
0xce: {  	_ =	sfence.sel $0xFFFF  }
0xcf: {  	[dreg:$0x0] =	wrdreg $0xFFFFFFFF;
	(pc) =	sbr.abs _section_cstart, $3  }
0xd0: {  	[dreg:$0x1] =	wrdreg $0xFFFFFFFF  }
0xd1: {  	_ =	task.clear_ibuf [dreg:s22], $0x2FFFF;
	_ =	strace $0x9FFFFFFF  }
0xd2: {  	(tm) =	ssettm $0x7FFFFFFF  }
0xd3: {  	_ =	shalt  }
tec
execute0_lowered:
.L_overlay_start_1:
0x0: {  	(tag) =	ssettag $0x1  }
0x1: {  	s1 =	rddreg [dreg:$0x0]  }
0x2: {  	s0 =	srdreg.scid;
	s2 =	rddreg [dreg:$0x1]  }
0x3: {  	s11 =	stileid.u32;
	s3 =	rddreg [dreg:$0x2]  }
0x4: {  	s4 =	simm.s32 $0x0;
	s29 =	simm.s32 $0x14000;
	s6 =	smul.u32 $0x14000, s11  }
0x5: {  	s30 =	simm.s32 $0x14080;
	s28 =	simm.s32 $0xE;
	s8 =	smul.u32 $0x50000, s11  }
0x6: {  	s0 =	sand.u32 $0x1, s0;
	[smem:$0x7FF] =	sst s4;
	s24 =	smul.u32 $0x2710, s11  }
0x7: {  	s5 =	smul.u32 $0x140000, s0;
	_ =	strace $0x8000004A;
	s31 =	ssub.s32 $0x2, s0  }
0x8: {  	s9 =	sshll.u32 s0, $0x4;
	s0 =	smul.u32 $0x27100, s0;
	s8 =	sshrl.u32 s8, $0x2  }
0x9: {  	s10 =	sshrl.u32 s31, $0x1;
	s9 =	sor.u32 s11, s9;
	s19 =	sadd.s32 s8, s3  }
0xa: {  	s11 =	simm.s32 $0x9;
	s8 =	sadd.s32 $0x2800, s19;
	[dreg:$0x4] =	wrdreg s19  }
0xb: {  	s5 =	sadd.s32 s6, s5;
	s12 =	sadd.s32 $0x5000, s19;
	[dreg:$0x5] =	wrdreg s8  }
0xc: {  	s6 =	sadd.s32 $0x2000, s2;
	s13 =	sadd.s32 $0x7800, s19;
	[dreg:$0x6] =	wrdreg s12  }
0xd: {  	s0 =	sadd.s32 s24, s0;
	s14 =	sadd.s32 $0xA000, s19;
	[dreg:$0x7] =	wrdreg s13  }
0xe: {  	s24 =	simm.s32 $0xD;
	s15 =	sadd.s32 $0xC800, s19;
	[dreg:$0x8] =	wrdreg s14  }
0xf: {  	s7 =	sshrl.u32 s5, $0x3;
	s16 =	sadd.s32 $0xF000, s19;
	[dreg:$0x9] =	wrdreg s15  }
0x10: {  	s5 =	sadd.s32 $0xBE00, s2;
	s17 =	sadd.s32 $0x11800, s19;
	[dreg:$0xa] =	wrdreg s16  }
0x11: {  	s0 =	sadd.s32 $0x370, s0;
	s2 =	sadd.s32 s7, s2;
	[dreg:$0xb] =	wrdreg s17  }
0x12: {  	s7 =	ssub.s32 s31, s10;
	s10 =	smul.u32 $0x2710, s9;
	[dreg:$0x16] =	wrdreg s0  }
0x13: {  	s17 =	simm.s32 $0x14800;
	s13 =	simm.s32 $0x14100;
	s2 =	sadd.s32 $0x1FC00, s2  }
0x14: {  	s31 =	smax.u32 s7, $0x1;
	s8 =	sshrl.u32 s10, $0x3;
	[dreg:$0x14] =	wrdreg s2  }
0x15: {  	s12 =	simm.s32 $0x50;
	[dreg:$0x15] =	wrdreg s31;
	s18 =	sadd.s32 s5, s8  }
0x16: {  	s20 =	sadd.s32 $0xA, s8;
	s21 =	sadd.s32 s6, s8;
	[dreg:$0xc] =	wrdreg s18  }
0x17: {  	s0 =	simm.s32 $0x8;
	[dreg:$0xd] =	wrdreg s21;
	s22 =	sadd.s32 s5, s20  }
0x18: {  	s23 =	sadd.s32 $0x14, s8;
	s9 =	sadd.s32 s6, s20;
	[dreg:$0xe] =	wrdreg s22  }
0x19: {  	s8 =	sadd.s32 $0x1E, s8;
	s25 =	sadd.s32 s5, s23;
	[dreg:$0xf] =	wrdreg s9  }
0x1a: {  	s16 =	simm.s32 $0x9;
	s26 =	sadd.s32 s5, s8;
	[dreg:$0x10] =	wrdreg s25  }
0x1b: {  	s7 =	simm.s32 $0xC;
	s8 =	sadd.s32 s6, s8;
	[dreg:$0x12] =	wrdreg s26  }
0x1c: {  	s2 =	simm.s32 $0x14500;
	s9 =	sadd.s32 s6, s23;
	[dreg:$0x13] =	wrdreg s8  }
0x1d: {  	v0 =	vimm.f32 $0.0e+00;
	s10 =	simm.s32 $0x0;
	s25 =	simm.s32 $0x5;
	[dreg:$0x11] =	wrdreg s9  }
.LBB2_1:
0x1e: {  	s8 =	sand.u32 $0xFE00, s4  }
0x1f: {  	[dreg:$0x17] =	wrdreg s10;
	s9 =	sand.u32 $0x70, s4;
	s31 =	sshrl.u32 s8, $0x2  }
0x20: {  	s8 =	simm.s32 $0x40;
	s10 =	sor.u32 s9, s31;
	s9 =	simm.s32 $0x0  }
.LBB2_2:
0x21: {  	p0 =	sne.s32 s8, $0x9FC0  }
0x22: {  	[tilespmem:s10+$0x14800] =	vst v0;
	s9 =	sadd.s32 $0x10, s9;
	s10 =	smov.u32 s8;
	s8 =	sadd.s32 $0x40, s8  }
.Ltmp0:
0x23: {  	(pc) =	sbr.rel @p0 .LBB2_2-.Ltmp0, $4  }
0x24: {  	_ = 	snop  }
0x25: {  	s10 =	sand.u32 $0xFE00, s10  }
0x26: {  	s18 =	sand.u32 $0x70, s9;
	s10 =	sshrl.u32 s10, $0x2  }
0x27: {  	s10 =	sor.u32 s18, s10  }
0x28: {  	[tilespmem:s10+$0x14800] =	vst v0  }
0x29: {  	[spmem:s19] =	stream.linear.scatter [tilespmem:s17], [sflag:$0x11], $0x2800, $0x38;
	[tilespmem:$0x1E800] =	vst v63  }
0x2a: {  	s8 =	rddreg [dreg:$0x5]  }
0x2b: {  	[spmem:s8] =	stream.linear.scatter [tilespmem:s17], [sflag:$0x11], $0x2800, $0x38;
	[tilespmem:$0x1E800] =	vst v63  }
0x2c: {  	s14 =	rddreg [dreg:$0x6]  }
0x2d: {  	[spmem:s14] =	stream.linear.scatter [tilespmem:s17], [sflag:$0x11], $0x2800, $0x38;
	[tilespmem:$0x1E800] =	vst v63  }
0x2e: {  	s15 =	rddreg [dreg:$0x7]  }
0x2f: {  	[spmem:s15] =	stream.linear.scatter [tilespmem:s17], [sflag:$0x11], $0x2800, $0x38;
	[tilespmem:$0x1E800] =	vst v63  }
0x30: {  	s18 =	rddreg [dreg:$0x8]  }
0x31: {  	[spmem:s18] =	stream.linear.scatter [tilespmem:s17], [sflag:$0x11], $0x2800, $0x38;
	[tilespmem:$0x1E800] =	vst v63  }
0x32: {  	s19 =	rddreg [dreg:$0x9]  }
0x33: {  	[spmem:s19] =	stream.linear.scatter [tilespmem:s17], [sflag:$0x11], $0x2800, $0x38;
	[tilespmem:$0x1E800] =	vst v63  }
0x34: {  	s20 =	rddreg [dreg:$0xa]  }
0x35: {  	[spmem:s20] =	stream.linear.scatter [tilespmem:s17], [sflag:$0x11], $0x2800, $0x38;
	[tilespmem:$0x1E800] =	vst v63  }
0x36: {  	s21 =	rddreg [dreg:$0xb];
	s22 =	simm.s32 $0x11  }
0x37: {  	[spmem:s21] =	stream.linear.scatter [tilespmem:s17], [sflag:$0x11], $0x2800, $0x38;
	[tilespmem:$0x1E800] =	vst v63  }
0x38: {  	_ =	swait.ge [sflag:s22], $0x2800  }
0x39: {  	[sflag:s22] =	ssyncset.done $0x0  }
0x3a: {  	[sflag:s22] =	ssyncadd.s32 $0xFFFFD800  }
0x3b: {  	_ =	swait.ge [sflag:s22], $0x2800  }
0x3c: {  	[sflag:s22] =	ssyncset.done $0x0  }
0x3d: {  	[sflag:s22] =	ssyncadd.s32 $0xFFFFD800  }
0x3e: {  	_ =	swait.ge [sflag:s22], $0x2800  }
0x3f: {  	[sflag:s22] =	ssyncset.done $0x0  }
0x40: {  	[sflag:s22] =	ssyncadd.s32 $0xFFFFD800  }
0x41: {  	_ =	swait.ge [sflag:s22], $0x2800  }
0x42: {  	[sflag:s22] =	ssyncset.done $0x0  }
0x43: {  	[sflag:s22] =	ssyncadd.s32 $0xFFFFD800  }
0x44: {  	_ =	swait.ge [sflag:s22], $0x2800  }
0x45: {  	[sflag:s22] =	ssyncset.done $0x0  }
0x46: {  	[sflag:s22] =	ssyncadd.s32 $0xFFFFD800  }
0x47: {  	_ =	swait.ge [sflag:s22], $0x2800  }
0x48: {  	[sflag:s22] =	ssyncset.done $0x0  }
0x49: {  	[sflag:s22] =	ssyncadd.s32 $0xFFFFD800  }
0x4a: {  	_ =	swait.ge [sflag:s22], $0x2800  }
0x4b: {  	[sflag:s22] =	ssyncset.done $0x0  }
0x4c: {  	[sflag:s22] =	ssyncadd.s32 $0xFFFFD800  }
0x4d: {  	_ =	swait.ge [sflag:s22], $0x2800  }
0x4e: {  	[sflag:s22] =	ssyncset.done $0x0  }
0x4f: {  	[sflag:s22] =	ssyncadd.s32 $0xFFFFD800  }
0x50: {  	[bflag:$0x0] =	sbarrier.arrive $0xFFFF  }
0x51: {  	s8 =	simm.s32 $0x0;
	s9 =	rddreg [dreg:$0xc]  }
0x52: {  	[tilespmem:s29], [sflag:$0x1] =	stream.linear.gather [hbm4b:s9+s8], $0x50, $0x38;
	[tilespmem:$0x1E800] =	vst v63  }
0x53: {  	s26 =	simm.s32 $0x14400;
	s23 =	rddreg [dreg:$0xd]  }
0x54: {  	[tilespmem:s26], [sflag:$0x1] =	stream.linear.gather [hbm4b:s23+s8], $0x50, $0x38;
	[tilespmem:$0x1E800] =	vst v63  }
0x55: {  	s14 =	rddreg [dreg:$0xe]  }
0x56: {  	[tilespmem:s30], [sflag:$0x2] =	stream.linear.gather [hbm4b:s14+s8], $0x50, $0x38;
	[tilespmem:$0x1E800] =	vst v63  }
0x57: {  	s18 =	simm.s32 $0x14480;
	s15 =	rddreg [dreg:$0xf]  }
0x58: {  	[tilespmem:s18], [sflag:$0x2] =	stream.linear.gather [hbm4b:s15+s8], $0x50, $0x38;
	[tilespmem:$0x1E800] =	vst v63  }
0x59: {  	s17 =	rddreg [dreg:$0x10]  }
0x5a: {  	[tilespmem:s13], [sflag:$0x3] =	stream.linear.gather [hbm4b:s17+s8], $0x50, $0x38;
	[tilespmem:$0x1E800] =	vst v63  }
0x5b: {  	s19 =	rddreg [dreg:$0x11]  }
0x5c: {  	[tilespmem:s2], [sflag:$0x3] =	stream.linear.gather [hbm4b:s19+s8], $0x50, $0x38;
	[tilespmem:$0x1E800] =	vst v63  }
0x5d: {  	s20 =	rddreg [dreg:$0x12];
	s14 =	simm.s32 $0x14180  }
0x5e: {  	[tilespmem:s14], [sflag:$0x4] =	stream.linear.gather [hbm4b:s20+s8], $0x50, $0x38;
	[tilespmem:$0x1E800] =	vst v63  }
0x5f: {  	s21 =	rddreg [dreg:$0x13];
	s23 =	simm.s32 $0x1;
	s17 =	simm.s32 $0x14580  }
0x60: {  	[tilespmem:s17], [sflag:$0x4] =	stream.linear.gather [hbm4b:s21+s8], $0x50, $0x38;
	[tilespmem:$0x1E800] =	vst v63  }
0x61: {  	_ =	swait.ge [sflag:s23], $0x50  }
0x62: {  	[sflag:s23] =	ssyncset.done $0x0  }
0x63: {  	[sflag:s23] =	ssyncadd.s32 $0xFFFFFFB0  }
0x64: {  	_ =	swait.ge [sflag:s23], $0x50  }
0x65: {  	[sflag:s23] =	ssyncset.done $0x0  }
0x66: {  	s22 =	simm.s32 $0x14800;
	[sflag:s23] =	ssyncadd.s32 $0xFFFFFFB0  }
0x67: {  	[tilespmem:s22], [sflag:$0x9] =	stream.indirect.gather [hbm4b:s1+s12], $0x80, s26, s12, $0xb8;
	[tilespmem:$0x1E800] =	vst v63  }
0x68: {  	s26 =	simm.s32 $0x2  }
0x69: {  	_ =	swait.ge [sflag:s26], $0x50  }
0x6a: {  	s31 =	simm.s32 $0x19800;
	[sflag:s26] =	ssyncset.done $0x0  }
.Ltmp1:
0x6b: {  	s9 =	simm.s32 $0x6;
	[sflag:s26] =	ssyncadd.s32 $0xFFFFFFB0;
	(pc) =	sbr.rel .LBB2_4-.Ltmp1, $4  }
0x6c: {  	s15 =	simm.s32 $0x1C000;
	s20 =	simm.s32 $0x14100;
	_ =	swait.ge [sflag:s26], $0x50  }
0x6d: {  	s21 =	simm.s32 $0xB;
	s23 =	simm.s32 $0xA;
	[sflag:s26] =	ssyncset.done $0x0  }
0x6e: {  	s10 =	rddreg [dreg:$0x16];
	[sflag:s26] =	ssyncadd.s32 $0xFFFFFFB0;
	s26 =	simm.s32 $0x17000  }
0x6f: {  	[tilespmem:s26], [sflag:$0xA] =	stream.indirect.gather [hbm4b:s1+s12], $0x80, s18, s12, $0xb8;
	[tilespmem:$0x1E800] =	vst v63  }
.LBB2_5:
0x70: {  	s2 =	simm.s32 $0x6  }
0x71: {  	_ =	swait.ge [sflag:s2], $0x50  }
0x72: {  	[sflag:s2] =	ssyncset.done $0x0  }
0x73: {  	[sflag:s2] =	ssyncadd.s32 $0xFFFFFFB0  }
0x74: {  	_ =	swait.ge [sflag:s2], $0x50  }
0x75: {  	s18 =	sadd.s32 $0xFFFFFEC0, s10;
	[sflag:s2] =	ssyncset.done $0x0  }
0x76: {  	s22 =	simm.s32 $0x14680;
	s18 =	sshrl.u32 s18, $0x3;
	[sflag:s2] =	ssyncadd.s32 $0xFFFFFFB0  }
0x77: {  	[tilespmem:s26], [sflag:$0xA] =	stream.indirect.gather [hbm4b:s1+s12], $0x80, s22, s12, $0xb8;
	[tilespmem:$0x1E800] =	vst v63  }
0x78: {  	s15 =	simm.s32 $0x14380;
	s19 =	sadd.s32 s5, s18  }
0x79: {  	[tilespmem:s15], [sflag:$0x8] =	stream.linear.gather [hbm4b:s19+s4], $0x50, $0x38;
	[tilespmem:$0x1E800] =	vst v63  }
0x7a: {  	s18 =	sadd.s32 s6, s18;
	s26 =	simm.s32 $0x14780  }
0x7b: {  	[tilespmem:s26], [sflag:$0x8] =	stream.linear.gather [hbm4b:s18+s4], $0x50, $0x38;
	[tilespmem:$0x1E800] =	vst v63  }
0x7c: {  	_ =	swait.ge [sflag:s16], $0x2800  }
0x7d: {  	[sflag:s16] =	ssyncset.done $0x0  }
0x7e: {  	s23 =	simm.s32 $0xF;
	[sflag:s16] =	ssyncadd.s32 $0xFFFFD800  }
0x7f: {  	[spmem:s3] =	stream.indirect.scatter.add.f32 [tilespmem:s17], [sflag:$0xD], $0x80, s11, s12, $0xb8;
	[tilespmem:$0x1E800] =	vst v63  }
0x80: {  	_ =	swait.ge [sflag:s23], $0x2800  }
0x81: {  	[sflag:s23] =	ssyncset.done $0x0  }
0x82: {  	s29 =	simm.s32 $0x7;
	[sflag:s23] =	ssyncadd.s32 $0xFFFFD800  }
0x83: {  	_ =	swait.ge [sflag:s29], $0x50  }
0x84: {  	[sflag:s29] =	ssyncset.done $0x0  }
0x85: {  	[sflag:s29] =	ssyncadd.s32 $0xFFFFFFB0  }
0x86: {  	_ =	swait.ge [sflag:s29], $0x50  }
0x87: {  	s30 =	simm.s32 $0x14700;
	[sflag:s29] =	ssyncset.done $0x0  }
0x88: {  	s14 =	simm.s32 $0x17000;
	s22 =	simm.s32 $0x19800;
	[sflag:s29] =	ssyncadd.s32 $0xFFFFFFB0  }
0x89: {  	[tilespmem:s31], [sflag:$0xB] =	stream.indirect.gather [hbm4b:s1+s12], $0x80, s30, s12, $0xb8;
	[tilespmem:$0x1E800] =	vst v63  }
.LBB2_7:
0x8a: {  	s18 =	sadd.s32 $0xFFFFFF10, s10  }
0x8b: {  	s18 =	sshrl.u32 s18, $0x3  }
0x8c: {  	s29 =	simm.s32 $0x14000;
	s19 =	sadd.s32 s5, s18  }
0x8d: {  	[tilespmem:s29], [sflag:$0x1] =	stream.linear.gather [hbm4b:s19+s4], $0x50, $0x38;
	[tilespmem:$0x1E800] =	vst v63  }
0x8e: {  	s30 =	simm.s32 $0x14400;
	s23 =	simm.s32 $0xA;
	s18 =	sadd.s32 s6, s18  }
0x8f: {  	[tilespmem:s30], [sflag:$0x1] =	stream.linear.gather [hbm4b:s18+s4], $0x50, $0x38;
	[tilespmem:$0x1E800] =	vst v63  }
0x90: {  	_ =	swait.ge [sflag:s23], $0x2800  }
0x91: {  	[sflag:s23] =	ssyncset.done $0x0  }
0x92: {  	s2 =	simm.s32 $0x14280;
	s20 =	simm.s32 $0x10;
	[sflag:s23] =	ssyncadd.s32 $0xFFFFD800  }
0x93: {  	[spmem:s3] =	stream.indirect.scatter.add.f32 [tilespmem:s14], [sflag:$0xE], $0x80, s2, s12, $0xb8;
	[tilespmem:$0x1E800] =	vst v63  }
0x94: {  	_ =	swait.ge [sflag:s20], $0x2800  }
0x95: {  	[sflag:s20] =	ssyncset.done $0x0  }
0x96: {  	[sflag:s20] =	ssyncadd.s32 $0xFFFFD800  }
0x97: {  	_ =	swait.ge [sflag:s0], $0x50  }
0x98: {  	[sflag:s0] =	ssyncset.done $0x0  }
0x99: {  	[sflag:s0] =	ssyncadd.s32 $0xFFFFFFB0  }
0x9a: {  	_ =	swait.ge [sflag:s0], $0x50  }
0x9b: {  	s2 =	sadd.s32 $0xFFFFFF60, s10;
	[sflag:s0] =	ssyncset.done $0x0  }
0x9c: {  	s18 =	sshrl.u32 s2, $0x3;
	[sflag:s0] =	ssyncadd.s32 $0xFFFFFFB0  }
0x9d: {  	[tilespmem:s13], [sflag:$0xC] =	stream.indirect.gather [hbm4b:s1+s12], $0x80, s26, s12, $0xb8;
	[tilespmem:$0x1E800] =	vst v63  }
0x9e: {  	s31 =	simm.s32 $0x14080;
	s11 =	sadd.s32 s5, s18  }
0x9f: {  	[tilespmem:s31], [sflag:$0x2] =	stream.linear.gather [hbm4b:s11+s4], $0x50, $0x38;
	[tilespmem:$0x1E800] =	vst v63  }
0xa0: {  	s21 =	simm.s32 $0xB;
	s18 =	sadd.s32 s6, s18;
	s31 =	simm.s32 $0x14480  }
0xa1: {  	[tilespmem:s31], [sflag:$0x2] =	stream.linear.gather [hbm4b:s18+s4], $0x50, $0x38;
	[tilespmem:$0x1E800] =	vst v63  }
0xa2: {  	_ =	swait.ge [sflag:s21], $0x2800  }
0xa3: {  	[sflag:s21] =	ssyncset.done $0x0  }
0xa4: {  	s11 =	simm.s32 $0x14300;
	[sflag:s21] =	ssyncadd.s32 $0xFFFFD800  }
0xa5: {  	[spmem:s3] =	stream.indirect.scatter.add.f32 [tilespmem:s22], [sflag:$0xF], $0x80, s11, s12, $0xb8;
	[tilespmem:$0x1E800] =	vst v63  }
0xa6: {  	_ =	swait.ge [sflag:s24], $0x2800  }
0xa7: {  	[sflag:s24] =	ssyncset.done $0x0  }
0xa8: {  	s22 =	simm.s32 $0x1;
	[sflag:s24] =	ssyncadd.s32 $0xFFFFD800  }
0xa9: {  	_ =	swait.ge [sflag:s22], $0x50  }
0xaa: {  	[sflag:s22] =	ssyncset.done $0x0  }
0xab: {  	[sflag:s22] =	ssyncadd.s32 $0xFFFFFFB0  }
0xac: {  	_ =	swait.ge [sflag:s22], $0x50  }
0xad: {  	s26 =	sadd.s32 $0xFFFFFFB0, s10;
	[sflag:s22] =	ssyncset.done $0x0  }
0xae: {  	s18 =	sshrl.u32 s26, $0x3;
	[sflag:s22] =	ssyncadd.s32 $0xFFFFFFB0  }
0xaf: {  	[tilespmem:s17], [sflag:$0x9] =	stream.indirect.gather [hbm4b:s1+s12], $0x80, s30, s12, $0xb8;
	[tilespmem:$0x1E800] =	vst v63  }
0xb0: {  	s20 =	simm.s32 $0x14100;
	s11 =	sadd.s32 s5, s18  }
0xb1: {  	[tilespmem:s20], [sflag:$0x3] =	stream.linear.gather [hbm4b:s11+s4], $0x50, $0x38;
	[tilespmem:$0x1E800] =	vst v63  }
0xb2: {  	s2 =	simm.s32 $0x14500;
	s18 =	sadd.s32 s6, s18  }
0xb3: {  	[tilespmem:s2], [sflag:$0x3] =	stream.linear.gather [hbm4b:s18+s4], $0x50, $0x38;
	[tilespmem:$0x1E800] =	vst v63  }
0xb4: {  	_ =	swait.ge [sflag:s7], $0x2800  }
0xb5: {  	[sflag:s7] =	ssyncset.done $0x0  }
0xb6: {  	[sflag:s7] =	ssyncadd.s32 $0xFFFFD800  }
0xb7: {  	[spmem:s3] =	stream.indirect.scatter.add.f32 [tilespmem:s13], [sflag:$0x10], $0x80, s15, s12, $0xb8;
	[tilespmem:$0x1E800] =	vst v63  }
0xb8: {  	_ =	swait.ge [sflag:s28], $0x2800  }
0xb9: {  	[sflag:s28] =	ssyncset.done $0x0  }
0xba: {  	s15 =	simm.s32 $0x2;
	[sflag:s28] =	ssyncadd.s32 $0xFFFFD800  }
0xbb: {  	_ =	swait.ge [sflag:s15], $0x50  }
0xbc: {  	s8 =	sadd.s32 $0x1, s8;
	[sflag:s15] =	ssyncset.done $0x0  }
0xbd: {  	s9 =	sadd.s32 $0x8, s9;
	s26 =	simm.s32 $0x17000;
	[sflag:s15] =	ssyncadd.s32 $0xFFFFFFB0  }
0xbe: {  	s30 =	simm.s32 $0x14080;
	s17 =	sshrl.u32 s10, $0x3;
	_ =	swait.ge [sflag:s15], $0x50  }
0xbf: {  	s10 =	sadd.s32 $0x280, s10;
	s22 =	sadd.s32 s5, s17;
	[sflag:s15] =	ssyncset.done $0x0  }
0xc0: {  	s20 =	simm.s32 $0x14100;
	s11 =	simm.s32 $0x9;
	[sflag:s15] =	ssyncadd.s32 $0xFFFFFFB0  }
0xc1: {  	[tilespmem:s14], [sflag:$0xA] =	stream.indirect.gather [hbm4b:s1+s12], $0x80, s31, s12, $0xb8;
	[tilespmem:$0x1E800] =	vst v63  }
0xc2: {  	s18 =	sadd.s32 s6, s17;
	s17 =	simm.s32 $0x14580;
	s14 =	simm.s32 $0x14180  }
0xc3: {  	[tilespmem:s14], [sflag:$0x4] =	stream.linear.gather [hbm4b:s22+s4], $0x50, $0x38;
	[tilespmem:$0x1E800] =	vst v63  }
0xc4: {  	s15 =	simm.s32 $0x1C000;
	s31 =	simm.s32 $0x19800;
	s22 =	simm.s32 $0x14800  }
0xc5: {  	[tilespmem:s17], [sflag:$0x4] =	stream.linear.gather [hbm4b:s18+s4], $0x50, $0x38;
	[tilespmem:$0x1E800] =	vst v63  }
.LBB2_4:
0xc6: {  	_ =	swait.ge [sflag:s11], $0x2800  }
0xc7: {  	p0 =	seq.s32 s8, $0x0;
	[sflag:s11] =	ssyncset.done $0x0  }
0xc8: {  	s18 =	simm.s32 @!p0 $0xF;
	[sflag:s11] =	ssyncadd.s32 $0xFFFFD800  }
0xc9: {  	[spmem:s3] =	stream.indirect.scatter.add.f32 [tilespmem:s22], [sflag:$0xD], $0x80, s29, s12, $0xb8;
	[tilespmem:$0x1E800] =	vst v63  }
0xca: {  	_ =	swait.ge @!p0 [sflag:s18], $0x2800  }
0xcb: {  	[sflag:s18] =	ssyncset.done @!p0 $0x0  }
0xcc: {  	[sflag:s18] =	ssyncadd.s32 @!p0 $0xFFFFD800;
	s18 =	simm.s32 $0x3  }
0xcd: {  	_ =	swait.ge [sflag:s18], $0x50  }
0xce: {  	[sflag:s18] =	ssyncset.done $0x0  }
0xcf: {  	[sflag:s18] =	ssyncadd.s32 $0xFFFFFFB0  }
0xd0: {  	_ =	swait.ge [sflag:s18], $0x50  }
0xd1: {  	s19 =	sadd.s32 $0xFFFFFDD0, s10;
	[sflag:s18] =	ssyncset.done $0x0  }
0xd2: {  	[sflag:s18] =	ssyncadd.s32 $0xFFFFFFB0;
	s18 =	sshrl.u32 s19, $0x3  }
0xd3: {  	[tilespmem:s31], [sflag:$0xB] =	stream.indirect.gather [hbm4b:s1+s12], $0x80, s2, s12, $0xb8;
	[tilespmem:$0x1E800] =	vst v63  }
0xd4: {  	s11 =	simm.s32 $0x14200;
	s19 =	sadd.s32 s5, s18  }
0xd5: {  	[tilespmem:s11], [sflag:$0x5] =	stream.linear.gather [hbm4b:s19+s4], $0x50, $0x38;
	[tilespmem:$0x1E800] =	vst v63  }
0xd6: {  	s13 =	simm.s32 $0x14600;
	s18 =	sadd.s32 s6, s18  }
0xd7: {  	[tilespmem:s13], [sflag:$0x5] =	stream.linear.gather [hbm4b:s18+s4], $0x50, $0x38;
	[tilespmem:$0x1E800] =	vst v63  }
0xd8: {  	_ =	swait.ge [sflag:s23], $0x2800  }
0xd9: {  	[sflag:s23] =	ssyncset.done $0x0  }
0xda: {  	s18 =	simm.s32 @!p0 $0x10;
	[sflag:s23] =	ssyncadd.s32 $0xFFFFD800  }
0xdb: {  	[spmem:s3] =	stream.indirect.scatter.add.f32 [tilespmem:s26], [sflag:$0xE], $0x80, s30, s12, $0xb8;
	[tilespmem:$0x1E800] =	vst v63  }
0xdc: {  	_ =	swait.ge @!p0 [sflag:s18], $0x2800  }
0xdd: {  	[sflag:s18] =	ssyncset.done @!p0 $0x0  }
0xde: {  	s29 =	simm.s32 $0x4;
	[sflag:s18] =	ssyncadd.s32 @!p0 $0xFFFFD800  }
0xdf: {  	_ =	swait.ge [sflag:s29], $0x50  }
0xe0: {  	[sflag:s29] =	ssyncset.done $0x0  }
0xe1: {  	s30 =	sadd.s32 $0xFFFFFFFF, s9;
	[sflag:s29] =	ssyncadd.s32 $0xFFFFFFB0  }
0xe2: {  	p0 =	sgt.u32 s30, $0x7C;
	_ =	swait.ge [sflag:s29], $0x50  }
0xe3: {  	s18 =	sadd.s32 @!p0 $0xFFFFFE20, s10;
	[sflag:s29] =	ssyncset.done $0x0  }
0xe4: {  	s18 =	sshrl.u32 @!p0 s18, $0x3;
	[sflag:s29] =	ssyncadd.s32 $0xFFFFFFB0  }
0xe5: {  	[tilespmem:s15], [sflag:$0xC] =	stream.indirect.gather [hbm4b:s1+s12], $0x80, s17, s12, $0xb8;
	[tilespmem:$0x1E800] =	vst v63  }
0xe6: {  	s30 =	simm.s32 @!p0 $0x14280;
	s19 =	sadd.s32 @!p0 s5, s18;
	s29 =	simm.s32 @!p0 $0x0  }
0xe7: {  	[tilespmem:s30], [sflag:$0x6] =	stream.linear.gather @!p0 [hbm4b:s19+s29], $0x50, $0x38;
	[tilespmem:$0x1E800] =	vst v63  }
0xe8: {  	s18 =	sadd.s32 @!p0 s6, s18;
	s19 =	simm.s32 @!p0 $0x14680  }
0xe9: {  	[tilespmem:s19], [sflag:$0x6] =	stream.linear.gather @!p0 [hbm4b:s18+s29], $0x50, $0x38;
	[tilespmem:$0x1E800] =	vst v63  }
0xea: {  	_ =	swait.ge [sflag:s21], $0x2800  }
0xeb: {  	[sflag:s21] =	ssyncset.done $0x0  }
0xec: {  	[sflag:s21] =	ssyncadd.s32 $0xFFFFD800  }
0xed: {  	[spmem:s3] =	stream.indirect.scatter.add.f32 [tilespmem:s31], [sflag:$0xF], $0x80, s20, s12, $0xb8;
	[tilespmem:$0x1E800] =	vst v63  }
0xee: {  	_ =	swait.ge [sflag:s24], $0x2800  }
0xef: {  	[sflag:s24] =	ssyncset.done $0x0  }
0xf0: {  	[sflag:s24] =	ssyncadd.s32 $0xFFFFD800  }
0xf1: {  	_ =	swait.ge [sflag:s25], $0x50  }
0xf2: {  	[sflag:s25] =	ssyncset.done $0x0  }
0xf3: {  	[sflag:s25] =	ssyncadd.s32 $0xFFFFFFB0  }
0xf4: {  	p0 =	sgt.u32 s9, $0x7C;
	_ =	swait.ge [sflag:s25], $0x50  }
0xf5: {  	s18 =	sadd.s32 @!p0 $0xFFFFFE70, s10;
	[sflag:s25] =	ssyncset.done $0x0  }
0xf6: {  	s18 =	sshrl.u32 @!p0 s18, $0x3;
	[sflag:s25] =	ssyncadd.s32 $0xFFFFFFB0  }
0xf7: {  	[tilespmem:s22], [sflag:$0x9] =	stream.indirect.gather [hbm4b:s1+s12], $0x80, s13, s12, $0xb8;
	[tilespmem:$0x1E800] =	vst v63  }
0xf8: {  	s29 =	simm.s32 @!p0 $0x0;
	s30 =	simm.s32 @!p0 $0x14300;
	s19 =	sadd.s32 @!p0 s5, s18  }
0xf9: {  	[tilespmem:s30], [sflag:$0x7] =	stream.linear.gather @!p0 [hbm4b:s19+s29], $0x50, $0x38;
	[tilespmem:$0x1E800] =	vst v63  }
0xfa: {  	s18 =	sadd.s32 @!p0 s6, s18;
	s19 =	simm.s32 @!p0 $0x14700  }
0xfb: {  	[tilespmem:s19], [sflag:$0x7] =	stream.linear.gather @!p0 [hbm4b:s18+s29], $0x50, $0x38;
	[tilespmem:$0x1E800] =	vst v63  }
0xfc: {  	_ =	swait.ge [sflag:s7], $0x2800  }
0xfd: {  	p0 =	sgt.u32 s8, $0xE;
	[sflag:s7] =	ssyncset.done $0x0  }
.Ltmp2:
0xfe: {  	[sflag:s7] =	ssyncadd.s32 $0xFFFFD800;
	(pc) =	sbr.rel @!p0 .LBB2_5-.Ltmp2, $4  }
0xff: {  	[spmem:s3] =	stream.indirect.scatter.add.f32 [tilespmem:s15], [sflag:$0x10], $0x80, s14, s12, $0xb8;
	[tilespmem:$0x1E800] =	vst v63  }
0x100: {  	_ =	swait.ge [sflag:s28], $0x2800  }
0x101: {  	[sflag:s28] =	ssyncset.done $0x0  }
0x102: {  	s17 =	simm.s32 $0x14800;
	s13 =	simm.s32 $0x1C000;
	[sflag:s28] =	ssyncadd.s32 $0xFFFFD800  }
0x103: {  	_ =	swait.ge [sflag:s16], $0x2800  }
0x104: {  	p0 =	seq.s32 s8, $0xF;
	[sflag:s16] =	ssyncset.done $0x0  }
.Ltmp3:
0x105: {  	s31 =	simm.s32 $0xF;
	[sflag:s16] =	ssyncadd.s32 $0xFFFFD800;
	(pc) =	sbr.rel @!p0 .LBB2_7-.Ltmp3, $4  }
0x106: {  	[spmem:s3] =	stream.indirect.scatter.add.f32 [tilespmem:s17], [sflag:$0xD], $0x80, s11, s12, $0xb8;
	[tilespmem:$0x1E800] =	vst v63  }
0x107: {  	_ =	swait.ge [sflag:s31], $0x2800  }
0x108: {  	s14 =	simm.s32 $0x17000;
	s22 =	simm.s32 $0x19800;
	[sflag:s31] =	ssyncset.done $0x0  }
0x109: {  	s15 =	simm.s32 $0x14380;
	s26 =	simm.s32 $0x14780;
	[sflag:s31] =	ssyncadd.s32 $0xFFFFD800  }
0x10a: {  	s8 =	simm.s32 $0x10  }
0x10b: {  	_ =	swait.ge [sflag:s8], $0x2800  }
0x10c: {  	[sflag:s8] =	ssyncset.done $0x0  }
0x10d: {  	[sflag:s8] =	ssyncadd.s32 $0xFFFFD800  }
0x10e: {  	_ =	swait.ge [sflag:s24], $0x2800  }
0x10f: {  	[sflag:s24] =	ssyncset.done $0x0  }
0x110: {  	[sflag:s24] =	ssyncadd.s32 $0xFFFFD800  }
0x111: {  	s22 =	stileid.u32;
	[bflag:$0x0] =	sbarrier.arrive $0xFFFF  }
0x112: {  	s23 =	simm.s32 $0x11;
	s8 =	sshll.u32 s22, $0x6;
	s19 =	rddreg [dreg:$0x4]  }
0x113: {  	s8 =	sor.u32 $0x1C11, s8;
	s10 =	rddreg [dreg:$0x14];
	s9 =	sshrl.u32 s19, $0x3  }
0x114: {  	[hbm:s10], [sflag:s8] =	dma.local [spmem:s9], $0x2800  }
0x115: {  	_ =	swait.ge [sflag:s23], $0x2800  }
0x116: {  	s26 =	rddreg [dreg:$0x17]  }
0x117: {  	s31 =	rddreg [dreg:$0x15];
	s10 =	sadd.s32 $0x1, s26  }
0x118: {  	p0 =	sne.s32 s10, s31  }
.Ltmp4:
0x119: {  	_ = 	snop;
	(pc) =	sbr.rel @p0 .LBB2_1-.Ltmp4, $3  }
0x11a: {  	_ =	sdelay $0x1  }
0x11b: {  	s29 =	simm.s32 $0x14000;
	s30 =	simm.s32 $0x14080;
	[sflag:s23] =	ssyncset.done $0x0  }
0x11c: {  	s11 =	simm.s32 $0x9;
	s13 =	simm.s32 $0x14100;
	[sflag:s23] =	ssyncadd.s32 $0xFFFFD800  }
0x11d: {  	_ =	sfence.sel $0x180000  }
0x11e: {  	[bflag:$0x0] =	sbarrier.arrive $0xFFFF  }
0x11f: {  	_ =	strace $0x9000004A  }
0x120: {  	s0 =	stileid.u32;
	[bflag:$0x2] =	sbarrier.arrive $0xFFFF  }
0x121: {  	p0 =	sne.s32 s0, $0x0;
	s0 =	rddreg [dreg:$0x3]  }
0x122: {  	s0 =	sadd.s32 @!p0 $0x100000, s0  }
0x123: {  	[sflag:s0] =	ssyncadd.tile.s32 @!p0 $0x1;
	_ =	shalt  }
.Lfunc_end2:
_tile_overlayer_lowered:
.L_overlay_start_2:
0x124: {  	(tag) =	ssettag $0x2  }
0x125: {  	s0 =	rddreg [dreg:$0x0];
	s2 =	stileid.u32  }
0x126: {  	s1 =	rddreg [dreg:$0x1];
	p0 =	sne.s32 s2, $0x0  }
0x127: {  	s3 =	rddreg [dreg:$0x2];
	[bflag:$0x3] =	sbarrier.arrive $0xFFFF;
	s2 =	simm.s32 @!p0 $0x1C12  }
0x128: {  	[timem:s3], [sflag:s2] =	dma.local @!p0 [hbm:s0], s1  }
0x129: {  	s0 =	simm.s32 @!p0 $0x12  }
0x12a: {  	_ =	swait.ge @!p0 [sflag:s0], s1  }
0x12b: {  	s1 =	ssub.s32 @!p0 $0x0, s1;
	[sflag:s0] =	ssyncset.done @!p0 $0x0  }
0x12c: {  	[sflag:s0] =	ssyncadd.s32 @!p0 s1  }
0x12d: {  	[bflag:$0x3] =	sbarrier.arrive $0xFFFF  }
0x12e: {  	_ =	shalt  }

// kernel: kernel.8.cloned.1.call-start
scs
__scs_entry_jumppad:
0x0: {  	(pc) =	sbr.rel $0x88, $3  }
0x1: {  	(tag) =	ssettag $0x0;
	lr =	simm.s32 $0x1  }
0x2: {  	[smem:$0x3F95] =	sst lr;
	_ =	strace $0xD0000000  }
0x3: {  	_ = 	snop  }
0x4: {  	_ = 	snop  }
0x5: {  	_ = 	snop  }
0x6: {  	_ = 	snop  }
0x7: {  	_ = 	snop  }
__scs_overlays_trampoline_lowered:
0x8: {  	[smem:$0x3FA4] =	sst s0  }
0x9: {  	[smem:$0x3FA5] =	sst s1  }
0xa: {  	[smem:$0x3FA6] =	sst s2  }
0xb: {  	[smem:$0x3FA7] =	sst s3  }
0xc: {  	[smem:$0x3FA8] =	sst s4  }
0xd: {  	[smem:$0x3FA9] =	sst s5  }
0xe: {  	[smem:$0x3FAA] =	sst s6  }
0xf: {  	[smem:$0x3FAB] =	sst s7  }
0x10: {  	[smem:$0x3FAC] =	sst s8  }
0x11: {  	[smem:$0x3FAD] =	sst s9;
	s0 =	simm.s32 @!p0 $0x0  }
0x12: {  	s1 =	sld [smem:$0x3F93];
	s0 =	simm.s32 @p0 $0x1  }
0x13: {  	[smem:$0x3FAE] =	sst s0;
	s0 =	simm.s32 @!p1 $0x0  }
0x14: {  	s2 =	sld [smem:$0x3F92];
	s0 =	simm.s32 @p1 $0x1  }
0x15: {  	[smem:$0x3FAF] =	sst s0;
	s0 =	simm.s32 @!p2 $0x0  }
0x16: {  	s3 =	sld [smem:$0x3FDB];
	s0 =	simm.s32 @p2 $0x1  }
0x17: {  	s4 =	simm.s32 $0x1BF5;
	[smem:$0x3FB1] =	sst s0  }
0x18: {  	s0 =	sld [smem:$0x3F94];
	_ =	swait.ge [sflag:s4], $0x0  }
0x19: {  	s7 =	sld [smem:$0x3F95]  }
0x1a: {  	s8 =	sadd.s32 $0xFFFFE003, lr  }
0x1b: {  	s9 =	sadd.s32 $0xFFFFFEF7, lr;
	s5 =	simm.s32 $0xFFFFFFFF;
	p2 =	slt.u32 s8, $0xFFFFF086  }
0x1c: {  	p1 =	slt.u32 s9, $0xF7A;
	s5 =	simm.s32 @!p2 $0x0  }
0x1d: {  	s5 =	simm.s32 @p1 $0x1;
	p0 =	seq.s32 s7, s2  }
0x1e: {  	s7 =	smul.u32 @!p0 $0xF7A, s2;
	p2 =	seq.s32 @!p0 s5, $0x0  }
0x1f: {  	s9 =	smul.u32 $0xF7A, s1;
	s8 =	simm.s32 @!p0 $0x1BF5;
	p2 =	por !p2, p0  }
0x20: {  	[sflag:s8] =	ssyncset.s32 @!p0 $0xFFFFF086;
	s6 =	sadd.s32 @!p0 s3, s7;
	s7 =	simm.s32 @!p0 $0x108  }
0x21: {  	s3 =	sadd.s32 s3, s9;
	s6 =	sadd.s32 @!p0 $0x88, s6;
	s7 =	simm.s32 @p2 $0x1082  }
0x22: {  	[simem:s7], [sflag:s8] =	dma.local @!p0 [hbm:s6], $0xF7A  }
0x23: {  	s9 =	sor.u32 $0xD0000000, s2;
	s6 =	simm.s32 $0x108;
	_ =	swait.ge @!p0 [sflag:s8], $0x0  }
0x24: {  	s3 =	sadd.s32 $0x88, s3;
	s6 =	simm.s32 @!p1 $0x1082;
	[sflag:s4] =	ssyncset.s32 $0xFFFFF086  }
0x25: {  	[simem:s6], [sflag:s4] =	dma.local [hbm:s3], $0xF7A  }
0x26: {  	[smem:$0x3F95] =	sst s1;
	(tag) =	ssettag s2;
	_ =	strace s9  }
0x27: {  	s1 =	sld [smem:$0x3FA5]  }
0x28: {  	s2 =	sld [smem:$0x3FA6]  }
0x29: {  	s4 =	sld [smem:$0x3FA8]  }
0x2a: {  	p0 =	seq.s32 s5, $0x0;
	s5 =	sld [smem:$0x3FA9]  }
0x2b: {  	s6 =	sld [smem:$0x3FAA]  }
0x2c: {  	s7 =	sld [smem:$0x3FAB]  }
0x2d: {  	s3 =	simm.s32 $0x108;
	s8 =	sld [smem:$0x3FAC]  }
0x2e: {  	s3 =	simm.s32 @!p0 $0x1082;
	s9 =	sld [smem:$0x3FAD]  }
0x2f: {  	lr =	sadd.s32 s0, s3;
	s0 =	sld [smem:$0x3FA4]  }
0x30: {  	s3 =	sld [smem:$0x3FA7]  }
0x31: {  	[smem:$0x3FB0] =	sst s10  }
0x32: {  	s10 =	sld [smem:$0x3FAE];
	_ =	sdelay $0x3  }
0x33: {  	p0 =	seq.s32 s10, $0x1;
	s10 =	sld [smem:$0x3FB0];
	_ =	sdelay $0x3  }
0x34: {  	[smem:$0x3FB0] =	sst s10  }
0x35: {  	s10 =	sld [smem:$0x3FAF];
	_ =	sdelay $0x3  }
0x36: {  	p1 =	seq.s32 s10, $0x1;
	s10 =	sld [smem:$0x3FB0];
	_ =	sdelay $0x3  }
0x37: {  	[smem:$0x3FB0] =	sst s10  }
0x38: {  	s10 =	sld [smem:$0x3FB1]  }
0x39: {  	_ = 	snop;
	(pc) =	sbr.ind lr, $3  }
0x3a: {  	_ = 	snop  }
0x3b: {  	_ = 	snop  }
0x3c: {  	p2 =	seq.s32 s10, $0x1;
	s10 =	sld [smem:$0x3FB0]  }
0x3d: {  	_ =	shalt  }
0x3e: {  	_ =	shalt  }
0x3f: {  	_ =	shalt  }
0x40: {  	_ =	shalt  }
0x41: {  	_ =	shalt  }
0x42: {  	_ =	shalt  }
0x43: {  	_ =	shalt  }
0x44: {  	_ =	shalt  }
0x45: {  	_ =	shalt  }
0x46: {  	_ =	shalt  }
0x47: {  	_ =	shalt  }
0x48: {  	_ =	shalt  }
0x49: {  	_ =	shalt  }
0x4a: {  	_ =	shalt  }
0x4b: {  	_ =	shalt  }
0x4c: {  	_ =	shalt  }
0x4d: {  	_ =	shalt  }
0x4e: {  	_ =	shalt  }
0x4f: {  	_ =	shalt  }
0x50: {  	_ =	shalt  }
0x51: {  	_ =	shalt  }
0x52: {  	_ =	shalt  }
0x53: {  	_ =	shalt  }
0x54: {  	_ =	shalt  }
0x55: {  	_ =	shalt  }
0x56: {  	_ =	shalt  }
0x57: {  	_ =	shalt  }
0x58: {  	_ =	shalt  }
0x59: {  	_ =	shalt  }
0x5a: {  	_ =	shalt  }
0x5b: {  	_ =	shalt  }
0x5c: {  	_ =	shalt  }
0x5d: {  	_ =	shalt  }
0x5e: {  	_ =	shalt  }
0x5f: {  	_ =	shalt  }
0x60: {  	_ =	shalt  }
0x61: {  	_ =	shalt  }
0x62: {  	_ =	shalt  }
0x63: {  	_ =	shalt  }
0x64: {  	_ =	shalt  }
0x65: {  	_ =	shalt  }
0x66: {  	_ =	shalt  }
0x67: {  	_ =	shalt  }
0x68: {  	_ =	shalt  }
0x69: {  	_ =	shalt  }
0x6a: {  	_ =	shalt  }
0x6b: {  	_ =	shalt  }
0x6c: {  	_ =	shalt  }
0x6d: {  	_ =	shalt  }
0x6e: {  	_ =	shalt  }
0x6f: {  	_ =	shalt  }
0x70: {  	_ =	shalt  }
0x71: {  	_ =	shalt  }
0x72: {  	_ =	shalt  }
0x73: {  	_ =	shalt  }
0x74: {  	_ =	shalt  }
0x75: {  	_ =	shalt  }
0x76: {  	_ =	shalt  }
0x77: {  	_ =	shalt  }
0x78: {  	_ =	shalt  }
0x79: {  	_ =	shalt  }
0x7a: {  	_ =	shalt  }
0x7b: {  	_ =	shalt  }
0x7c: {  	_ =	shalt  }
0x7d: {  	_ =	shalt  }
0x7e: {  	_ =	shalt  }
0x7f: {  	_ =	shalt  }
0x80: {  	_ =	shalt  }
0x81: {  	_ =	shalt  }
0x82: {  	_ =	shalt  }
0x83: {  	_ =	shalt  }
0x84: {  	_ =	shalt  }
0x85: {  	_ =	shalt  }
0x86: {  	_ =	shalt  }
0x87: {  	_ =	shalt  }
.Lfunc_end0:
.L_simem_size_0:
called_computation.1_lowered:
.L_overlay_start_0:
0x88: {  	s2 =	sld [smem:$0x3FD9]  }
0x89: {  	s3 =	sld [smem:$0x3FFE];
	_ =	sdelay $0x1  }
0x8a: {  	s1 =	srdreg.scid  }
0x8b: {  	s0 =	sand.u32 $0x1, s1  }
0x8c: {  	s17 =	sshll.u32 s0, $0xA;
	s2 =	sadd.s32 s3, s2  }
0x8d: {  	s2 =	sadd.s32 s2, s17  }
0x8e: {  	[smem:$0x3FBC] =	sst s2  }
0x8f: {  	_ = 	snop  }
0x90: {  	s2 =	sld [smem:$0x3FD0];
	(tm) =	ssettm $0x1  }
0x91: {  	s18 =	sld [smem:$0x3FFB];
	_ =	sdelay $0x3  }
0x92: {  	_ =	strace s18  }
0x93: {  	s3 =	sld [smem:$0x3FFC];
	_ =	sdelay $0x3  }
0x94: {  	_ =	strace s3  }
0x95: {  	s3 =	sld [smem:$0x3FFD];
	_ =	sdelay $0x3  }
0x96: {  	_ =	strace s3  }
0x97: {  	_ =	strace $0x8FFFFFFF  }
0x98: {  	s19 =	sld [smem:$0x3FDB];
	_ =	sdelay $0x1  }
0x99: {  	s4 =	simm.s32 $_scs_section_size  }
0x9a: {  	s5 =	simm.s32 $_size__tile_overlayer_lowered;
	s6 =	simm.s32 $_tile_overlayer_lowered  }
0x9b: {  	s22 =	simm.s32 $0x1BFF;
	s21 =	sshll.u32 s6, $0x1;
	s3 =	sadd.s32 s4, s19  }
0x9c: {  	s7 =	simm.s32 $0x0;
	s20 =	sshll.u32 s5, $0x1;
	s5 =	sadd.s32 s21, s3  }
0x9d: {  	[timem:s7], [sflag:s22] =	dma.local [hbm:s5], s20  }
0x9e: {  	_ =	swait.ge [sflag:s22], s20  }
0x9f: {  	s4 =	ssub.s32 $0x0, s20;
	[sflag:s22] =	ssyncset.done $0x0  }
0xa0: {  	[sflag:s22] =	ssyncadd.s32 s4;
	_ =	sdelay $0x1  }
0xa1: {  	s23 =	simm.s32 $0x1B8B  }
0xa2: {  	_ =	swait.ge [sflag:s23], $0x1  }
0xa3: {  	[sflag:s23] =	ssyncset.done $0x0  }
0xa4: {  	s25 =	simm.s32 $0x1B8E;
	s24 =	sld [smem:$0x3FFE];
	[sflag:s23] =	ssyncadd.s32 $0xFFFFFFFF  }
0xa5: {  	s26 =	simm.s32 $execute0_lowered;
	[smem:$0x3FD2] =	sst s25  }
0xa6: {  	s5 =	sshll.u32 s26, $0x1;
	_ =	strace $0x80000046;
	[dreg:$0x1] =	wrdreg $0xFFFFFFFF  }
0xa7: {  	s28 =	simm.s32 $_size_execute0_lowered;
	s3 =	sadd.s32 s3, s5;
	[dreg:$0x0] =	wrdreg $0x0  }
0xa8: {  	s5 =	sshll.u32 s28, $0x1;
	[dreg:$0x2] =	wrdreg s3  }
0xa9: {  	[dreg:$0x3] =	wrdreg s5  }
0xaa: {  	[dreg:$0x4] =	wrdreg $0xC0  }
0xab: {  	_ =	task [dreg:s7], $0x5FFFF  }
0xac: {  	[dreg:$0x1] =	wrdreg $0xFFFFFFFF  }
0xad: {  	[dreg:$0x0] =	wrdreg $0x60  }
0xae: {  	[dreg:$0x2] =	wrdreg s24  }
0xaf: {  	[dreg:$0x3] =	wrdreg s2  }
0xb0: {  	[dreg:$0x4] =	wrdreg $0x0  }
0xb1: {  	[dreg:$0x5] =	wrdreg $0x28000  }
0xb2: {  	[dreg:$0x6] =	wrdreg $0xA  }
0xb3: {  	_ =	task.clear_ibuf [dreg:s7], $0x7FFFF;
	_ =	strace $0x90000046  }
0xb4: {  	s29 =	simm.s32 $0xA;
	_ =	strace $0x80000048  }
0xb5: {  	_ =	swait.ge [sflag:s29], $0x1  }
0xb6: {  	[sflag:s29] =	ssyncadd.s32 $0xFFFFFFFF  }
0xb7: {  	_ =	strace $0x90000048  }
0xb8: {  	_ =	sfence  }
0xb9: {  	s30 =	sld [smem:$0x0];
	_ =	sdelay $0x2  }
0xba: {  	s31 =	sshll.u32 s1, $0xD;
	s1 =	sshrl.u32 s1, $0x2  }
0xbb: {  	s3 =	sand.u32 $0x4000, s31;
	s1 =	sadd.s32 s1, s30  }
0xbc: {  	s0 =	sor.u32 s3, s0;
	s1 =	sshll.u32 s1, $0x11  }
0xbd: {  	s0 =	sor.u32 s1, s0  }
0xbe: {  	s0 =	sadd.s32 $0x8F2B, s0  }
0xbf: {  	[sflag:s0] =	ssyncadd.remote.s32 $0x1  }
0xc0: {  	_ =	sfence.sel $0xFFFF  }
0xc1: {  	[dreg:$0x0] =	wrdreg $0xFFFFFFFF;
	(pc) =	sbr.abs _section_cstart, $3  }
0xc2: {  	[dreg:$0x1] =	wrdreg $0xFFFFFFFF  }
0xc3: {  	_ =	task.clear_ibuf [dreg:s7], $0x2FFFF;
	_ =	strace $0x9FFFFFFF  }
0xc4: {  	(tm) =	ssettm $0x7FFFFFFF  }
0xc5: {  	_ =	shalt  }
tec
execute0_lowered:
.L_overlay_start_1:
0x0: {  	(tag) =	ssettag $0x1  }
0x1: {  	s0 =	rddreg [dreg:$0x0]  }
0x2: {  	s1 =	rddreg [dreg:$0x1]  }
0x3: {  	s2 =	rddreg [dreg:$0x2];
	s4 =	srdreg.scid  }
0x4: {  	s12 =	stileid.u32;
	s3 =	rddreg [dreg:$0x3];
	s31 =	simm.s32 $0x5000  }
0x5: {  	s28 =	simm.s32 $0xA;
	s5 =	sand.u32 $0x1, s4;
	s6 =	smul.u32 $0x2800, s12  }
0x6: {  	s4 =	simm.s32 $0x0;
	s13 =	sadd.s32 $0xBE00, s0;
	s29 =	sadd.s32 $0x4F7C00, s0  }
0x7: {  	[smem:$0x7FF] =	sst s4;
	s8 =	ssub.s32 $0x2, s5;
	s10 =	sshll.u32 s5, $0x4  }
0x8: {  	_ =	strace $0x80000047;
	s9 =	sshrl.u32 s8, $0x1;
	s16 =	sor.u32 $0x500, s6  }
0x9: {  	s17 =	sadd.s32 s6, s2;
	s18 =	sadd.s32 $0xA00, s6;
	[dreg:$0x5] =	wrdreg s13  }
0xa: {  	s8 =	ssub.s32 s8, s9;
	s11 =	sadd.s32 s16, s2;
	[dreg:$0x6] =	wrdreg s17  }
0xb: {  	s9 =	sor.u32 s12, s10;
	s10 =	sadd.s32 s16, s3;
	[dreg:$0x7] =	wrdreg s11  }
0xc: {  	s20 =	sadd.s32 $0xF00, s6;
	s19 =	sadd.s32 s18, s2;
	[dreg:$0x8] =	wrdreg s10  }
0xd: {  	s22 =	sadd.s32 $0x1400, s6;
	s21 =	sadd.s32 s20, s2;
	[dreg:$0x9] =	wrdreg s19  }
0xe: {  	s26 =	smul.u32 $0x2710, s12;
	s23 =	sadd.s32 s22, s2;
	[dreg:$0xb] =	wrdreg s21  }
0xf: {  	s25 =	sadd.s32 $0x1900, s6;
	s24 =	sadd.s32 s22, s3;
	[dreg:$0xd] =	wrdreg s23  }
0x10: {  	s7 =	smul.u32 $0x28000, s5;
	s30 =	sadd.s32 s25, s2;
	[dreg:$0xe] =	wrdreg s24  }
0x11: {  	s5 =	smul.u32 $0x27100, s5;
	s22 =	sadd.s32 s6, s3;
	[dreg:$0xf] =	wrdreg s30  }
0x12: {  	s7 =	sadd.s32 s6, s7;
	s11 =	sadd.s32 s18, s3;
	[dreg:$0x12] =	wrdreg s22  }
0x13: {  	s12 =	sadd.s32 $0x1E00, s6;
	s10 =	sadd.s32 s20, s3;
	[dreg:$0xa] =	wrdreg s11  }
0x14: {  	s6 =	sadd.s32 $0x2300, s6;
	s15 =	sadd.s32 s12, s2;
	[dreg:$0xc] =	wrdreg s10  }
0x15: {  	s5 =	sadd.s32 s26, s5;
	s16 =	sadd.s32 s6, s2;
	[dreg:$0x13] =	wrdreg s15  }
0x16: {  	s7 =	sshrl.u32 s7, $0x3;
	s6 =	sadd.s32 s6, s3;
	[dreg:$0x15] =	wrdreg s16  }
0x17: {  	s14 =	smul.u32 $0x2710, s9;
	s10 =	sadd.s32 s25, s3;
	[dreg:$0x16] =	wrdreg s6  }
0x18: {  	s0 =	sadd.s32 s7, s0;
	s1 =	sadd.s32 s1, s7;
	[dreg:$0x10] =	wrdreg s10  }
0x19: {  	s25 =	smul.u32 $0x4E20, s9;
	s15 =	sadd.s32 $0x140, s5;
	[dreg:$0x11] =	wrdreg s1  }
0x1a: {  	s1 =	sadd.s32 s12, s3;
	s18 =	sadd.s32 $0x50, s14;
	s19 =	sshrl.u32 s14, $0x3  }
0x1b: {  	s23 =	sadd.s32 $0xA0, s14;
	s24 =	sadd.s32 $0xF0, s14;
	s0 =	sadd.s32 $0x15C00, s0  }
0x1c: {  	s10 =	sadd.s32 $0x370, s5;
	s12 =	sadd.s32 $0x230, s5;
	[dreg:$0x14] =	wrdreg s1  }
0x1d: {  	s20 =	sshrl.u32 s18, $0x3;
	s6 =	sadd.s32 s13, s19;
	[dreg:$0x19] =	wrdreg s23  }
0x1e: {  	s26 =	sshrl.u32 s23, $0x3;
	s1 =	sshll.u32 s18, $0x1;
	[dreg:$0x1a] =	wrdreg s24  }
0x1f: {  	s30 =	sshrl.u32 s24, $0x3;
	[dreg:$0x1f] =	wrdreg s0;
	s11 =	sshrl.u32 s10, $0x3  }
0x20: {  	s14 =	sshll.u32 s12, $0x1;
	s18 =	sshrl.u32 s15, $0x3;
	s19 =	sshll.u32 s15, $0x1  }
0x21: {  	s23 =	sadd.s32 $0x190, s5;
	s15 =	simm.s32 $0xE;
	[dreg:$0x17] =	wrdreg s6  }
0x22: {  	s10 =	simm.s32 $0x5C80;
	s21 =	sadd.s32 s13, s20;
	[smem:$0x7F3] =	sst s14  }
0x23: {  	s7 =	sadd.s32 s13, s26;
	s6 =	sadd.s32 s29, s25;
	[smem:$0x7F7] =	sst s19  }
0x24: {  	s1 =	sadd.s32 s29, s1;
	s20 =	sadd.s32 $0x1E0, s5;
	[dreg:$0x18] =	wrdreg s21  }
0x25: {  	s26 =	sshrl.u32 s23, $0x3;
	s19 =	simm.s32 $0x50;
	[dreg:$0x1b] =	wrdreg s7  }
0x26: {  	s14 =	simm.s32 $0x5140;
	s7 =	sadd.s32 s13, s30;
	[dreg:$0x1d] =	wrdreg s6  }
0x27: {  	[dreg:$0x1e] =	wrdreg s1;
	s1 =	smax.u32 s8, $0x1;
	s6 =	sadd.s32 $0x2D0, s5  }
0x28: {  	s8 =	sadd.s32 $0x320, s5;
	s21 =	sadd.s32 $0x280, s5;
	[dreg:$0x1c] =	wrdreg s7  }
0x29: {  	s24 =	sshrl.u32 s20, $0x3;
	s5 =	simm.s32 $0x6680;
	[smem:$0x7EF] =	sst s1  }
0x2a: {  	s7 =	sshll.u32 s6, $0x1;
	s0 =	sshrl.u32 s6, $0x3;
	s9 =	sshrl.u32 s8, $0x3  }
0x2b: {  	s1 =	sshrl.u32 s12, $0x3;
	s25 =	sadd.s32 s24, s13;
	[smem:$0x7FC] =	sst s21  }
0x2c: {  	s30 =	sshll.u32 s21, $0x1;
	s24 =	simm.s32 $0x5280;
	s8 =	simm.s32 $0x50A0  }
0x2d: {  	s12 =	simm.s32 $0xB;
	s6 =	simm.s32 $0x0;
	[smem:$0x7F0] =	sst s7  }
0x2e: {  	s21 =	simm.s32 $0x5780;
	s0 =	sadd.s32 s0, s13;
	[smem:$0x7F9] =	sst s25  }
0x2f: {  	s16 =	sadd.s32 s1, s13;
	s1 =	sshll.u32 s23, $0x1;
	[smem:$0x7FD] =	sst s30  }
0x30: {  	s7 =	simm.s32 $0x9;
	s23 =	simm.s32 $0xC;
	[smem:$0x7F1] =	sst s0  }
0x31: {  	s25 =	simm.s32 $0x50A0;
	s0 =	sadd.s32 s9, s13;
	[smem:$0x7F5] =	sst s16  }
0x32: {  	[smem:$0x7FA] =	sst s1;
	s1 =	simm.s32 $0x11;
	s9 =	simm.s32 $0x50F0  }
.Ltmp0:
0x33: {  	[smem:$0x7F2] =	sst s0;
	s0 =	sadd.s32 s11, s13;
	(pc) =	sbr.rel .LBB2_1-.Ltmp0, $4  }
0x34: {  	s16 =	simm.s32 $0xF;
	[smem:$0x7F4] =	sst s0;
	s0 =	sadd.s32 s18, s13  }
0x35: {  	s11 =	simm.s32 $0x6180;
	[smem:$0x7F6] =	sst s0;
	s0 =	sshll.u32 s20, $0x1  }
0x36: {  	s18 =	simm.s32 $0x10;
	[smem:$0x7F8] =	sst s0;
	s0 =	sadd.s32 s26, s13  }
0x37: {  	v0 =	vimm.f32 $0.0e+00;
	v1 =	vimm.f32 $1.000000000e+00;
	s13 =	simm.s32 $0xD;
	s26 =	simm.s32 $0x50F0;
	[smem:$0x7FB] =	sst s0  }
.LBB2_8:
0x38: {  	_ =	swait.ge [sflag:s18], $0x500  }
0x39: {  	[sflag:s18] =	ssyncset.done $0x0  }
0x3a: {  	[sflag:s18] =	ssyncadd.s32 $0xFFFFFB00  }
0x3b: {  	_ =	swait.ge [sflag:s18], $0x500  }
0x3c: {  	[sflag:s18] =	ssyncset.done $0x0  }
0x3d: {  	[sflag:s18] =	ssyncadd.s32 $0xFFFFFB00  }
0x3e: {  	_ =	swait.ge [sflag:s13], $0x500  }
0x3f: {  	[sflag:s13] =	ssyncset.done $0x0  }
0x40: {  	[sflag:s13] =	ssyncadd.s32 $0xFFFFFB00  }
0x41: {  	_ =	swait.ge [sflag:s13], $0x500  }
0x42: {  	[sflag:s13] =	ssyncset.done $0x0  }
0x43: {  	[sflag:s13] =	ssyncadd.s32 $0xFFFFFB00  }
0x44: {  	s0 =	stileid.u32;
	[bflag:$0x0] =	sbarrier.arrive $0xFFFF  }
0x45: {  	s0 =	sshll.u32 s0, $0x6;
	s17 =	rddreg [dreg:$0x6]  }
0x46: {  	s0 =	sor.u32 $0x1C11, s0;
	s6 =	rddreg [dreg:$0x11];
	s1 =	sshrl.u32 s17, $0x3  }
0x47: {  	[hbm:s6], [sflag:s0] =	dma.local [spmem:s1], $0x500  }
0x48: {  	s22 =	rddreg [dreg:$0x12]  }
0x49: {  	s1 =	simm.s32 $0x11;
	s6 =	rddreg [dreg:$0x1f];
	s9 =	sshrl.u32 s22, $0x3  }
0x4a: {  	[hbm:s6], [sflag:s0] =	dma.local [spmem:s9], $0x500  }
0x4b: {  	_ =	swait.ge [sflag:s1], $0x500  }
0x4c: {  	[sflag:s1] =	ssyncset.done $0x0  }
0x4d: {  	[sflag:s1] =	ssyncadd.s32 $0xFFFFFB00  }
0x4e: {  	_ =	swait.ge [sflag:s1], $0x500  }
0x4f: {  	s20 =	sld [smem:$0x7EE]  }
0x50: {  	s30 =	sld [smem:$0x7EF];
	_ =	sdelay $0x1  }
0x51: {  	s6 =	sadd.s32 $0x1, s20  }
0x52: {  	p0 =	sne.s32 s6, s30  }
.Ltmp1:
0x53: {  	_ = 	snop;
	(pc) =	sbr.rel @!p0 .LBB2_9-.Ltmp1, $3  }
0x54: {  	_ =	sdelay $0x1  }
0x55: {  	s31 =	simm.s32 $0x5000;
	[sflag:s1] =	ssyncset.done $0x0  }
0x56: {  	s8 =	simm.s32 $0x50A0;
	s9 =	simm.s32 $0x50F0;
	[sflag:s1] =	ssyncadd.s32 $0xFFFFFB00  }
.LBB2_1:
0x57: {  	[smem:$0x7EE] =	sst s6;
	s6 =	simm.s32 $0x0  }
.LBB2_2:
0x58: {  	p0 =	sne.s32 s6, $0x13C0  }
.Ltmp2:
0x59: {  	_ = 	snop;
	(pc) =	sbr.rel @p0 .LBB2_2-.Ltmp2, $3  }
0x5a: {  	_ =	sdelay $0x1  }
0x5b: {  	s20 =	sshra.s32 s6, $0x2  }
0x5c: {  	s6 =	sadd.s32 $0x40, s6;
	[tilespmem:s20+$0x5280] =	vst v0  }
0x5d: {  	s6 =	simm.s32 $0x40;
	s20 =	simm.s32 $0x0  }
.LBB2_4:
0x5e: {  	p0 =	sne.s32 s6, $0x13C0;
	[tilespmem:s20+$0x6680] =	vst v1;
	s20 =	smov.u32 s6;
	s6 =	sadd.s32 $0x40, s6  }
.Ltmp3:
0x5f: {  	(pc) =	sbr.rel @p0 .LBB2_4-.Ltmp3, $2  }
0x60: {  	_ =	sdelay $0x2  }
0x61: {  	s20 =	sshra.s32 s20, $0x2  }
0x62: {  	[tilespmem:s20+$0x6680] =	vst v1  }
0x63: {  	[spmem:s17] =	stream.linear.scatter [tilespmem:s24], [sflag:$0x11], $0x500, $0x38;
	[tilespmem:$0x6B80] =	vst v63  }
0x64: {  	_ = 	snop  }
0x65: {  	[spmem:s22] =	stream.linear.scatter [tilespmem:s24], [sflag:$0x11], $0x500, $0x38;
	[tilespmem:$0x6B80] =	vst v63  }
0x66: {  	s0 =	rddreg [dreg:$0x7]  }
0x67: {  	[spmem:s0] =	stream.linear.scatter [tilespmem:s24], [sflag:$0x11], $0x500, $0x38;
	[tilespmem:$0x6B80] =	vst v63  }
0x68: {  	s22 =	rddreg [dreg:$0x8]  }
0x69: {  	[spmem:s22] =	stream.linear.scatter [tilespmem:s24], [sflag:$0x11], $0x500, $0x38;
	[tilespmem:$0x6B80] =	vst v63  }
0x6a: {  	s6 =	rddreg [dreg:$0x9]  }
0x6b: {  	[spmem:s6] =	stream.linear.scatter [tilespmem:s24], [sflag:$0x11], $0x500, $0x38;
	[tilespmem:$0x6B80] =	vst v63  }
0x6c: {  	s17 =	rddreg [dreg:$0xa]  }
0x6d: {  	[spmem:s17] =	stream.linear.scatter [tilespmem:s24], [sflag:$0x11], $0x500, $0x38;
	[tilespmem:$0x6B80] =	vst v63  }
0x6e: {  	s20 =	rddreg [dreg:$0xb]  }
0x6f: {  	[spmem:s20] =	stream.linear.scatter [tilespmem:s24], [sflag:$0x11], $0x500, $0x38;
	[tilespmem:$0x6B80] =	vst v63  }
0x70: {  	s22 =	rddreg [dreg:$0xc]  }
0x71: {  	[spmem:s22] =	stream.linear.scatter [tilespmem:s24], [sflag:$0x11], $0x500, $0x38;
	[tilespmem:$0x6B80] =	vst v63  }
0x72: {  	s6 =	rddreg [dreg:$0xd]  }
0x73: {  	[spmem:s6] =	stream.linear.scatter [tilespmem:s24], [sflag:$0x11], $0x500, $0x38;
	[tilespmem:$0x6B80] =	vst v63  }
0x74: {  	s17 =	rddreg [dreg:$0xe]  }
0x75: {  	[spmem:s17] =	stream.linear.scatter [tilespmem:s24], [sflag:$0x11], $0x500, $0x38;
	[tilespmem:$0x6B80] =	vst v63  }
0x76: {  	s20 =	rddreg [dreg:$0xf]  }
0x77: {  	[spmem:s20] =	stream.linear.scatter [tilespmem:s24], [sflag:$0x11], $0x500, $0x38;
	[tilespmem:$0x6B80] =	vst v63  }
0x78: {  	s22 =	rddreg [dreg:$0x10]  }
0x79: {  	[spmem:s22] =	stream.linear.scatter [tilespmem:s24], [sflag:$0x11], $0x500, $0x38;
	[tilespmem:$0x6B80] =	vst v63  }
0x7a: {  	s6 =	rddreg [dreg:$0x13]  }
0x7b: {  	[spmem:s6] =	stream.linear.scatter [tilespmem:s24], [sflag:$0x11], $0x500, $0x38;
	[tilespmem:$0x6B80] =	vst v63  }
0x7c: {  	s17 =	rddreg [dreg:$0x14]  }
0x7d: {  	[spmem:s17] =	stream.linear.scatter [tilespmem:s24], [sflag:$0x11], $0x500, $0x38;
	[tilespmem:$0x6B80] =	vst v63  }
0x7e: {  	s20 =	rddreg [dreg:$0x15]  }
0x7f: {  	[spmem:s20] =	stream.linear.scatter [tilespmem:s24], [sflag:$0x11], $0x500, $0x38;
	[tilespmem:$0x6B80] =	vst v63  }
0x80: {  	s22 =	rddreg [dreg:$0x16]  }
0x81: {  	[spmem:s22] =	stream.linear.scatter [tilespmem:s24], [sflag:$0x11], $0x500, $0x38;
	[tilespmem:$0x6B80] =	vst v63  }
0x82: {  	_ =	swait.ge [sflag:s1], $0x500  }
0x83: {  	[sflag:s1] =	ssyncset.done $0x0  }
0x84: {  	[sflag:s1] =	ssyncadd.s32 $0xFFFFFB00  }
0x85: {  	_ =	swait.ge [sflag:s1], $0x500  }
0x86: {  	[sflag:s1] =	ssyncset.done $0x0  }
0x87: {  	[sflag:s1] =	ssyncadd.s32 $0xFFFFFB00  }
0x88: {  	_ =	swait.ge [sflag:s1], $0x500  }
0x89: {  	[sflag:s1] =	ssyncset.done $0x0  }
0x8a: {  	[sflag:s1] =	ssyncadd.s32 $0xFFFFFB00  }
0x8b: {  	_ =	swait.ge [sflag:s1], $0x500  }
0x8c: {  	[sflag:s1] =	ssyncset.done $0x0  }
0x8d: {  	[sflag:s1] =	ssyncadd.s32 $0xFFFFFB00  }
0x8e: {  	_ =	swait.ge [sflag:s1], $0x500  }
0x8f: {  	[sflag:s1] =	ssyncset.done $0x0  }
0x90: {  	[sflag:s1] =	ssyncadd.s32 $0xFFFFFB00  }
0x91: {  	_ =	swait.ge [sflag:s1], $0x500  }
0x92: {  	[sflag:s1] =	ssyncset.done $0x0  }
0x93: {  	[sflag:s1] =	ssyncadd.s32 $0xFFFFFB00  }
0x94: {  	_ =	swait.ge [sflag:s1], $0x500  }
0x95: {  	[sflag:s1] =	ssyncset.done $0x0  }
0x96: {  	[sflag:s1] =	ssyncadd.s32 $0xFFFFFB00  }
0x97: {  	_ =	swait.ge [sflag:s1], $0x500  }
0x98: {  	[sflag:s1] =	ssyncset.done $0x0  }
0x99: {  	[sflag:s1] =	ssyncadd.s32 $0xFFFFFB00  }
0x9a: {  	_ =	swait.ge [sflag:s1], $0x500  }
0x9b: {  	[sflag:s1] =	ssyncset.done $0x0  }
0x9c: {  	[sflag:s1] =	ssyncadd.s32 $0xFFFFFB00  }
0x9d: {  	_ =	swait.ge [sflag:s1], $0x500  }
0x9e: {  	[sflag:s1] =	ssyncset.done $0x0  }
0x9f: {  	[sflag:s1] =	ssyncadd.s32 $0xFFFFFB00  }
0xa0: {  	_ =	swait.ge [sflag:s1], $0x500  }
0xa1: {  	[sflag:s1] =	ssyncset.done $0x0  }
0xa2: {  	[sflag:s1] =	ssyncadd.s32 $0xFFFFFB00  }
0xa3: {  	_ =	swait.ge [sflag:s1], $0x500  }
0xa4: {  	[sflag:s1] =	ssyncset.done $0x0  }
0xa5: {  	[sflag:s1] =	ssyncadd.s32 $0xFFFFFB00  }
0xa6: {  	_ =	swait.ge [sflag:s1], $0x500  }
0xa7: {  	[sflag:s1] =	ssyncset.done $0x0  }
0xa8: {  	[sflag:s1] =	ssyncadd.s32 $0xFFFFFB00  }
0xa9: {  	_ =	swait.ge [sflag:s1], $0x500  }
0xaa: {  	[sflag:s1] =	ssyncset.done $0x0  }
0xab: {  	[sflag:s1] =	ssyncadd.s32 $0xFFFFFB00  }
0xac: {  	_ =	swait.ge [sflag:s1], $0x500  }
0xad: {  	[sflag:s1] =	ssyncset.done $0x0  }
0xae: {  	[sflag:s1] =	ssyncadd.s32 $0xFFFFFB00  }
0xaf: {  	_ =	swait.ge [sflag:s1], $0x500  }
0xb0: {  	[sflag:s1] =	ssyncset.done $0x0  }
0xb1: {  	[sflag:s1] =	ssyncadd.s32 $0xFFFFFB00  }
0xb2: {  	[bflag:$0x0] =	sbarrier.arrive $0xFFFF  }
0xb3: {  	s22 =	simm.s32 $0x0;
	s6 =	rddreg [dreg:$0x17]  }
0xb4: {  	[tilespmem:s31], [sflag:$0x1] =	stream.linear.gather [hbm4b:s6+s22], $0x50, $0x38;
	[tilespmem:$0x6B80] =	vst v63  }
0xb5: {  	s1 =	simm.s32 $0x5050;
	s17 =	rddreg [dreg:$0x18]  }
0xb6: {  	[tilespmem:s1], [sflag:$0x2] =	stream.linear.gather [hbm4b:s17+s22], $0x50, $0x38;
	[tilespmem:$0x6B80] =	vst v63  }
0xb7: {  	s20 =	rddreg [dreg:$0x1b]  }
0xb8: {  	[tilespmem:s8], [sflag:$0x3] =	stream.linear.gather [hbm4b:s20+s22], $0x50, $0x38;
	[tilespmem:$0x6B80] =	vst v63  }
0xb9: {  	s6 =	rddreg [dreg:$0x1c];
	s8 =	simm.s32 $0x1  }
0xba: {  	[tilespmem:s9], [sflag:$0x4] =	stream.linear.gather [hbm4b:s6+s22], $0x50, $0x38;
	[tilespmem:$0x6B80] =	vst v63  }
0xbb: {  	_ =	swait.ge [sflag:s8], $0x50  }
0xbc: {  	[sflag:s8] =	ssyncset.done $0x0  }
0xbd: {  	s17 =	simm.s32 $0x2;
	s9 =	rddreg [dreg:$0x1d];
	[sflag:s8] =	ssyncadd.s32 $0xFFFFFFB0  }
0xbe: {  	[tilespmem:s24], [sflag:$0x9] =	stream.linear.gather [hbm4b:s9+s22], $0x500, $0x38;
	[tilespmem:$0x6B80] =	vst v63  }
0xbf: {  	_ =	swait.ge [sflag:s17], $0x50  }
0xc0: {  	[sflag:s17] =	ssyncset.done $0x0  }
0xc1: {  	s9 =	simm.s32 $0x5780;
	s20 =	rddreg [dreg:$0x1e];
	[sflag:s17] =	ssyncadd.s32 $0xFFFFFFB0  }
0xc2: {  	[tilespmem:s9], [sflag:$0xA] =	stream.linear.gather [hbm4b:s20+s22], $0x500, $0x38;
	[tilespmem:$0x6B80] =	vst v63  }
0xc3: {  	s6 =	smov.u32 s29;
	s30 =	sld [smem:$0x7FC];
	s20 =	simm.s32 $0x6  }
.LBB2_6:
0xc4: {  	_ =	swait.ge [sflag:s7], $0x500  }
0xc5: {  	[sflag:s7] =	ssyncset.done $0x0  }
0xc6: {  	[sflag:s7] =	ssyncadd.s32 $0xFFFFFB00  }
0xc7: {  	[spmem:s2] =	stream.indirect.scatter.add.f32 [tilespmem:s24], [sflag:$0xD], $0x10, s31, s19, $0xb8;
	[tilespmem:$0x6B80] =	vst v63  }
0xc8: {  	p0 =	seq.s32 s22, $0x0  }
0xc9: {  	[spmem:s3] =	stream.indirect.scatter.add.f32 [tilespmem:s5], [sflag:$0xD], $0x10, s31, s19, $0xb8;
	[tilespmem:$0x6B80] =	vst v63  }
0xca: {  	s31 =	simm.s32 @!p0 $0xF  }
0xcb: {  	_ =	swait.ge @!p0 [sflag:s31], $0x500  }
0xcc: {  	[sflag:s31] =	ssyncset.done @!p0 $0x0  }
0xcd: {  	[sflag:s31] =	ssyncadd.s32 @!p0 $0xFFFFFB00  }
0xce: {  	_ =	swait.ge @!p0 [sflag:s31], $0x500  }
0xcf: {  	s17 =	sadd.s32 @!p0 $0xFFFFFE20, s30;
	[sflag:s31] =	ssyncset.done @!p0 $0x0  }
0xd0: {  	s0 =	rddreg [dreg:$0x19];
	[sflag:s31] =	ssyncadd.s32 @!p0 $0xFFFFFB00;
	s31 =	simm.s32 $0x3  }
0xd1: {  	s17 =	smov.u32 @p0 s0;
	_ =	swait.ge [sflag:s31], $0x50  }
0xd2: {  	s17 =	sshll.u32 s17, $0x1;
	[sflag:s31] =	ssyncset.done $0x0  }
0xd3: {  	s17 =	sand.u32 $0x1FFFFFE0, s17;
	[sflag:s31] =	ssyncadd.s32 $0xFFFFFFB0;
	s31 =	sld [smem:$0x7F6]  }
0xd4: {  	s17 =	sadd.s32 s29, s17  }
0xd5: {  	[tilespmem:s10], [sflag:$0xB] =	stream.linear.gather [hbm4b:s17+s4], $0x500, $0x38;
	[tilespmem:$0x6B80] =	vst v63  }
0xd6: {  	s0 =	sadd.s32 s22, s31  }
0xd7: {  	[tilespmem:s14], [sflag:$0x5] =	stream.linear.gather [hbm4b:s0+s4], $0x50, $0x38;
	[tilespmem:$0x6B80] =	vst v63  }
0xd8: {  	_ =	swait.ge [sflag:s28], $0x500  }
0xd9: {  	[sflag:s28] =	ssyncset.done $0x0  }
0xda: {  	[sflag:s28] =	ssyncadd.s32 $0xFFFFFB00  }
0xdb: {  	[spmem:s2] =	stream.indirect.scatter.add.f32 [tilespmem:s9], [sflag:$0xE], $0x10, s1, s19, $0xb8;
	[tilespmem:$0x6B80] =	vst v63  }
0xdc: {  	s17 =	simm.s32 @!p0 $0x10  }
0xdd: {  	[spmem:s3] =	stream.indirect.scatter.add.f32 [tilespmem:s5], [sflag:$0xE], $0x10, s1, s19, $0xb8;
	[tilespmem:$0x6B80] =	vst v63  }
0xde: {  	_ =	swait.ge @!p0 [sflag:s17], $0x500  }
0xdf: {  	[sflag:s17] =	ssyncset.done @!p0 $0x0  }
0xe0: {  	[sflag:s17] =	ssyncadd.s32 @!p0 $0xFFFFFB00  }
0xe1: {  	_ =	swait.ge @!p0 [sflag:s17], $0x500  }
0xe2: {  	s31 =	sadd.s32 @!p0 $0xFFFFFE70, s30;
	[sflag:s17] =	ssyncset.done @!p0 $0x0;
	s0 =	rddreg [dreg:$0x1a]  }
0xe3: {  	s9 =	simm.s32 $0x4;
	[sflag:s17] =	ssyncadd.s32 @!p0 $0xFFFFFB00;
	s31 =	smov.u32 @p0 s0  }
0xe4: {  	_ =	swait.ge [sflag:s9], $0x50;
	s1 =	sshll.u32 s31, $0x1  }
0xe5: {  	[sflag:s9] =	ssyncset.done $0x0;
	s17 =	sand.u32 $0x1FFFFFE0, s1;
	s0 =	sld [smem:$0x7FB]  }
0xe6: {  	[sflag:s9] =	ssyncadd.s32 $0xFFFFFFB0;
	s17 =	sadd.s32 s29, s17;
	s9 =	sadd.s32 $0xFFFFFFFF, s20  }
0xe7: {  	[tilespmem:s11], [sflag:$0xC] =	stream.linear.gather [hbm4b:s17+s4], $0x500, $0x38;
	[tilespmem:$0x6B80] =	vst v63  }
0xe8: {  	p0 =	sgt.u32 s9, $0x7C  }
0xe9: {  	s17 =	sadd.s32 @!p0 s22, s0;
	s31 =	simm.s32 @!p0 $0x0;
	s1 =	simm.s32 @!p0 $0x5190  }
0xea: {  	[tilespmem:s1], [sflag:$0x6] =	stream.linear.gather @!p0 [hbm4b:s17+s31], $0x50, $0x38;
	[tilespmem:$0x6B80] =	vst v63  }
0xeb: {  	_ =	swait.ge [sflag:s12], $0x500  }
0xec: {  	[sflag:s12] =	ssyncset.done $0x0  }
0xed: {  	[sflag:s12] =	ssyncadd.s32 $0xFFFFFB00  }
0xee: {  	[spmem:s2] =	stream.indirect.scatter.add.f32 [tilespmem:s10], [sflag:$0xF], $0x10, s25, s19, $0xb8;
	[tilespmem:$0x6B80] =	vst v63  }
0xef: {  	_ = 	snop  }
0xf0: {  	[spmem:s3] =	stream.indirect.scatter.add.f32 [tilespmem:s5], [sflag:$0xF], $0x10, s25, s19, $0xb8;
	[tilespmem:$0x6B80] =	vst v63  }
0xf1: {  	_ =	swait.ge [sflag:s13], $0x500  }
0xf2: {  	[sflag:s13] =	ssyncset.done $0x0  }
0xf3: {  	[sflag:s13] =	ssyncadd.s32 $0xFFFFFB00  }
0xf4: {  	_ =	swait.ge [sflag:s13], $0x500  }
0xf5: {  	[sflag:s13] =	ssyncset.done $0x0  }
0xf6: {  	s17 =	simm.s32 $0x5;
	[sflag:s13] =	ssyncadd.s32 $0xFFFFFB00  }
0xf7: {  	_ =	swait.ge [sflag:s17], $0x50  }
0xf8: {  	s1 =	sld [smem:$0x7F7];
	_ =	sdelay $0x1  }
0xf9: {  	[sflag:s17] =	ssyncset.done $0x0;
	s0 =	sld [smem:$0x7F9]  }
0xfa: {  	p1 =	sgt.u32 s20, $0x7C;
	[sflag:s17] =	ssyncadd.s32 $0xFFFFFFB0;
	s17 =	sadd.s32 s6, s1  }
0xfb: {  	[tilespmem:s24], [sflag:$0x9] =	stream.linear.gather [hbm4b:s17+s4], $0x500, $0x38;
	[tilespmem:$0x6B80] =	vst v63  }
0xfc: {  	s1 =	sadd.s32 @!p1 s22, s0;
	s0 =	simm.s32 @!p1 $0x51E0;
	s17 =	simm.s32 @!p1 $0x0  }
0xfd: {  	[tilespmem:s0], [sflag:$0x7] =	stream.linear.gather @!p1 [hbm4b:s1+s17], $0x50, $0x38;
	[tilespmem:$0x6B80] =	vst v63  }
0xfe: {  	_ =	swait.ge [sflag:s23], $0x500  }
0xff: {  	[sflag:s23] =	ssyncset.done $0x0  }
0x100: {  	[sflag:s23] =	ssyncadd.s32 $0xFFFFFB00  }
0x101: {  	[spmem:s2] =	stream.indirect.scatter.add.f32 [tilespmem:s11], [sflag:$0x10], $0x10, s26, s19, $0xb8;
	[tilespmem:$0x6B80] =	vst v63  }
0x102: {  	_ = 	snop  }
0x103: {  	[spmem:s3] =	stream.indirect.scatter.add.f32 [tilespmem:s5], [sflag:$0x10], $0x10, s26, s19, $0xb8;
	[tilespmem:$0x6B80] =	vst v63  }
0x104: {  	_ =	swait.ge [sflag:s15], $0x500  }
0x105: {  	[sflag:s15] =	ssyncset.done $0x0  }
0x106: {  	[sflag:s15] =	ssyncadd.s32 $0xFFFFFB00  }
0x107: {  	_ =	swait.ge [sflag:s15], $0x500  }
0x108: {  	[sflag:s15] =	ssyncset.done $0x0  }
0x109: {  	s0 =	simm.s32 @!p0 $0x6;
	[sflag:s15] =	ssyncadd.s32 $0xFFFFFB00  }
0x10a: {  	_ =	swait.ge @!p0 [sflag:s0], $0x50  }
0x10b: {  	[sflag:s0] =	ssyncset.done @!p0 $0x0  }
0x10c: {  	[sflag:s0] =	ssyncadd.s32 @!p0 $0xFFFFFFB0;
	s0 =	sld [smem:$0x7FA];
	_ =	sdelay $0x2  }
0x10d: {  	s1 =	simm.s32 @!p0 $0x5780;
	s0 =	sadd.s32 @!p0 s6, s0  }
0x10e: {  	[tilespmem:s1], [sflag:$0xA] =	stream.linear.gather @!p0 [hbm4b:s0+s31], $0x500, $0x38;
	[tilespmem:$0x6B80] =	vst v63  }
0x10f: {  	s0 =	sld [smem:$0x7F5];
	_ =	sdelay $0x2  }
0x110: {  	s1 =	simm.s32 @!p0 $0x5230;
	s0 =	sadd.s32 @!p0 s22, s0  }
0x111: {  	[tilespmem:s1], [sflag:$0x8] =	stream.linear.gather @!p0 [hbm4b:s0+s31], $0x50, $0x38;
	[tilespmem:$0x6B80] =	vst v63  }
0x112: {  	_ =	swait.ge [sflag:s7], $0x500  }
0x113: {  	[sflag:s7] =	ssyncset.done $0x0  }
0x114: {  	[sflag:s7] =	ssyncadd.s32 $0xFFFFFB00  }
0x115: {  	[spmem:s2] =	stream.indirect.scatter.add.f32 [tilespmem:s24], [sflag:$0xD], $0x10, s14, s19, $0xb8;
	[tilespmem:$0x6B80] =	vst v63  }
0x116: {  	_ = 	snop  }
0x117: {  	[spmem:s3] =	stream.indirect.scatter.add.f32 [tilespmem:s5], [sflag:$0xD], $0x10, s14, s19, $0xb8;
	[tilespmem:$0x6B80] =	vst v63  }
0x118: {  	_ =	swait.ge [sflag:s16], $0x500  }
0x119: {  	[sflag:s16] =	ssyncset.done $0x0  }
0x11a: {  	[sflag:s16] =	ssyncadd.s32 $0xFFFFFB00  }
0x11b: {  	_ =	swait.ge [sflag:s16], $0x500  }
0x11c: {  	[sflag:s16] =	ssyncset.done $0x0  }
0x11d: {  	s0 =	simm.s32 @!p1 $0x7;
	[sflag:s16] =	ssyncadd.s32 $0xFFFFFB00  }
0x11e: {  	_ =	swait.ge @!p1 [sflag:s0], $0x50  }
0x11f: {  	p0 =	seq.s32 s22, $0x4B0;
	[sflag:s0] =	ssyncset.done @!p1 $0x0  }
.Ltmp4:
0x120: {  	[sflag:s0] =	ssyncadd.s32 @!p1 $0xFFFFFFB0;
	s0 =	sld [smem:$0x7F8];
	(pc) =	sbr.rel @p0 .LBB2_8-.Ltmp4, $4  }
0x121: {  	_ = 	snop  }
0x122: {  	s8 =	simm.s32 $0x5000  }
0x123: {  	s9 =	simm.s32 $0x5050;
	s1 =	simm.s32 @!p1 $0x5C80;
	s0 =	sadd.s32 @!p1 s6, s0  }
0x124: {  	[tilespmem:s1], [sflag:$0xB] =	stream.linear.gather @!p1 [hbm4b:s0+s17], $0x500, $0x38;
	[tilespmem:$0x6B80] =	vst v63  }
0x125: {  	s0 =	sshrl.u32 s30, $0x3;
	s1 =	rddreg [dreg:$0x5]  }
0x126: {  	s0 =	sadd.s32 s1, s0  }
0x127: {  	[tilespmem:s8], [sflag:$0x1] =	stream.linear.gather [hbm4b:s0+s4], $0x50, $0x38;
	[tilespmem:$0x6B80] =	vst v63  }
0x128: {  	_ =	swait.ge [sflag:s28], $0x500  }
0x129: {  	[sflag:s28] =	ssyncset.done $0x0  }
0x12a: {  	s17 =	simm.s32 $0x5190;
	[sflag:s28] =	ssyncadd.s32 $0xFFFFFB00  }
0x12b: {  	[spmem:s2] =	stream.indirect.scatter.add.f32 [tilespmem:s21], [sflag:$0xE], $0x10, s17, s19, $0xb8;
	[tilespmem:$0x6B80] =	vst v63  }
0x12c: {  	_ = 	snop  }
0x12d: {  	[spmem:s3] =	stream.indirect.scatter.add.f32 [tilespmem:s5], [sflag:$0xE], $0x10, s17, s19, $0xb8;
	[tilespmem:$0x6B80] =	vst v63  }
0x12e: {  	_ =	swait.ge [sflag:s18], $0x500  }
0x12f: {  	[sflag:s18] =	ssyncset.done $0x0  }
0x130: {  	[sflag:s18] =	ssyncadd.s32 $0xFFFFFB00  }
0x131: {  	_ =	swait.ge [sflag:s18], $0x500  }
0x132: {  	[sflag:s18] =	ssyncset.done $0x0  }
0x133: {  	s1 =	simm.s32 $0x8;
	[sflag:s18] =	ssyncadd.s32 $0xFFFFFB00  }
0x134: {  	_ =	swait.ge [sflag:s1], $0x50  }
0x135: {  	s8 =	sld [smem:$0x7F3];
	_ =	sdelay $0x1  }
0x136: {  	[sflag:s1] =	ssyncset.done $0x0;
	s17 =	sld [smem:$0x7F1]  }
0x137: {  	[sflag:s1] =	ssyncadd.s32 $0xFFFFFFB0;
	s0 =	sadd.s32 s6, s8  }
0x138: {  	[tilespmem:s11], [sflag:$0xC] =	stream.linear.gather [hbm4b:s0+s4], $0x500, $0x38;
	[tilespmem:$0x6B80] =	vst v63  }
0x139: {  	s0 =	sadd.s32 s22, s17  }
0x13a: {  	[tilespmem:s9], [sflag:$0x2] =	stream.linear.gather [hbm4b:s0+s4], $0x50, $0x38;
	[tilespmem:$0x6B80] =	vst v63  }
0x13b: {  	_ =	swait.ge [sflag:s12], $0x500  }
0x13c: {  	[sflag:s12] =	ssyncset.done $0x0  }
0x13d: {  	s1 =	simm.s32 $0x51E0;
	[sflag:s12] =	ssyncadd.s32 $0xFFFFFB00  }
0x13e: {  	[spmem:s2] =	stream.indirect.scatter.add.f32 [tilespmem:s10], [sflag:$0xF], $0x10, s1, s19, $0xb8;
	[tilespmem:$0x6B80] =	vst v63  }
0x13f: {  	_ = 	snop  }
0x140: {  	[spmem:s3] =	stream.indirect.scatter.add.f32 [tilespmem:s5], [sflag:$0xF], $0x10, s1, s19, $0xb8;
	[tilespmem:$0x6B80] =	vst v63  }
0x141: {  	_ =	swait.ge [sflag:s13], $0x500  }
0x142: {  	[sflag:s13] =	ssyncset.done $0x0  }
0x143: {  	[sflag:s13] =	ssyncadd.s32 $0xFFFFFB00  }
0x144: {  	_ =	swait.ge [sflag:s13], $0x500  }
0x145: {  	[sflag:s13] =	ssyncset.done $0x0  }
0x146: {  	s8 =	simm.s32 $0x1;
	[sflag:s13] =	ssyncadd.s32 $0xFFFFFB00  }
0x147: {  	_ =	swait.ge [sflag:s8], $0x50  }
0x148: {  	s9 =	sld [smem:$0x7FD];
	_ =	sdelay $0x1  }
0x149: {  	[sflag:s8] =	ssyncset.done $0x0;
	s17 =	sld [smem:$0x7F2]  }
0x14a: {  	[sflag:s8] =	ssyncadd.s32 $0xFFFFFFB0;
	s0 =	sadd.s32 s6, s9  }
0x14b: {  	[tilespmem:s24], [sflag:$0x9] =	stream.linear.gather [hbm4b:s0+s4], $0x500, $0x38;
	[tilespmem:$0x6B80] =	vst v63  }
0x14c: {  	s0 =	sadd.s32 s22, s17  }
0x14d: {  	[tilespmem:s25], [sflag:$0x3] =	stream.linear.gather [hbm4b:s0+s4], $0x50, $0x38;
	[tilespmem:$0x6B80] =	vst v63  }
0x14e: {  	_ =	swait.ge [sflag:s23], $0x500  }
0x14f: {  	[sflag:s23] =	ssyncset.done $0x0  }
0x150: {  	s1 =	simm.s32 $0x5230;
	[sflag:s23] =	ssyncadd.s32 $0xFFFFFB00  }
0x151: {  	[spmem:s2] =	stream.indirect.scatter.add.f32 [tilespmem:s11], [sflag:$0x10], $0x10, s1, s19, $0xb8;
	[tilespmem:$0x6B80] =	vst v63  }
0x152: {  	_ = 	snop  }
0x153: {  	[spmem:s3] =	stream.indirect.scatter.add.f32 [tilespmem:s5], [sflag:$0x10], $0x10, s1, s19, $0xb8;
	[tilespmem:$0x6B80] =	vst v63  }
0x154: {  	_ =	swait.ge [sflag:s15], $0x500  }
0x155: {  	[sflag:s15] =	ssyncset.done $0x0  }
0x156: {  	[sflag:s15] =	ssyncadd.s32 $0xFFFFFB00  }
0x157: {  	_ =	swait.ge [sflag:s15], $0x500  }
0x158: {  	[sflag:s15] =	ssyncset.done $0x0  }
0x159: {  	s8 =	simm.s32 $0x2;
	[sflag:s15] =	ssyncadd.s32 $0xFFFFFB00  }
0x15a: {  	_ =	swait.ge [sflag:s8], $0x50  }
0x15b: {  	s30 =	sadd.s32 $0x280, s30;
	s9 =	sld [smem:$0x7F0]  }
0x15c: {  	s20 =	sadd.s32 $0x8, s20;
	s31 =	simm.s32 $0x5000;
	s1 =	simm.s32 $0x5050  }
.Ltmp5:
0x15d: {  	[sflag:s8] =	ssyncset.done $0x0;
	s17 =	sld [smem:$0x7F4];
	(pc) =	sbr.rel .LBB2_6-.Ltmp5, $4  }
0x15e: {  	[sflag:s8] =	ssyncadd.s32 $0xFFFFFFB0;
	s0 =	sadd.s32 s6, s9;
	s6 =	sadd.s32 $0x500, s6  }
0x15f: {  	[tilespmem:s21], [sflag:$0xA] =	stream.linear.gather [hbm4b:s0+s4], $0x500, $0x38;
	[tilespmem:$0x6B80] =	vst v63  }
0x160: {  	s9 =	simm.s32 $0x5780;
	s0 =	sadd.s32 s22, s17;
	s22 =	sadd.s32 $0x50, s22  }
0x161: {  	[tilespmem:s26], [sflag:$0x4] =	stream.linear.gather [hbm4b:s0+s4], $0x50, $0x38;
	[tilespmem:$0x6B80] =	vst v63  }
.LBB2_9:
0x162: {  	_ =	sfence.sel $0x180000  }
0x163: {  	[bflag:$0x0] =	sbarrier.arrive $0xFFFF  }
0x164: {  	_ =	strace $0x90000047  }
0x165: {  	s0 =	stileid.u32;
	[bflag:$0x2] =	sbarrier.arrive $0xFFFF  }
0x166: {  	p0 =	sne.s32 s0, $0x0;
	s0 =	rddreg [dreg:$0x4]  }
0x167: {  	s0 =	sadd.s32 @!p0 $0x100000, s0  }
0x168: {  	[sflag:s0] =	ssyncadd.tile.s32 @!p0 $0x1;
	_ =	shalt  }
.Lfunc_end2:
_tile_overlayer_lowered:
.L_overlay_start_2:
0x169: {  	(tag) =	ssettag $0x2  }
0x16a: {  	s0 =	rddreg [dreg:$0x0];
	s2 =	stileid.u32  }
0x16b: {  	s1 =	rddreg [dreg:$0x1];
	p0 =	sne.s32 s2, $0x0  }
0x16c: {  	s3 =	rddreg [dreg:$0x2];
	[bflag:$0x3] =	sbarrier.arrive $0xFFFF;
	s2 =	simm.s32 @!p0 $0x1C12  }
0x16d: {  	[timem:s3], [sflag:s2] =	dma.local @!p0 [hbm:s0], s1  }
0x16e: {  	s0 =	simm.s32 @!p0 $0x12  }
0x16f: {  	_ =	swait.ge @!p0 [sflag:s0], s1  }
0x170: {  	s1 =	ssub.s32 @!p0 $0x0, s1;
	[sflag:s0] =	ssyncset.done @!p0 $0x0  }
0x171: {  	[sflag:s0] =	ssyncadd.s32 @!p0 s1  }
0x172: {  	[bflag:$0x3] =	sbarrier.arrive $0xFFFF  }
0x173: {  	_ =	shalt  }

</sc_bundles>
